<compile_context>
chip_gen: v7x
topology: tpu7x:2x2x1
jax: 0.10.2.dev20260603
libtpu: 0.0.44.dev20260713+nightly
codegen_flags: <defaults>
</compile_context>

<pallas_src>
import functools

import jax
import jax.numpy as jnp
from jax import lax
from jax.experimental import pallas as pl
from jax.experimental.pallas import tpu as pltpu
from jax.experimental.pallas import tpu_sc as plsc

B, S, L = 1024, 20, 20
T = S * L
VOCAB, D, NCLASS = 100000, 128, 100
DV = D // 16

NC, NS = 2, 16
NW = NC * NS
BPW = B // NW
CH = 4
CHN = T // CH
GH = 8
NG = BPW // GH

_mesh = plsc.VectorSubcoreMesh(core_axis_name="c", subcore_axis_name="s")


@functools.partial(
    pl.kernel,
    mesh=_mesh,
    out_type=jax.ShapeDtypeStruct((B, D), jnp.float32),
    scratch_types=[
        pltpu.VMEM((2, GH, CH, CHN), jnp.int32),
        pltpu.VMEM((4, T // 2, D), jnp.float32),
        pltpu.VMEM((BPW, D), jnp.float32),
        pltpu.SemaphoreType.DMA,
        pltpu.SemaphoreType.DMA,
        pltpu.SemaphoreType.DMA,
        pltpu.SemaphoreType.DMA,
        pltpu.SemaphoreType.DMA,
    ],
)
def _pool(x_hbm, table_hbm, out_hbm, idx_v, rows_v, h_v,
          sem0, sem1, sem2, sem3, isem):
    wid = lax.axis_index("s") * NC + lax.axis_index("c")
    base = wid * BPW
    sems = (sem0, sem1, sem2, sem3)
    HR = T // 2
    HCH = CH // 2

    def fire(hr, buf):
        rb = hr // 2
        g = rb // GH
        i = rb - g * GH
        for c in range(HCH):
            pltpu.async_copy(
                table_hbm.at[idx_v.at[g & 1, i, (hr % 2) * HCH + c]],
                rows_v.at[buf, pl.ds(c * CHN, CHN)],
                sems[buf],
            )

    def drain(buf):
        pltpu.make_async_copy(
            table_hbm.at[pl.ds(0, HR)], rows_v.at[buf], sems[buf]
        ).wait()

    def reduce_half(buf, accs):
        def body(r, accs):
            return tuple(
                jnp.maximum(a, rows_v[buf, r, pl.ds(16 * d, 16)])
                for d, a in enumerate(accs)
            )
        return lax.fori_loop(0, HR, body, accs, unroll=8)

    pltpu.sync_copy(x_hbm.at[pl.ds(base, GH)], idx_v.at[0])
    pltpu.async_copy(x_hbm.at[pl.ds(base + GH, GH)], idx_v.at[1], isem)

    for k in range(4):
        fire(k, k)

    def body(g, carry):
        for k in range(4):
            hr = 4 * g + k
            drain(k)
            if k % 2 == 0:
                accs = tuple(
                    jnp.full((16,), -jnp.inf, jnp.float32) for _ in range(DV)
                )
            accs = reduce_half(k, accs)
            if k % 2 == 1:
                b = 2 * g + k // 2
                for d in range(DV):
                    h_v[b, pl.ds(16 * d, 16)] = accs[d]
            nh = hr + 4
            if k % 2 == 0:
                nrb = nh // 2

                @pl.when(jnp.logical_and(nrb % GH == 0,
                                         jnp.logical_and(nh % 2 == 0,
                                                         nh < 2 * BPW)))
                def _():
                    pltpu.make_async_copy(
                        x_hbm.at[pl.ds(0, GH)], idx_v.at[0], isem
                    ).wait()
                    gg = nrb // GH + 1

                    @pl.when(gg < NG)
                    def _():
                        pltpu.async_copy(
                            x_hbm.at[pl.ds(base + gg * GH, GH)],
                            idx_v.at[gg & 1],
                            isem,
                        )

            @pl.when(nh < 2 * BPW)
            def _():
                fire(nh, k)
        return carry

    lax.fori_loop(0, BPW // 2, body, 0)

    pltpu.sync_copy(h_v, out_hbm.at[pl.ds(base, BPW)])


def _fc_body(h_ref, w_ref, b_ref, o_ref):
    logits = lax.dot_general(
        h_ref[...], w_ref[...], (((1,), (1,)), ((), ())),
        preferred_element_type=jnp.float32,
    )
    o_ref[...] = jax.nn.sigmoid(logits + b_ref[...])


def _fc(h, W, b):
    return pl.pallas_call(
        _fc_body,
        out_shape=jax.ShapeDtypeStruct((B, NCLASS), jnp.float32),
    )(h, W, b.reshape(1, NCLASS))


def kernel(x, table, W, b):
    xi = x.astype(jnp.int32).reshape(B, CH, CHN)
    h = _pool(xi, table)
    return _fc(h, W, b)

# --- scband reference (transcript-rebuilt; emitter-appended) ---
"""Pipeline reference for scband-fast-text-16561393893422 (READ-ONLY COPY).

The authoritative reference and input builder live on the scoring server;
editing this copy changes nothing except your own understanding.
"""

import jax, jax.numpy as jnp
import numpy as np

B, S, L = 1024, 20, 20
VOCAB, D, NCLASS = 100000, 128, 100

def setup_inputs(seed: int = 0) -> dict:
    key = jax.random.key(seed)
    k1, k2, k3 = jax.random.split(key, 3)
    x = jax.random.randint(k1, (B, S, L), 0, VOCAB)
    table = jax.random.normal(k2, (VOCAB, D), dtype=jnp.float32) * 0.02
    W = jax.random.normal(k3, (NCLASS, D), dtype=jnp.float32) * 0.02
    b = jnp.zeros((NCLASS,), dtype=jnp.float32)
    return {"x": x, "table": table, "W": W, "b": b}

def reference(x, table, W, b):
    # nn.Embedding: gather rows -> [B, S, L, D]
    emb = jnp.take(table, x, axis=0)
    # F.max_pool2d(x, (L, 1)) on [B, S, L, D] -> max over dim -2 (L), then squeeze -> [B, S, D]
    h = jnp.max(emb, axis=2)
    # F.max_pool2d on [B, S, D] with kernel (S, 1) -> max over dim -2 (S), squeeze -> [B, D]
    h = jnp.max(h, axis=1)
    # nn.Linear: y = h @ W.T + b, then sigmoid
    logits = h @ W.T + b
    return jax.nn.sigmoid(logits)

if __name__ == "__main__":
    import jax
    _d = setup_inputs()
    print(jax.jit(kernel)(*tuple(_d.values())))

</pallas_src>

<mosaic_0001>
#map = affine_map<(d0, d1) -> (0, 0, 0)>
#map1 = affine_map<(d0, d1) -> (0, 0)>
module attributes {stable_mosaic.version = 14 : i64} {
  func.func @_pool(%arg0: i32, %arg1: i32, %arg2: memref<1024x4x100xi32, #tpu.memory_space<hbm>>, %arg3: memref<100000x128xf32, #tpu.memory_space<hbm>>, %arg4: memref<1024x128xf32, #tpu.memory_space<hbm>>, %arg5: memref<2x8x4x100xi32, #tpu.memory_space<vmem>>, %arg6: memref<4x200x128xf32, #tpu.memory_space<vmem>>, %arg7: memref<32x128xf32, #tpu.memory_space<vmem>>, %arg8: memref<!tpu.dma_semaphore, #tpu.memory_space<semaphore_mem>>, %arg9: memref<!tpu.dma_semaphore, #tpu.memory_space<semaphore_mem>>, %arg10: memref<!tpu.dma_semaphore, #tpu.memory_space<semaphore_mem>>, %arg11: memref<!tpu.dma_semaphore, #tpu.memory_space<semaphore_mem>>, %arg12: memref<!tpu.dma_semaphore, #tpu.memory_space<semaphore_mem>>) attributes {dimension_semantics = [#tpu.dimension_semantics<core_parallel>, #tpu.dimension_semantics<subcore_parallel>], iteration_bounds = array<i64: 2, 16>, scalar_prefetch = 0 : i64, scratch_operands = 8 : i64, tpu.core_type = #tpu.core_type<sc_vector_subcore>, window_params = [{transform_indices = #map}, {transform_indices = #map1}, {transform_indices = #map1}]} {
    %mul3A = arith.constant 2 : i32
    %mul3A_0 = arith.muli %arg1, %mul3A : i32
    %add3A = arith.addi %mul3A_0, %arg0 : i32
    %mul3A_1 = arith.constant 32 : i32
    %mul3A_2 = arith.muli %add3A, %mul3A_1 : i32
    %run_scoped3A = arith.constant 0 : i32
    "tpu.region"() ({
      %run_scoped3A_138 = tpu.sem_alloc : memref<!tpu.dma_semaphore, #tpu.memory_space<semaphore_mem>>
      %dma_start3A_139 = arith.constant 0 : i32
      %dma_start3A_140 = arith.constant 0 : i32
      %dma_start3A_141 = arith.constant 0 : i32
      %dma_start3A_142 = tpu.memref_slice %arg5[%run_scoped3A, %dma_start3A_139, %dma_start3A_140, %dma_start3A_141] : memref<2x8x4x100xi32, #tpu.memory_space<vmem>> -> memref<1x8x4x100xi32, #tpu.memory_space<vmem>>
      %dma_start3A_143 = tpu.memref_squeeze %dma_start3A_142 : memref<1x8x4x100xi32, #tpu.memory_space<vmem>> -> memref<8x4x100xi32, #tpu.memory_space<vmem>>
      %dma_start3A_144 = arith.constant 0 : i32
      %dma_start3A_145 = arith.constant 0 : i32
      %dma_start3A_146 = tpu.memref_slice %arg2[%mul3A_2, %dma_start3A_144, %dma_start3A_145] : memref<1024x4x100xi32, #tpu.memory_space<hbm>> -> memref<8x4x100xi32, #tpu.memory_space<hbm>>
      %dma_start3A_147 = arith.constant 0 : i32
      %dma_start3A_148 = arith.constant 0 : i32
      %dma_start3A_149 = arith.constant 0 : i32
      %dma_start3A_150 = tpu.memref_slice %arg5[%run_scoped3A, %dma_start3A_147, %dma_start3A_148, %dma_start3A_149] : memref<2x8x4x100xi32, #tpu.memory_space<vmem>> -> memref<1x8x4x100xi32, #tpu.memory_space<vmem>>
      %dma_start3A_151 = tpu.memref_squeeze %dma_start3A_150 : memref<1x8x4x100xi32, #tpu.memory_space<vmem>> -> memref<8x4x100xi32, #tpu.memory_space<vmem>>
      %dma_start3A_152 = arith.constant 0 : i32
      %dma_start3A_153 = arith.constant 0 : i32
      %dma_start3A_154 = tpu.memref_slice %arg2[%mul3A_2, %dma_start3A_152, %dma_start3A_153] : memref<1024x4x100xi32, #tpu.memory_space<hbm>> -> memref<8x4x100xi32, #tpu.memory_space<hbm>>
      tpu.enqueue_dma source(%dma_start3A_154 : memref<8x4x100xi32, #tpu.memory_space<hbm>>) target(%dma_start3A_151 : memref<8x4x100xi32, #tpu.memory_space<vmem>>) target_semaphore(%run_scoped3A_138 : memref<!tpu.dma_semaphore, #tpu.memory_space<semaphore_mem>>)
      %dma_wait3A = arith.constant 0 : i32
      %dma_wait3A_155 = arith.constant 0 : i32
      %dma_wait3A_156 = arith.constant 0 : i32
      %dma_wait3A_157 = tpu.memref_slice %arg5[%run_scoped3A, %dma_wait3A, %dma_wait3A_155, %dma_wait3A_156] : memref<2x8x4x100xi32, #tpu.memory_space<vmem>> -> memref<1x8x4x100xi32, #tpu.memory_space<vmem>>
      %dma_wait3A_158 = tpu.memref_squeeze %dma_wait3A_157 : memref<1x8x4x100xi32, #tpu.memory_space<vmem>> -> memref<8x4x100xi32, #tpu.memory_space<vmem>>
      %dma_wait3A_159 = arith.constant 0 : i32
      %dma_wait3A_160 = arith.constant 0 : i32
      %dma_wait3A_161 = tpu.memref_slice %arg2[%mul3A_2, %dma_wait3A_159, %dma_wait3A_160] : memref<1024x4x100xi32, #tpu.memory_space<hbm>> -> memref<8x4x100xi32, #tpu.memory_space<hbm>>
      %dma_wait3A_162 = arith.constant 0 : i32
      %dma_wait3A_163 = arith.constant 0 : i32
      %dma_wait3A_164 = arith.constant 0 : i32
      %dma_wait3A_165 = tpu.memref_slice %arg5[%run_scoped3A, %dma_wait3A_162, %dma_wait3A_163, %dma_wait3A_164] : memref<2x8x4x100xi32, #tpu.memory_space<vmem>> -> memref<1x8x4x100xi32, #tpu.memory_space<vmem>>
      %dma_wait3A_166 = tpu.memref_squeeze %dma_wait3A_165 : memref<1x8x4x100xi32, #tpu.memory_space<vmem>> -> memref<8x4x100xi32, #tpu.memory_space<vmem>>
      %dma_wait3A_167 = arith.constant 0 : i32
      %dma_wait3A_168 = arith.constant 0 : i32
      %dma_wait3A_169 = tpu.memref_slice %arg2[%mul3A_2, %dma_wait3A_167, %dma_wait3A_168] : memref<1024x4x100xi32, #tpu.memory_space<hbm>> -> memref<8x4x100xi32, #tpu.memory_space<hbm>>
      tpu.wait_dma2 semaphore(%run_scoped3A_138 : memref<!tpu.dma_semaphore, #tpu.memory_space<semaphore_mem>>) src(%dma_wait3A_169 : memref<8x4x100xi32, #tpu.memory_space<hbm>>) dst(%dma_wait3A_166 : memref<8x4x100xi32, #tpu.memory_space<vmem>>)
      tpu.yield
    }) : () -> ()
    %add3A_3 = arith.constant 8 : i32
    %add3A_4 = arith.addi %mul3A_2, %add3A_3 : i32
    %dma_start3A = arith.constant 1 : i32
    %dma_start3A_5 = arith.constant 0 : i32
    %dma_start3A_6 = arith.constant 0 : i32
    %dma_start3A_7 = arith.constant 0 : i32
    %dma_start3A_8 = tpu.memref_slice %arg5[%dma_start3A, %dma_start3A_5, %dma_start3A_6, %dma_start3A_7] : memref<2x8x4x100xi32, #tpu.memory_space<vmem>> -> memref<1x8x4x100xi32, #tpu.memory_space<vmem>>
    %dma_start3A_9 = tpu.memref_squeeze %dma_start3A_8 : memref<1x8x4x100xi32, #tpu.memory_space<vmem>> -> memref<8x4x100xi32, #tpu.memory_space<vmem>>
    %dma_start3A_10 = arith.constant 0 : i32
    %dma_start3A_11 = arith.constant 0 : i32
    %dma_start3A_12 = tpu.memref_slice %arg2[%add3A_4, %dma_start3A_10, %dma_start3A_11] : memref<1024x4x100xi32, #tpu.memory_space<hbm>> -> memref<8x4x100xi32, #tpu.memory_space<hbm>>
    %dma_start3A_13 = arith.constant 0 : i32
    %dma_start3A_14 = arith.constant 0 : i32
    %dma_start3A_15 = arith.constant 0 : i32
    %dma_start3A_16 = tpu.memref_slice %arg5[%dma_start3A, %dma_start3A_13, %dma_start3A_14, %dma_start3A_15] : memref<2x8x4x100xi32, #tpu.memory_space<vmem>> -> memref<1x8x4x100xi32, #tpu.memory_space<vmem>>
    %dma_start3A_17 = tpu.memref_squeeze %dma_start3A_16 : memref<1x8x4x100xi32, #tpu.memory_space<vmem>> -> memref<8x4x100xi32, #tpu.memory_space<vmem>>
    %dma_start3A_18 = arith.constant 0 : i32
    %dma_start3A_19 = arith.constant 0 : i32
    %dma_start3A_20 = tpu.memref_slice %arg2[%add3A_4, %dma_start3A_18, %dma_start3A_19] : memref<1024x4x100xi32, #tpu.memory_space<hbm>> -> memref<8x4x100xi32, #tpu.memory_space<hbm>>
    tpu.enqueue_dma source(%dma_start3A_20 : memref<8x4x100xi32, #tpu.memory_space<hbm>>) target(%dma_start3A_17 : memref<8x4x100xi32, #tpu.memory_space<vmem>>) target_semaphore(%arg12 : memref<!tpu.dma_semaphore, #tpu.memory_space<semaphore_mem>>)
    %dma_start3A_21 = arith.constant 0 : i32
    %dma_start3A_22 = arith.constant 0 : i32
    %dma_start3A_23 = arith.constant 0 : i32
    %dma_start3A_24 = arith.constant 0 : i32
    %dma_start3A_25 = arith.constant 0 : i32
    %dma_start3A_26 = arith.constant 0 : i32
    %dma_start3A_27 = tpu.memref_slice %arg6[%dma_start3A_24, %dma_start3A_25, %dma_start3A_26] : memref<4x200x128xf32, #tpu.memory_space<vmem>> -> memref<1x100x128xf32, #tpu.memory_space<vmem>>
    %dma_start3A_28 = tpu.memref_squeeze %dma_start3A_27 : memref<1x100x128xf32, #tpu.memory_space<vmem>> -> memref<100x128xf32, #tpu.memory_space<vmem>>
    %dma_start3A_29 = arith.constant 0 : i32
    %dma_start3A_30 = tpu.memref_slice %arg5[%dma_start3A_21, %dma_start3A_22, %dma_start3A_23, %dma_start3A_29] : memref<2x8x4x100xi32, #tpu.memory_space<vmem>> -> memref<1x1x1x100xi32, #tpu.memory_space<vmem>>
    %dma_start3A_31 = tpu.memref_squeeze %dma_start3A_30 : memref<1x1x1x100xi32, #tpu.memory_space<vmem>> -> memref<100xi32, #tpu.memory_space<vmem>>
    %dma_start3A_32 = arith.constant 0 : i32
    %dma_start3A_33 = arith.constant 0 : i32
    %dma_start3A_34 = tpu.memref_slice %arg3[%dma_start3A_32, %dma_start3A_33] : memref<100000x128xf32, #tpu.memory_space<hbm>> -> memref<100000x128xf32, #tpu.memory_space<hbm>>
    tpu.enqueue_indirect_dma source(%dma_start3A_34 : memref<100000x128xf32, #tpu.memory_space<hbm>>) target(%dma_start3A_28 : memref<100x128xf32, #tpu.memory_space<vmem>>) offsets(%dma_start3A_31 : memref<100xi32, #tpu.memory_space<vmem>>) semaphore(%arg8 : memref<!tpu.dma_semaphore, #tpu.memory_space<semaphore_mem>>)
    %dma_start3A_35 = arith.constant 0 : i32
    %dma_start3A_36 = arith.constant 0 : i32
    %dma_start3A_37 = arith.constant 1 : i32
    %dma_start3A_38 = arith.constant 0 : i32
    %dma_start3A_39 = arith.constant 100 : i32
    %dma_start3A_40 = arith.constant 0 : i32
    %dma_start3A_41 = tpu.memref_slice %arg6[%dma_start3A_38, %dma_start3A_39, %dma_start3A_40] : memref<4x200x128xf32, #tpu.memory_space<vmem>> -> memref<1x100x128xf32, #tpu.memory_space<vmem>>
    %dma_start3A_42 = tpu.memref_squeeze %dma_start3A_41 : memref<1x100x128xf32, #tpu.memory_space<vmem>> -> memref<100x128xf32, #tpu.memory_space<vmem>>
    %dma_start3A_43 = arith.constant 0 : i32
    %dma_start3A_44 = tpu.memref_slice %arg5[%dma_start3A_35, %dma_start3A_36, %dma_start3A_37, %dma_start3A_43] : memref<2x8x4x100xi32, #tpu.memory_space<vmem>> -> memref<1x1x1x100xi32, #tpu.memory_space<vmem>>
    %dma_start3A_45 = tpu.memref_squeeze %dma_start3A_44 : memref<1x1x1x100xi32, #tpu.memory_space<vmem>> -> memref<100xi32, #tpu.memory_space<vmem>>
    %dma_start3A_46 = arith.constant 0 : i32
    %dma_start3A_47 = arith.constant 0 : i32
    %dma_start3A_48 = tpu.memref_slice %arg3[%dma_start3A_46, %dma_start3A_47] : memref<100000x128xf32, #tpu.memory_space<hbm>> -> memref<100000x128xf32, #tpu.memory_space<hbm>>
    tpu.enqueue_indirect_dma source(%dma_start3A_48 : memref<100000x128xf32, #tpu.memory_space<hbm>>) target(%dma_start3A_42 : memref<100x128xf32, #tpu.memory_space<vmem>>) offsets(%dma_start3A_45 : memref<100xi32, #tpu.memory_space<vmem>>) semaphore(%arg8 : memref<!tpu.dma_semaphore, #tpu.memory_space<semaphore_mem>>)
    %dma_start3A_49 = arith.constant 0 : i32
    %dma_start3A_50 = arith.constant 0 : i32
    %dma_start3A_51 = arith.constant 2 : i32
    %dma_start3A_52 = arith.constant 1 : i32
    %dma_start3A_53 = arith.constant 0 : i32
    %dma_start3A_54 = arith.constant 0 : i32
    %dma_start3A_55 = tpu.memref_slice %arg6[%dma_start3A_52, %dma_start3A_53, %dma_start3A_54] : memref<4x200x128xf32, #tpu.memory_space<vmem>> -> memref<1x100x128xf32, #tpu.memory_space<vmem>>
    %dma_start3A_56 = tpu.memref_squeeze %dma_start3A_55 : memref<1x100x128xf32, #tpu.memory_space<vmem>> -> memref<100x128xf32, #tpu.memory_space<vmem>>
    %dma_start3A_57 = arith.constant 0 : i32
    %dma_start3A_58 = tpu.memref_slice %arg5[%dma_start3A_49, %dma_start3A_50, %dma_start3A_51, %dma_start3A_57] : memref<2x8x4x100xi32, #tpu.memory_space<vmem>> -> memref<1x1x1x100xi32, #tpu.memory_space<vmem>>
    %dma_start3A_59 = tpu.memref_squeeze %dma_start3A_58 : memref<1x1x1x100xi32, #tpu.memory_space<vmem>> -> memref<100xi32, #tpu.memory_space<vmem>>
    %dma_start3A_60 = arith.constant 0 : i32
    %dma_start3A_61 = arith.constant 0 : i32
    %dma_start3A_62 = tpu.memref_slice %arg3[%dma_start3A_60, %dma_start3A_61] : memref<100000x128xf32, #tpu.memory_space<hbm>> -> memref<100000x128xf32, #tpu.memory_space<hbm>>
    tpu.enqueue_indirect_dma source(%dma_start3A_62 : memref<100000x128xf32, #tpu.memory_space<hbm>>) target(%dma_start3A_56 : memref<100x128xf32, #tpu.memory_space<vmem>>) offsets(%dma_start3A_59 : memref<100xi32, #tpu.memory_space<vmem>>) semaphore(%arg9 : memref<!tpu.dma_semaphore, #tpu.memory_space<semaphore_mem>>)
    %dma_start3A_63 = arith.constant 0 : i32
    %dma_start3A_64 = arith.constant 0 : i32
    %dma_start3A_65 = arith.constant 3 : i32
    %dma_start3A_66 = arith.constant 1 : i32
    %dma_start3A_67 = arith.constant 100 : i32
    %dma_start3A_68 = arith.constant 0 : i32
    %dma_start3A_69 = tpu.memref_slice %arg6[%dma_start3A_66, %dma_start3A_67, %dma_start3A_68] : memref<4x200x128xf32, #tpu.memory_space<vmem>> -> memref<1x100x128xf32, #tpu.memory_space<vmem>>
    %dma_start3A_70 = tpu.memref_squeeze %dma_start3A_69 : memref<1x100x128xf32, #tpu.memory_space<vmem>> -> memref<100x128xf32, #tpu.memory_space<vmem>>
    %dma_start3A_71 = arith.constant 0 : i32
    %dma_start3A_72 = tpu.memref_slice %arg5[%dma_start3A_63, %dma_start3A_64, %dma_start3A_65, %dma_start3A_71] : memref<2x8x4x100xi32, #tpu.memory_space<vmem>> -> memref<1x1x1x100xi32, #tpu.memory_space<vmem>>
    %dma_start3A_73 = tpu.memref_squeeze %dma_start3A_72 : memref<1x1x1x100xi32, #tpu.memory_space<vmem>> -> memref<100xi32, #tpu.memory_space<vmem>>
    %dma_start3A_74 = arith.constant 0 : i32
    %dma_start3A_75 = arith.constant 0 : i32
    %dma_start3A_76 = tpu.memref_slice %arg3[%dma_start3A_74, %dma_start3A_75] : memref<100000x128xf32, #tpu.memory_space<hbm>> -> memref<100000x128xf32, #tpu.memory_space<hbm>>
    tpu.enqueue_indirect_dma source(%dma_start3A_76 : memref<100000x128xf32, #tpu.memory_space<hbm>>) target(%dma_start3A_70 : memref<100x128xf32, #tpu.memory_space<vmem>>) offsets(%dma_start3A_73 : memref<100xi32, #tpu.memory_space<vmem>>) semaphore(%arg9 : memref<!tpu.dma_semaphore, #tpu.memory_space<semaphore_mem>>)
    %dma_start3A_77 = arith.constant 0 : i32
    %dma_start3A_78 = arith.constant 1 : i32
    %dma_start3A_79 = arith.constant 0 : i32
    %dma_start3A_80 = arith.constant 2 : i32
    %dma_start3A_81 = arith.constant 0 : i32
    %dma_start3A_82 = arith.constant 0 : i32
    %dma_start3A_83 = tpu.memref_slice %arg6[%dma_start3A_80, %dma_start3A_81, %dma_start3A_82] : memref<4x200x128xf32, #tpu.memory_space<vmem>> -> memref<1x100x128xf32, #tpu.memory_space<vmem>>
    %dma_start3A_84 = tpu.memref_squeeze %dma_start3A_83 : memref<1x100x128xf32, #tpu.memory_space<vmem>> -> memref<100x128xf32, #tpu.memory_space<vmem>>
    %dma_start3A_85 = arith.constant 0 : i32
    %dma_start3A_86 = tpu.memref_slice %arg5[%dma_start3A_77, %dma_start3A_78, %dma_start3A_79, %dma_start3A_85] : memref<2x8x4x100xi32, #tpu.memory_space<vmem>> -> memref<1x1x1x100xi32, #tpu.memory_space<vmem>>
    %dma_start3A_87 = tpu.memref_squeeze %dma_start3A_86 : memref<1x1x1x100xi32, #tpu.memory_space<vmem>> -> memref<100xi32, #tpu.memory_space<vmem>>
    %dma_start3A_88 = arith.constant 0 : i32
    %dma_start3A_89 = arith.constant 0 : i32
    %dma_start3A_90 = tpu.memref_slice %arg3[%dma_start3A_88, %dma_start3A_89] : memref<100000x128xf32, #tpu.memory_space<hbm>> -> memref<100000x128xf32, #tpu.memory_space<hbm>>
    tpu.enqueue_indirect_dma source(%dma_start3A_90 : memref<100000x128xf32, #tpu.memory_space<hbm>>) target(%dma_start3A_84 : memref<100x128xf32, #tpu.memory_space<vmem>>) offsets(%dma_start3A_87 : memref<100xi32, #tpu.memory_space<vmem>>) semaphore(%arg10 : memref<!tpu.dma_semaphore, #tpu.memory_space<semaphore_mem>>)
    %dma_start3A_91 = arith.constant 0 : i32
    %dma_start3A_92 = arith.constant 1 : i32
    %dma_start3A_93 = arith.constant 1 : i32
    %dma_start3A_94 = arith.constant 2 : i32
    %dma_start3A_95 = arith.constant 100 : i32
    %dma_start3A_96 = arith.constant 0 : i32
    %dma_start3A_97 = tpu.memref_slice %arg6[%dma_start3A_94, %dma_start3A_95, %dma_start3A_96] : memref<4x200x128xf32, #tpu.memory_space<vmem>> -> memref<1x100x128xf32, #tpu.memory_space<vmem>>
    %dma_start3A_98 = tpu.memref_squeeze %dma_start3A_97 : memref<1x100x128xf32, #tpu.memory_space<vmem>> -> memref<100x128xf32, #tpu.memory_space<vmem>>
    %dma_start3A_99 = arith.constant 0 : i32
    %dma_start3A_100 = tpu.memref_slice %arg5[%dma_start3A_91, %dma_start3A_92, %dma_start3A_93, %dma_start3A_99] : memref<2x8x4x100xi32, #tpu.memory_space<vmem>> -> memref<1x1x1x100xi32, #tpu.memory_space<vmem>>
    %dma_start3A_101 = tpu.memref_squeeze %dma_start3A_100 : memref<1x1x1x100xi32, #tpu.memory_space<vmem>> -> memref<100xi32, #tpu.memory_space<vmem>>
    %dma_start3A_102 = arith.constant 0 : i32
    %dma_start3A_103 = arith.constant 0 : i32
    %dma_start3A_104 = tpu.memref_slice %arg3[%dma_start3A_102, %dma_start3A_103] : memref<100000x128xf32, #tpu.memory_space<hbm>> -> memref<100000x128xf32, #tpu.memory_space<hbm>>
    tpu.enqueue_indirect_dma source(%dma_start3A_104 : memref<100000x128xf32, #tpu.memory_space<hbm>>) target(%dma_start3A_98 : memref<100x128xf32, #tpu.memory_space<vmem>>) offsets(%dma_start3A_101 : memref<100xi32, #tpu.memory_space<vmem>>) semaphore(%arg10 : memref<!tpu.dma_semaphore, #tpu.memory_space<semaphore_mem>>)
    %dma_start3A_105 = arith.constant 0 : i32
    %dma_start3A_106 = arith.constant 1 : i32
    %dma_start3A_107 = arith.constant 2 : i32
    %dma_start3A_108 = arith.constant 3 : i32
    %dma_start3A_109 = arith.constant 0 : i32
    %dma_start3A_110 = arith.constant 0 : i32
    %dma_start3A_111 = tpu.memref_slice %arg6[%dma_start3A_108, %dma_start3A_109, %dma_start3A_110] : memref<4x200x128xf32, #tpu.memory_space<vmem>> -> memref<1x100x128xf32, #tpu.memory_space<vmem>>
    %dma_start3A_112 = tpu.memref_squeeze %dma_start3A_111 : memref<1x100x128xf32, #tpu.memory_space<vmem>> -> memref<100x128xf32, #tpu.memory_space<vmem>>
    %dma_start3A_113 = arith.constant 0 : i32
    %dma_start3A_114 = tpu.memref_slice %arg5[%dma_start3A_105, %dma_start3A_106, %dma_start3A_107, %dma_start3A_113] : memref<2x8x4x100xi32, #tpu.memory_space<vmem>> -> memref<1x1x1x100xi32, #tpu.memory_space<vmem>>
    %dma_start3A_115 = tpu.memref_squeeze %dma_start3A_114 : memref<1x1x1x100xi32, #tpu.memory_space<vmem>> -> memref<100xi32, #tpu.memory_space<vmem>>
    %dma_start3A_116 = arith.constant 0 : i32
    %dma_start3A_117 = arith.constant 0 : i32
    %dma_start3A_118 = tpu.memref_slice %arg3[%dma_start3A_116, %dma_start3A_117] : memref<100000x128xf32, #tpu.memory_space<hbm>> -> memref<100000x128xf32, #tpu.memory_space<hbm>>
    tpu.enqueue_indirect_dma source(%dma_start3A_118 : memref<100000x128xf32, #tpu.memory_space<hbm>>) target(%dma_start3A_112 : memref<100x128xf32, #tpu.memory_space<vmem>>) offsets(%dma_start3A_115 : memref<100xi32, #tpu.memory_space<vmem>>) semaphore(%arg11 : memref<!tpu.dma_semaphore, #tpu.memory_space<semaphore_mem>>)
    %dma_start3A_119 = arith.constant 0 : i32
    %dma_start3A_120 = arith.constant 1 : i32
    %dma_start3A_121 = arith.constant 3 : i32
    %dma_start3A_122 = arith.constant 3 : i32
    %dma_start3A_123 = arith.constant 100 : i32
    %dma_start3A_124 = arith.constant 0 : i32
    %dma_start3A_125 = tpu.memref_slice %arg6[%dma_start3A_122, %dma_start3A_123, %dma_start3A_124] : memref<4x200x128xf32, #tpu.memory_space<vmem>> -> memref<1x100x128xf32, #tpu.memory_space<vmem>>
    %dma_start3A_126 = tpu.memref_squeeze %dma_start3A_125 : memref<1x100x128xf32, #tpu.memory_space<vmem>> -> memref<100x128xf32, #tpu.memory_space<vmem>>
    %dma_start3A_127 = arith.constant 0 : i32
    %dma_start3A_128 = tpu.memref_slice %arg5[%dma_start3A_119, %dma_start3A_120, %dma_start3A_121, %dma_start3A_127] : memref<2x8x4x100xi32, #tpu.memory_space<vmem>> -> memref<1x1x1x100xi32, #tpu.memory_space<vmem>>
    %dma_start3A_129 = tpu.memref_squeeze %dma_start3A_128 : memref<1x1x1x100xi32, #tpu.memory_space<vmem>> -> memref<100xi32, #tpu.memory_space<vmem>>
    %dma_start3A_130 = arith.constant 0 : i32
    %dma_start3A_131 = arith.constant 0 : i32
    %dma_start3A_132 = tpu.memref_slice %arg3[%dma_start3A_130, %dma_start3A_131] : memref<100000x128xf32, #tpu.memory_space<hbm>> -> memref<100000x128xf32, #tpu.memory_space<hbm>>
    tpu.enqueue_indirect_dma source(%dma_start3A_132 : memref<100000x128xf32, #tpu.memory_space<hbm>>) target(%dma_start3A_126 : memref<100x128xf32, #tpu.memory_space<vmem>>) offsets(%dma_start3A_129 : memref<100xi32, #tpu.memory_space<vmem>>) semaphore(%arg11 : memref<!tpu.dma_semaphore, #tpu.memory_space<semaphore_mem>>)
    %scan3A = arith.constant 0 : i32
    %scan3A_133 = arith.constant 0 : i32
    %scan3A_134 = arith.constant 16 : i32
    %scan3A_135 = arith.addi %scan3A_133, %scan3A_134 : i32
    %scan3A_136 = arith.constant 1 : i32
    scf.for %scan3A_138 = %scan3A_133 to %scan3A_135 step %scan3A_136  : i32 {
      %mul3A_139 = arith.constant 4 : i32
      %mul3A_140 = arith.muli %mul3A_139, %scan3A_138 : i32
      %add3A_141 = arith.constant 0 : i32
      %add3A_142 = arith.addi %mul3A_140, %add3A_141 : i32
      %dma_wait3A = arith.constant 0 : i32
      %dma_wait3A_143 = arith.constant 0 : i32
      %dma_wait3A_144 = arith.constant 0 : i32
      %dma_wait3A_145 = tpu.memref_slice %arg6[%dma_wait3A, %dma_wait3A_143, %dma_wait3A_144] : memref<4x200x128xf32, #tpu.memory_space<vmem>> -> memref<1x200x128xf32, #tpu.memory_space<vmem>>
      %dma_wait3A_146 = tpu.memref_squeeze %dma_wait3A_145 : memref<1x200x128xf32, #tpu.memory_space<vmem>> -> memref<200x128xf32, #tpu.memory_space<vmem>>
      %dma_wait3A_147 = arith.constant 0 : i32
      %dma_wait3A_148 = arith.constant 0 : i32
      %dma_wait3A_149 = tpu.memref_slice %arg3[%dma_wait3A_147, %dma_wait3A_148] : memref<100000x128xf32, #tpu.memory_space<hbm>> -> memref<200x128xf32, #tpu.memory_space<hbm>>
      %dma_wait3A_150 = arith.constant 0 : i32
      %dma_wait3A_151 = arith.constant 0 : i32
      %dma_wait3A_152 = tpu.memref_slice %arg6[%dma_wait3A, %dma_wait3A_150, %dma_wait3A_151] : memref<4x200x128xf32, #tpu.memory_space<vmem>> -> memref<1x200x128xf32, #tpu.memory_space<vmem>>
      %dma_wait3A_153 = tpu.memref_squeeze %dma_wait3A_152 : memref<1x200x128xf32, #tpu.memory_space<vmem>> -> memref<200x128xf32, #tpu.memory_space<vmem>>
      %dma_wait3A_154 = arith.constant 0 : i32
      %dma_wait3A_155 = arith.constant 0 : i32
      %dma_wait3A_156 = tpu.memref_slice %arg3[%dma_wait3A_154, %dma_wait3A_155] : memref<100000x128xf32, #tpu.memory_space<hbm>> -> memref<200x128xf32, #tpu.memory_space<hbm>>
      tpu.wait_dma2 semaphore(%arg8 : memref<!tpu.dma_semaphore, #tpu.memory_space<semaphore_mem>>) src(%dma_wait3A_156 : memref<200x128xf32, #tpu.memory_space<hbm>>) dst(%dma_wait3A_153 : memref<200x128xf32, #tpu.memory_space<vmem>>)
      %broadcast_in_dim3A = arith.constant 0xFF800000 : f32
      %broadcast_in_dim3A_157 = vector.broadcast %broadcast_in_dim3A : f32 to vector<16xf32>
      %broadcast_in_dim3A_158 = arith.constant 0xFF800000 : f32
      %broadcast_in_dim3A_159 = vector.broadcast %broadcast_in_dim3A_158 : f32 to vector<16xf32>
      %broadcast_in_dim3A_160 = arith.constant 0xFF800000 : f32
      %broadcast_in_dim3A_161 = vector.broadcast %broadcast_in_dim3A_160 : f32 to vector<16xf32>
      %broadcast_in_dim3A_162 = arith.constant 0xFF800000 : f32
      %broadcast_in_dim3A_163 = vector.broadcast %broadcast_in_dim3A_162 : f32 to vector<16xf32>
      %broadcast_in_dim3A_164 = arith.constant 0xFF800000 : f32
      %broadcast_in_dim3A_165 = vector.broadcast %broadcast_in_dim3A_164 : f32 to vector<16xf32>
      %broadcast_in_dim3A_166 = arith.constant 0xFF800000 : f32
      %broadcast_in_dim3A_167 = vector.broadcast %broadcast_in_dim3A_166 : f32 to vector<16xf32>
      %broadcast_in_dim3A_168 = arith.constant 0xFF800000 : f32
      %broadcast_in_dim3A_169 = vector.broadcast %broadcast_in_dim3A_168 : f32 to vector<16xf32>
      %broadcast_in_dim3A_170 = arith.constant 0xFF800000 : f32
      %broadcast_in_dim3A_171 = vector.broadcast %broadcast_in_dim3A_170 : f32 to vector<16xf32>
      %scan3A_172 = arith.constant 0 : i32
      %scan3A_173 = arith.constant 200 : i32
      %scan3A_174 = arith.addi %scan3A_172, %scan3A_173 : i32
      %scan3A_175 = arith.constant 8 : i32
      %scan3A_176:8 = scf.for %scan3A_506 = %scan3A_172 to %scan3A_174 step %scan3A_175 iter_args(%scan3A_507 = %broadcast_in_dim3A_157, %scan3A_508 = %broadcast_in_dim3A_159, %scan3A_509 = %broadcast_in_dim3A_161, %scan3A_510 = %broadcast_in_dim3A_163, %scan3A_511 = %broadcast_in_dim3A_165, %scan3A_512 = %broadcast_in_dim3A_167, %scan3A_513 = %broadcast_in_dim3A_169, %scan3A_514 = %broadcast_in_dim3A_171) -> (vector<16xf32>, vector<16xf32>, vector<16xf32>, vector<16xf32>, vector<16xf32>, vector<16xf32>, vector<16xf32>, vector<16xf32>)  : i32 {
        %get3A = arith.constant 0 : i32
        %get3A_515 = arith.index_cast %get3A : i32 to index
        %get3A_516 = arith.index_cast %scan3A_506 : i32 to index
        %get3A_517 = arith.constant 0 : index
        %get3A_518 = tpu.vector_load %arg6[%get3A_515, %get3A_516, %get3A_517] {strides = array<i32>} : memref<4x200x128xf32, #tpu.memory_space<vmem>>, vector<1x1x16xf32>,
        %get3A_519 = vector.shape_cast %get3A_518 : vector<1x1x16xf32> to vector<16xf32>
        %max3A = arith.maximumf %scan3A_507, %get3A_519 : vector<16xf32>
        %get3A_520 = arith.constant 0 : i32
        %get3A_521 = arith.index_cast %get3A_520 : i32 to index
        %get3A_522 = arith.index_cast %scan3A_506 : i32 to index
        %get3A_523 = arith.constant 16 : index
        %get3A_524 = tpu.vector_load %arg6[%get3A_521, %get3A_522, %get3A_523] {strides = array<i32>} : memref<4x200x128xf32, #tpu.memory_space<vmem>>, vector<1x1x16xf32>,
        %get3A_525 = vector.shape_cast %get3A_524 : vector<1x1x16xf32> to vector<16xf32>
        %max3A_526 = arith.maximumf %scan3A_508, %get3A_525 : vector<16xf32>
        %get3A_527 = arith.constant 0 : i32
        %get3A_528 = arith.index_cast %get3A_527 : i32 to index
        %get3A_529 = arith.index_cast %scan3A_506 : i32 to index
        %get3A_530 = arith.constant 32 : index
        %get3A_531 = tpu.vector_load %arg6[%get3A_528, %get3A_529, %get3A_530] {strides = array<i32>} : memref<4x200x128xf32, #tpu.memory_space<vmem>>, vector<1x1x16xf32>,
        %get3A_532 = vector.shape_cast %get3A_531 : vector<1x1x16xf32> to vector<16xf32>
        %max3A_533 = arith.maximumf %scan3A_509, %get3A_532 : vector<16xf32>
        %get3A_534 = arith.constant 0 : i32
        %get3A_535 = arith.index_cast %get3A_534 : i32 to index
        %get3A_536 = arith.index_cast %scan3A_506 : i32 to index
        %get3A_537 = arith.constant 48 : index
        %get3A_538 = tpu.vector_load %arg6[%get3A_535, %get3A_536, %get3A_537] {strides = array<i32>} : memref<4x200x128xf32, #tpu.memory_space<vmem>>, vector<1x1x16xf32>,
        %get3A_539 = vector.shape_cast %get3A_538 : vector<1x1x16xf32> to vector<16xf32>
        %max3A_540 = arith.maximumf %scan3A_510, %get3A_539 : vector<16xf32>
        %get3A_541 = arith.constant 0 : i32
        %get3A_542 = arith.index_cast %get3A_541 : i32 to index
        %get3A_543 = arith.index_cast %scan3A_506 : i32 to index
        %get3A_544 = arith.constant 64 : index
        %get3A_545 = tpu.vector_load %arg6[%get3A_542, %get3A_543, %get3A_544] {strides = array<i32>} : memref<4x200x128xf32, #tpu.memory_space<vmem>>, vector<1x1x16xf32>,
        %get3A_546 = vector.shape_cast %get3A_545 : vector<1x1x16xf32> to vector<16xf32>
        %max3A_547 = arith.maximumf %scan3A_511, %get3A_546 : vector<16xf32>
        %get3A_548 = arith.constant 0 : i32
        %get3A_549 = arith.index_cast %get3A_548 : i32 to index
        %get3A_550 = arith.index_cast %scan3A_506 : i32 to index
        %get3A_551 = arith.constant 80 : index
        %get3A_552 = tpu.vector_load %arg6[%get3A_549, %get3A_550, %get3A_551] {strides = array<i32>} : memref<4x200x128xf32, #tpu.memory_space<vmem>>, vector<1x1x16xf32>,
        %get3A_553 = vector.shape_cast %get3A_552 : vector<1x1x16xf32> to vector<16xf32>
        %max3A_554 = arith.maximumf %scan3A_512, %get3A_553 : vector<16xf32>
        %get3A_555 = arith.constant 0 : i32
        %get3A_556 = arith.index_cast %get3A_555 : i32 to index
        %get3A_557 = arith.index_cast %scan3A_506 : i32 to index
        %get3A_558 = arith.constant 96 : index
        %get3A_559 = tpu.vector_load %arg6[%get3A_556, %get3A_557, %get3A_558] {strides = array<i32>} : memref<4x200x128xf32, #tpu.memory_space<vmem>>, vector<1x1x16xf32>,
        %get3A_560 = vector.shape_cast %get3A_559 : vector<1x1x16xf32> to vector<16xf32>
        %max3A_561 = arith.maximumf %scan3A_513, %get3A_560 : vector<16xf32>
        %get3A_562 = arith.constant 0 : i32
        %get3A_563 = arith.index_cast %get3A_562 : i32 to index
        %get3A_564 = arith.index_cast %scan3A_506 : i32 to index
        %get3A_565 = arith.constant 112 : index
        %get3A_566 = tpu.vector_load %arg6[%get3A_563, %get3A_564, %get3A_565] {strides = array<i32>} : memref<4x200x128xf32, #tpu.memory_space<vmem>>, vector<1x1x16xf32>,
        %get3A_567 = vector.shape_cast %get3A_566 : vector<1x1x16xf32> to vector<16xf32>
        %max3A_568 = arith.maximumf %scan3A_514, %get3A_567 : vector<16xf32>
        %scan3A_569 = arith.constant 1 : i32
        %scan3A_570 = arith.addi %scan3A_506, %scan3A_569 : i32
        %get3A_571 = arith.constant 0 : i32
        %get3A_572 = arith.index_cast %get3A_571 : i32 to index
        %get3A_573 = arith.index_cast %scan3A_570 : i32 to index
        %get3A_574 = arith.constant 0 : index
        %get3A_575 = tpu.vector_load %arg6[%get3A_572, %get3A_573, %get3A_574] {strides = array<i32>} : memref<4x200x128xf32, #tpu.memory_space<vmem>>, vector<1x1x16xf32>,
        %get3A_576 = vector.shape_cast %get3A_575 : vector<1x1x16xf32> to vector<16xf32>
        %max3A_577 = arith.maximumf %max3A, %get3A_576 : vector<16xf32>
        %get3A_578 = arith.constant 0 : i32
        %get3A_579 = arith.index_cast %get3A_578 : i32 to index
        %get3A_580 = arith.index_cast %scan3A_570 : i32 to index
        %get3A_581 = arith.constant 16 : index
        %get3A_582 = tpu.vector_load %arg6[%get3A_579, %get3A_580, %get3A_581] {strides = array<i32>} : memref<4x200x128xf32, #tpu.memory_space<vmem>>, vector<1x1x16xf32>,
        %get3A_583 = vector.shape_cast %get3A_582 : vector<1x1x16xf32> to vector<16xf32>
        %max3A_584 = arith.maximumf %max3A_526, %get3A_583 : vector<16xf32>
        %get3A_585 = arith.constant 0 : i32
        %get3A_586 = arith.index_cast %get3A_585 : i32 to index
        %get3A_587 = arith.index_cast %scan3A_570 : i32 to index
        %get3A_588 = arith.constant 32 : index
        %get3A_589 = tpu.vector_load %arg6[%get3A_586, %get3A_587, %get3A_588] {strides = array<i32>} : memref<4x200x128xf32, #tpu.memory_space<vmem>>, vector<1x1x16xf32>,
        %get3A_590 = vector.shape_cast %get3A_589 : vector<1x1x16xf32> to vector<16xf32>
        %max3A_591 = arith.maximumf %max3A_533, %get3A_590 : vector<16xf32>
        %get3A_592 = arith.constant 0 : i32
        %get3A_593 = arith.index_cast %get3A_592 : i32 to index
        %get3A_594 = arith.index_cast %scan3A_570 : i32 to index
        %get3A_595 = arith.constant 48 : index
        %get3A_596 = tpu.vector_load %arg6[%get3A_593, %get3A_594, %get3A_595] {strides = array<i32>} : memref<4x200x128xf32, #tpu.memory_space<vmem>>, vector<1x1x16xf32>,
        %get3A_597 = vector.shape_cast %get3A_596 : vector<1x1x16xf32> to vector<16xf32>
        %max3A_598 = arith.maximumf %max3A_540, %get3A_597 : vector<16xf32>
        %get3A_599 = arith.constant 0 : i32
        %get3A_600 = arith.index_cast %get3A_599 : i32 to index
        %get3A_601 = arith.index_cast %scan3A_570 : i32 to index
        %get3A_602 = arith.constant 64 : index
        %get3A_603 = tpu.vector_load %arg6[%get3A_600, %get3A_601, %get3A_602] {strides = array<i32>} : memref<4x200x128xf32, #tpu.memory_space<vmem>>, vector<1x1x16xf32>,
        %get3A_604 = vector.shape_cast %get3A_603 : vector<1x1x16xf32> to vector<16xf32>
        %max3A_605 = arith.maximumf %max3A_547, %get3A_604 : vector<16xf32>
        %get3A_606 = arith.constant 0 : i32
        %get3A_607 = arith.index_cast %get3A_606 : i32 to index
        %get3A_608 = arith.index_cast %scan3A_570 : i32 to index
        %get3A_609 = arith.constant 80 : index
        %get3A_610 = tpu.vector_load %arg6[%get3A_607, %get3A_608, %get3A_609] {strides = array<i32>} : memref<4x200x128xf32, #tpu.memory_space<vmem>>, vector<1x1x16xf32>,
        %get3A_611 = vector.shape_cast %get3A_610 : vector<1x1x16xf32> to vector<16xf32>
        %max3A_612 = arith.maximumf %max3A_554, %get3A_611 : vector<16xf32>
        %get3A_613 = arith.constant 0 : i32
        %get3A_614 = arith.index_cast %get3A_613 : i32 to index
        %get3A_615 = arith.index_cast %scan3A_570 : i32 to index
        %get3A_616 = arith.constant 96 : index
        %get3A_617 = tpu.vector_load %arg6[%get3A_614, %get3A_615, %get3A_616] {strides = array<i32>} : memref<4x200x128xf32, #tpu.memory_space<vmem>>, vector<1x1x16xf32>,
        %get3A_618 = vector.shape_cast %get3A_617 : vector<1x1x16xf32> to vector<16xf32>
        %max3A_619 = arith.maximumf %max3A_561, %get3A_618 : vector<16xf32>
        %get3A_620 = arith.constant 0 : i32
        %get3A_621 = arith.index_cast %get3A_620 : i32 to index
        %get3A_622 = arith.index_cast %scan3A_570 : i32 to index
        %get3A_623 = arith.constant 112 : index
        %get3A_624 = tpu.vector_load %arg6[%get3A_621, %get3A_622, %get3A_623] {strides = array<i32>} : memref<4x200x128xf32, #tpu.memory_space<vmem>>, vector<1x1x16xf32>,
        %get3A_625 = vector.shape_cast %get3A_624 : vector<1x1x16xf32> to vector<16xf32>
        %max3A_626 = arith.maximumf %max3A_568, %get3A_625 : vector<16xf32>
        %scan3A_627 = arith.constant 2 : i32
        %scan3A_628 = arith.addi %scan3A_506, %scan3A_627 : i32
        %get3A_629 = arith.constant 0 : i32
        %get3A_630 = arith.index_cast %get3A_629 : i32 to index
        %get3A_631 = arith.index_cast %scan3A_628 : i32 to index
        %get3A_632 = arith.constant 0 : index
        %get3A_633 = tpu.vector_load %arg6[%get3A_630, %get3A_631, %get3A_632] {strides = array<i32>} : memref<4x200x128xf32, #tpu.memory_space<vmem>>, vector<1x1x16xf32>,
        %get3A_634 = vector.shape_cast %get3A_633 : vector<1x1x16xf32> to vector<16xf32>
        %max3A_635 = arith.maximumf %max3A_577, %get3A_634 : vector<16xf32>
        %get3A_636 = arith.constant 0 : i32
        %get3A_637 = arith.index_cast %get3A_636 : i32 to index
        %get3A_638 = arith.index_cast %scan3A_628 : i32 to index
        %get3A_639 = arith.constant 16 : index
        %get3A_640 = tpu.vector_load %arg6[%get3A_637, %get3A_638, %get3A_639] {strides = array<i32>} : memref<4x200x128xf32, #tpu.memory_space<vmem>>, vector<1x1x16xf32>,
        %get3A_641 = vector.shape_cast %get3A_640 : vector<1x1x16xf32> to vector<16xf32>
        %max3A_642 = arith.maximumf %max3A_584, %get3A_641 : vector<16xf32>
        %get3A_643 = arith.constant 0 : i32
        %get3A_644 = arith.index_cast %get3A_643 : i32 to index
        %get3A_645 = arith.index_cast %scan3A_628 : i32 to index
        %get3A_646 = arith.constant 32 : index
        %get3A_647 = tpu.vector_load %arg6[%get3A_644, %get3A_645, %get3A_646] {strides = array<i32>} : memref<4x200x128xf32, #tpu.memory_space<vmem>>, vector<1x1x16xf32>,
        %get3A_648 = vector.shape_cast %get3A_647 : vector<1x1x16xf32> to vector<16xf32>
        %max3A_649 = arith.maximumf %max3A_591, %get3A_648 : vector<16xf32>
        %get3A_650 = arith.constant 0 : i32
        %get3A_651 = arith.index_cast %get3A_650 : i32 to index
        %get3A_652 = arith.index_cast %scan3A_628 : i32 to index
        %get3A_653 = arith.constant 48 : index
        %get3A_654 = tpu.vector_load %arg6[%get3A_651, %get3A_652, %get3A_653] {strides = array<i32>} : memref<4x200x128xf32, #tpu.memory_space<vmem>>, vector<1x1x16xf32>,
        %get3A_655 = vector.shape_cast %get3A_654 : vector<1x1x16xf32> to vector<16xf32>
        %max3A_656 = arith.maximumf %max3A_598, %get3A_655 : vector<16xf32>
        %get3A_657 = arith.constant 0 : i32
        %get3A_658 = arith.index_cast %get3A_657 : i32 to index
        %get3A_659 = arith.index_cast %scan3A_628 : i32 to index
        %get3A_660 = arith.constant 64 : index
        %get3A_661 = tpu.vector_load %arg6[%get3A_658, %get3A_659, %get3A_660] {strides = array<i32>} : memref<4x200x128xf32, #tpu.memory_space<vmem>>, vector<1x1x16xf32>,
        %get3A_662 = vector.shape_cast %get3A_661 : vector<1x1x16xf32> to vector<16xf32>
        %max3A_663 = arith.maximumf %max3A_605, %get3A_662 : vector<16xf32>
        %get3A_664 = arith.constant 0 : i32
        %get3A_665 = arith.index_cast %get3A_664 : i32 to index
        %get3A_666 = arith.index_cast %scan3A_628 : i32 to index
        %get3A_667 = arith.constant 80 : index
        %get3A_668 = tpu.vector_load %arg6[%get3A_665, %get3A_666, %get3A_667] {strides = array<i32>} : memref<4x200x128xf32, #tpu.memory_space<vmem>>, vector<1x1x16xf32>,
        %get3A_669 = vector.shape_cast %get3A_668 : vector<1x1x16xf32> to vector<16xf32>
        %max3A_670 = arith.maximumf %max3A_612, %get3A_669 : vector<16xf32>
        %get3A_671 = arith.constant 0 : i32
        %get3A_672 = arith.index_cast %get3A_671 : i32 to index
        %get3A_673 = arith.index_cast %scan3A_628 : i32 to index
        %get3A_674 = arith.constant 96 : index
        %get3A_675 = tpu.vector_load %arg6[%get3A_672, %get3A_673, %get3A_674] {strides = array<i32>} : memref<4x200x128xf32, #tpu.memory_space<vmem>>, vector<1x1x16xf32>,
        %get3A_676 = vector.shape_cast %get3A_675 : vector<1x1x16xf32> to vector<16xf32>
        %max3A_677 = arith.maximumf %max3A_619, %get3A_676 : vector<16xf32>
        %get3A_678 = arith.constant 0 : i32
        %get3A_679 = arith.index_cast %get3A_678 : i32 to index
        %get3A_680 = arith.index_cast %scan3A_628 : i32 to index
        %get3A_681 = arith.constant 112 : index
        %get3A_682 = tpu.vector_load %arg6[%get3A_679, %get3A_680, %get3A_681] {strides = array<i32>} : memref<4x200x128xf32, #tpu.memory_space<vmem>>, vector<1x1x16xf32>,
        %get3A_683 = vector.shape_cast %get3A_682 : vector<1x1x16xf32> to vector<16xf32>
        %max3A_684 = arith.maximumf %max3A_626, %get3A_683 : vector<16xf32>
        %scan3A_685 = arith.constant 3 : i32
        %scan3A_686 = arith.addi %scan3A_506, %scan3A_685 : i32
        %get3A_687 = arith.constant 0 : i32
        %get3A_688 = arith.index_cast %get3A_687 : i32 to index
        %get3A_689 = arith.index_cast %scan3A_686 : i32 to index
        %get3A_690 = arith.constant 0 : index
        %get3A_691 = tpu.vector_load %arg6[%get3A_688, %get3A_689, %get3A_690] {strides = array<i32>} : memref<4x200x128xf32, #tpu.memory_space<vmem>>, vector<1x1x16xf32>,
        %get3A_692 = vector.shape_cast %get3A_691 : vector<1x1x16xf32> to vector<16xf32>
        %max3A_693 = arith.maximumf %max3A_635, %get3A_692 : vector<16xf32>
        %get3A_694 = arith.constant 0 : i32
        %get3A_695 = arith.index_cast %get3A_694 : i32 to index
        %get3A_696 = arith.index_cast %scan3A_686 : i32 to index
        %get3A_697 = arith.constant 16 : index
        %get3A_698 = tpu.vector_load %arg6[%get3A_695, %get3A_696, %get3A_697] {strides = array<i32>} : memref<4x200x128xf32, #tpu.memory_space<vmem>>, vector<1x1x16xf32>,
        %get3A_699 = vector.shape_cast %get3A_698 : vector<1x1x16xf32> to vector<16xf32>
        %max3A_700 = arith.maximumf %max3A_642, %get3A_699 : vector<16xf32>
        %get3A_701 = arith.constant 0 : i32
        %get3A_702 = arith.index_cast %get3A_701 : i32 to index
        %get3A_703 = arith.index_cast %scan3A_686 : i32 to index
        %get3A_704 = arith.constant 32 : index
        %get3A_705 = tpu.vector_load %arg6[%get3A_702, %get3A_703, %get3A_704] {strides = array<i32>} : memref<4x200x128xf32, #tpu.memory_space<vmem>>, vector<1x1x16xf32>,
        %get3A_706 = vector.shape_cast %get3A_705 : vector<1x1x16xf32> to vector<16xf32>
        %max3A_707 = arith.maximumf %max3A_649, %get3A_706 : vector<16xf32>
        %get3A_708 = arith.constant 0 : i32
        %get3A_709 = arith.index_cast %get3A_708 : i32 to index
        %get3A_710 = arith.index_cast %scan3A_686 : i32 to index
        %get3A_711 = arith.constant 48 : index
        %get3A_712 = tpu.vector_load %arg6[%get3A_709, %get3A_710, %get3A_711] {strides = array<i32>} : memref<4x200x128xf32, #tpu.memory_space<vmem>>, vector<1x1x16xf32>,
        %get3A_713 = vector.shape_cast %get3A_712 : vector<1x1x16xf32> to vector<16xf32>
        %max3A_714 = arith.maximumf %max3A_656, %get3A_713 : vector<16xf32>
        %get3A_715 = arith.constant 0 : i32
        %get3A_716 = arith.index_cast %get3A_715 : i32 to index
        %get3A_717 = arith.index_cast %scan3A_686 : i32 to index
        %get3A_718 = arith.constant 64 : index
        %get3A_719 = tpu.vector_load %arg6[%get3A_716, %get3A_717, %get3A_718] {strides = array<i32>} : memref<4x200x128xf32, #tpu.memory_space<vmem>>, vector<1x1x16xf32>,
        %get3A_720 = vector.shape_cast %get3A_719 : vector<1x1x16xf32> to vector<16xf32>
        %max3A_721 = arith.maximumf %max3A_663, %get3A_720 : vector<16xf32>
        %get3A_722 = arith.constant 0 : i32
        %get3A_723 = arith.index_cast %get3A_722 : i32 to index
        %get3A_724 = arith.index_cast %scan3A_686 : i32 to index
        %get3A_725 = arith.constant 80 : index
        %get3A_726 = tpu.vector_load %arg6[%get3A_723, %get3A_724, %get3A_725] {strides = array<i32>} : memref<4x200x128xf32, #tpu.memory_space<vmem>>, vector<1x1x16xf32>,
        %get3A_727 = vector.shape_cast %get3A_726 : vector<1x1x16xf32> to vector<16xf32>
        %max3A_728 = arith.maximumf %max3A_670, %get3A_727 : vector<16xf32>
        %get3A_729 = arith.constant 0 : i32
        %get3A_730 = arith.index_cast %get3A_729 : i32 to index
        %get3A_731 = arith.index_cast %scan3A_686 : i32 to index
        %get3A_732 = arith.constant 96 : index
        %get3A_733 = tpu.vector_load %arg6[%get3A_730, %get3A_731, %get3A_732] {strides = array<i32>} : memref<4x200x128xf32, #tpu.memory_space<vmem>>, vector<1x1x16xf32>,
        %get3A_734 = vector.shape_cast %get3A_733 : vector<1x1x16xf32> to vector<16xf32>
        %max3A_735 = arith.maximumf %max3A_677, %get3A_734 : vector<16xf32>
        %get3A_736 = arith.constant 0 : i32
        %get3A_737 = arith.index_cast %get3A_736 : i32 to index
        %get3A_738 = arith.index_cast %scan3A_686 : i32 to index
        %get3A_739 = arith.constant 112 : index
        %get3A_740 = tpu.vector_load %arg6[%get3A_737, %get3A_738, %get3A_739] {strides = array<i32>} : memref<4x200x128xf32, #tpu.memory_space<vmem>>, vector<1x1x16xf32>,
        %get3A_741 = vector.shape_cast %get3A_740 : vector<1x1x16xf32> to vector<16xf32>
        %max3A_742 = arith.maximumf %max3A_684, %get3A_741 : vector<16xf32>
        %scan3A_743 = arith.constant 4 : i32
        %scan3A_744 = arith.addi %scan3A_506, %scan3A_743 : i32
        %get3A_745 = arith.constant 0 : i32
        %get3A_746 = arith.index_cast %get3A_745 : i32 to index
        %get3A_747 = arith.index_cast %scan3A_744 : i32 to index
        %get3A_748 = arith.constant 0 : index
        %get3A_749 = tpu.vector_load %arg6[%get3A_746, %get3A_747, %get3A_748] {strides = array<i32>} : memref<4x200x128xf32, #tpu.memory_space<vmem>>, vector<1x1x16xf32>,
        %get3A_750 = vector.shape_cast %get3A_749 : vector<1x1x16xf32> to vector<16xf32>
        %max3A_751 = arith.maximumf %max3A_693, %get3A_750 : vector<16xf32>
        %get3A_752 = arith.constant 0 : i32
        %get3A_753 = arith.index_cast %get3A_752 : i32 to index
        %get3A_754 = arith.index_cast %scan3A_744 : i32 to index
        %get3A_755 = arith.constant 16 : index
        %get3A_756 = tpu.vector_load %arg6[%get3A_753, %get3A_754, %get3A_755] {strides = array<i32>} : memref<4x200x128xf32, #tpu.memory_space<vmem>>, vector<1x1x16xf32>,
        %get3A_757 = vector.shape_cast %get3A_756 : vector<1x1x16xf32> to vector<16xf32>
        %max3A_758 = arith.maximumf %max3A_700, %get3A_757 : vector<16xf32>
        %get3A_759 = arith.constant 0 : i32
        %get3A_760 = arith.index_cast %get3A_759 : i32 to index
        %get3A_761 = arith.index_cast %scan3A_744 : i32 to index
        %get3A_762 = arith.constant 32 : index
        %get3A_763 = tpu.vector_load %arg6[%get3A_760, %get3A_761, %get3A_762] {strides = array<i32>} : memref<4x200x128xf32, #tpu.memory_space<vmem>>, vector<1x1x16xf32>,
        %get3A_764 = vector.shape_cast %get3A_763 : vector<1x1x16xf32> to vector<16xf32>
        %max3A_765 = arith.maximumf %max3A_707, %get3A_764 : vector<16xf32>
        %get3A_766 = arith.constant 0 : i32
        %get3A_767 = arith.index_cast %get3A_766 : i32 to index
        %get3A_768 = arith.index_cast %scan3A_744 : i32 to index
        %get3A_769 = arith.constant 48 : index
        %get3A_770 = tpu.vector_load %arg6[%get3A_767, %get3A_768, %get3A_769] {strides = array<i32>} : memref<4x200x128xf32, #tpu.memory_space<vmem>>, vector<1x1x16xf32>,
        %get3A_771 = vector.shape_cast %get3A_770 : vector<1x1x16xf32> to vector<16xf32>
        %max3A_772 = arith.maximumf %max3A_714, %get3A_771 : vector<16xf32>
        %get3A_773 = arith.constant 0 : i32
        %get3A_774 = arith.index_cast %get3A_773 : i32 to index
        %get3A_775 = arith.index_cast %scan3A_744 : i32 to index
        %get3A_776 = arith.constant 64 : index
        %get3A_777 = tpu.vector_load %arg6[%get3A_774, %get3A_775, %get3A_776] {strides = array<i32>} : memref<4x200x128xf32, #tpu.memory_space<vmem>>, vector<1x1x16xf32>,
        %get3A_778 = vector.shape_cast %get3A_777 : vector<1x1x16xf32> to vector<16xf32>
        %max3A_779 = arith.maximumf %max3A_721, %get3A_778 : vector<16xf32>
        %get3A_780 = arith.constant 0 : i32
        %get3A_781 = arith.index_cast %get3A_780 : i32 to index
        %get3A_782 = arith.index_cast %scan3A_744 : i32 to index
        %get3A_783 = arith.constant 80 : index
        %get3A_784 = tpu.vector_load %arg6[%get3A_781, %get3A_782, %get3A_783] {strides = array<i32>} : memref<4x200x128xf32, #tpu.memory_space<vmem>>, vector<1x1x16xf32>,
        %get3A_785 = vector.shape_cast %get3A_784 : vector<1x1x16xf32> to vector<16xf32>
        %max3A_786 = arith.maximumf %max3A_728, %get3A_785 : vector<16xf32>
        %get3A_787 = arith.constant 0 : i32
        %get3A_788 = arith.index_cast %get3A_787 : i32 to index
        %get3A_789 = arith.index_cast %scan3A_744 : i32 to index
        %get3A_790 = arith.constant 96 : index
        %get3A_791 = tpu.vector_load %arg6[%get3A_788, %get3A_789, %get3A_790] {strides = array<i32>} : memref<4x200x128xf32, #tpu.memory_space<vmem>>, vector<1x1x16xf32>,
        %get3A_792 = vector.shape_cast %get3A_791 : vector<1x1x16xf32> to vector<16xf32>
        %max3A_793 = arith.maximumf %max3A_735, %get3A_792 : vector<16xf32>
        %get3A_794 = arith.constant 0 : i32
        %get3A_795 = arith.index_cast %get3A_794 : i32 to index
        %get3A_796 = arith.index_cast %scan3A_744 : i32 to index
        %get3A_797 = arith.constant 112 : index
        %get3A_798 = tpu.vector_load %arg6[%get3A_795, %get3A_796, %get3A_797] {strides = array<i32>} : memref<4x200x128xf32, #tpu.memory_space<vmem>>, vector<1x1x16xf32>,
        %get3A_799 = vector.shape_cast %get3A_798 : vector<1x1x16xf32> to vector<16xf32>
        %max3A_800 = arith.maximumf %max3A_742, %get3A_799 : vector<16xf32>
        %scan3A_801 = arith.constant 5 : i32
        %scan3A_802 = arith.addi %scan3A_506, %scan3A_801 : i32
        %get3A_803 = arith.constant 0 : i32
        %get3A_804 = arith.index_cast %get3A_803 : i32 to index
        %get3A_805 = arith.index_cast %scan3A_802 : i32 to index
        %get3A_806 = arith.constant 0 : index
        %get3A_807 = tpu.vector_load %arg6[%get3A_804, %get3A_805, %get3A_806] {strides = array<i32>} : memref<4x200x128xf32, #tpu.memory_space<vmem>>, vector<1x1x16xf32>,
        %get3A_808 = vector.shape_cast %get3A_807 : vector<1x1x16xf32> to vector<16xf32>
        %max3A_809 = arith.maximumf %max3A_751, %get3A_808 : vector<16xf32>
        %get3A_810 = arith.constant 0 : i32
        %get3A_811 = arith.index_cast %get3A_810 : i32 to index
        %get3A_812 = arith.index_cast %scan3A_802 : i32 to index
        %get3A_813 = arith.constant 16 : index
        %get3A_814 = tpu.vector_load %arg6[%get3A_811, %get3A_812, %get3A_813] {strides = array<i32>} : memref<4x200x128xf32, #tpu.memory_space<vmem>>, vector<1x1x16xf32>,
        %get3A_815 = vector.shape_cast %get3A_814 : vector<1x1x16xf32> to vector<16xf32>
        %max3A_816 = arith.maximumf %max3A_758, %get3A_815 : vector<16xf32>
        %get3A_817 = arith.constant 0 : i32
        %get3A_818 = arith.index_cast %get3A_817 : i32 to index
        %get3A_819 = arith.index_cast %scan3A_802 : i32 to index
        %get3A_820 = arith.constant 32 : index
        %get3A_821 = tpu.vector_load %arg6[%get3A_818, %get3A_819, %get3A_820] {strides = array<i32>} : memref<4x200x128xf32, #tpu.memory_space<vmem>>, vector<1x1x16xf32>,
        %get3A_822 = vector.shape_cast %get3A_821 : vector<1x1x16xf32> to vector<16xf32>
        %max3A_823 = arith.maximumf %max3A_765, %get3A_822 : vector<16xf32>
        %get3A_824 = arith.constant 0 : i32
        %get3A_825 = arith.index_cast %get3A_824 : i32 to index
        %get3A_826 = arith.index_cast %scan3A_802 : i32 to index
        %get3A_827 = arith.constant 48 : index
        %get3A_828 = tpu.vector_load %arg6[%get3A_825, %get3A_826, %get3A_827] {strides = array<i32>} : memref<4x200x128xf32, #tpu.memory_space<vmem>>, vector<1x1x16xf32>,
        %get3A_829 = vector.shape_cast %get3A_828 : vector<1x1x16xf32> to vector<16xf32>
        %max3A_830 = arith.maximumf %max3A_772, %get3A_829 : vector<16xf32>
        %get3A_831 = arith.constant 0 : i32
        %get3A_832 = arith.index_cast %get3A_831 : i32 to index
        %get3A_833 = arith.index_cast %scan3A_802 : i32 to index
        %get3A_834 = arith.constant 64 : index
        %get3A_835 = tpu.vector_load %arg6[%get3A_832, %get3A_833, %get3A_834] {strides = array<i32>} : memref<4x200x128xf32, #tpu.memory_space<vmem>>, vector<1x1x16xf32>,
        %get3A_836 = vector.shape_cast %get3A_835 : vector<1x1x16xf32> to vector<16xf32>
        %max3A_837 = arith.maximumf %max3A_779, %get3A_836 : vector<16xf32>
        %get3A_838 = arith.constant 0 : i32
        %get3A_839 = arith.index_cast %get3A_838 : i32 to index
        %get3A_840 = arith.index_cast %scan3A_802 : i32 to index
        %get3A_841 = arith.constant 80 : index
        %get3A_842 = tpu.vector_load %arg6[%get3A_839, %get3A_840, %get3A_841] {strides = array<i32>} : memref<4x200x128xf32, #tpu.memory_space<vmem>>, vector<1x1x16xf32>,
        %get3A_843 = vector.shape_cast %get3A_842 : vector<1x1x16xf32> to vector<16xf32>
        %max3A_844 = arith.maximumf %max3A_786, %get3A_843 : vector<16xf32>
        %get3A_845 = arith.constant 0 : i32
        %get3A_846 = arith.index_cast %get3A_845 : i32 to index
        %get3A_847 = arith.index_cast %scan3A_802 : i32 to index
        %get3A_848 = arith.constant 96 : index
        %get3A_849 = tpu.vector_load %arg6[%get3A_846, %get3A_847, %get3A_848] {strides = array<i32>} : memref<4x200x128xf32, #tpu.memory_space<vmem>>, vector<1x1x16xf32>,
        %get3A_850 = vector.shape_cast %get3A_849 : vector<1x1x16xf32> to vector<16xf32>
        %max3A_851 = arith.maximumf %max3A_793, %get3A_850 : vector<16xf32>
        %get3A_852 = arith.constant 0 : i32
        %get3A_853 = arith.index_cast %get3A_852 : i32 to index
        %get3A_854 = arith.index_cast %scan3A_802 : i32 to index
        %get3A_855 = arith.constant 112 : index
        %get3A_856 = tpu.vector_load %arg6[%get3A_853, %get3A_854, %get3A_855] {strides = array<i32>} : memref<4x200x128xf32, #tpu.memory_space<vmem>>, vector<1x1x16xf32>,
        %get3A_857 = vector.shape_cast %get3A_856 : vector<1x1x16xf32> to vector<16xf32>
        %max3A_858 = arith.maximumf %max3A_800, %get3A_857 : vector<16xf32>
        %scan3A_859 = arith.constant 6 : i32
        %scan3A_860 = arith.addi %scan3A_506, %scan3A_859 : i32
        %get3A_861 = arith.constant 0 : i32
        %get3A_862 = arith.index_cast %get3A_861 : i32 to index
        %get3A_863 = arith.index_cast %scan3A_860 : i32 to index
        %get3A_864 = arith.constant 0 : index
        %get3A_865 = tpu.vector_load %arg6[%get3A_862, %get3A_863, %get3A_864] {strides = array<i32>} : memref<4x200x128xf32, #tpu.memory_space<vmem>>, vector<1x1x16xf32>,
        %get3A_866 = vector.shape_cast %get3A_865 : vector<1x1x16xf32> to vector<16xf32>
        %max3A_867 = arith.maximumf %max3A_809, %get3A_866 : vector<16xf32>
        %get3A_868 = arith.constant 0 : i32
        %get3A_869 = arith.index_cast %get3A_868 : i32 to index
        %get3A_870 = arith.index_cast %scan3A_860 : i32 to index
        %get3A_871 = arith.constant 16 : index
        %get3A_872 = tpu.vector_load %arg6[%get3A_869, %get3A_870, %get3A_871] {strides = array<i32>} : memref<4x200x128xf32, #tpu.memory_space<vmem>>, vector<1x1x16xf32>,
        %get3A_873 = vector.shape_cast %get3A_872 : vector<1x1x16xf32> to vector<16xf32>
        %max3A_874 = arith.maximumf %max3A_816, %get3A_873 : vector<16xf32>
        %get3A_875 = arith.constant 0 : i32
        %get3A_876 = arith.index_cast %get3A_875 : i32 to index
        %get3A_877 = arith.index_cast %scan3A_860 : i32 to index
        %get3A_878 = arith.constant 32 : index
        %get3A_879 = tpu.vector_load %arg6[%get3A_876, %get3A_877, %get3A_878] {strides = array<i32>} : memref<4x200x128xf32, #tpu.memory_space<vmem>>, vector<1x1x16xf32>,
        %get3A_880 = vector.shape_cast %get3A_879 : vector<1x1x16xf32> to vector<16xf32>
        %max3A_881 = arith.maximumf %max3A_823, %get3A_880 : vector<16xf32>
        %get3A_882 = arith.constant 0 : i32
        %get3A_883 = arith.index_cast %get3A_882 : i32 to index
        %get3A_884 = arith.index_cast %scan3A_860 : i32 to index
        %get3A_885 = arith.constant 48 : index
        %get3A_886 = tpu.vector_load %arg6[%get3A_883, %get3A_884, %get3A_885] {strides = array<i32>} : memref<4x200x128xf32, #tpu.memory_space<vmem>>, vector<1x1x16xf32>,
        %get3A_887 = vector.shape_cast %get3A_886 : vector<1x1x16xf32> to vector<16xf32>
        %max3A_888 = arith.maximumf %max3A_830, %get3A_887 : vector<16xf32>
        %get3A_889 = arith.constant 0 : i32
        %get3A_890 = arith.index_cast %get3A_889 : i32 to index
        %get3A_891 = arith.index_cast %scan3A_860 : i32 to index
        %get3A_892 = arith.constant 64 : index
        %get3A_893 = tpu.vector_load %arg6[%get3A_890, %get3A_891, %get3A_892] {strides = array<i32>} : memref<4x200x128xf32, #tpu.memory_space<vmem>>, vector<1x1x16xf32>,
        %get3A_894 = vector.shape_cast %get3A_893 : vector<1x1x16xf32> to vector<16xf32>
        %max3A_895 = arith.maximumf %max3A_837, %get3A_894 : vector<16xf32>
        %get3A_896 = arith.constant 0 : i32
        %get3A_897 = arith.index_cast %get3A_896 : i32 to index
        %get3A_898 = arith.index_cast %scan3A_860 : i32 to index
        %get3A_899 = arith.constant 80 : index
        %get3A_900 = tpu.vector_load %arg6[%get3A_897, %get3A_898, %get3A_899] {strides = array<i32>} : memref<4x200x128xf32, #tpu.memory_space<vmem>>, vector<1x1x16xf32>,
        %get3A_901 = vector.shape_cast %get3A_900 : vector<1x1x16xf32> to vector<16xf32>
        %max3A_902 = arith.maximumf %max3A_844, %get3A_901 : vector<16xf32>
        %get3A_903 = arith.constant 0 : i32
        %get3A_904 = arith.index_cast %get3A_903 : i32 to index
        %get3A_905 = arith.index_cast %scan3A_860 : i32 to index
        %get3A_906 = arith.constant 96 : index
        %get3A_907 = tpu.vector_load %arg6[%get3A_904, %get3A_905, %get3A_906] {strides = array<i32>} : memref<4x200x128xf32, #tpu.memory_space<vmem>>, vector<1x1x16xf32>,
        %get3A_908 = vector.shape_cast %get3A_907 : vector<1x1x16xf32> to vector<16xf32>
        %max3A_909 = arith.maximumf %max3A_851, %get3A_908 : vector<16xf32>
        %get3A_910 = arith.constant 0 : i32
        %get3A_911 = arith.index_cast %get3A_910 : i32 to index
        %get3A_912 = arith.index_cast %scan3A_860 : i32 to index
        %get3A_913 = arith.constant 112 : index
        %get3A_914 = tpu.vector_load %arg6[%get3A_911, %get3A_912, %get3A_913] {strides = array<i32>} : memref<4x200x128xf32, #tpu.memory_space<vmem>>, vector<1x1x16xf32>,
        %get3A_915 = vector.shape_cast %get3A_914 : vector<1x1x16xf32> to vector<16xf32>
        %max3A_916 = arith.maximumf %max3A_858, %get3A_915 : vector<16xf32>
        %scan3A_917 = arith.constant 7 : i32
        %scan3A_918 = arith.addi %scan3A_506, %scan3A_917 : i32
        %get3A_919 = arith.constant 0 : i32
        %get3A_920 = arith.index_cast %get3A_919 : i32 to index
        %get3A_921 = arith.index_cast %scan3A_918 : i32 to index
        %get3A_922 = arith.constant 0 : index
        %get3A_923 = tpu.vector_load %arg6[%get3A_920, %get3A_921, %get3A_922] {strides = array<i32>} : memref<4x200x128xf32, #tpu.memory_space<vmem>>, vector<1x1x16xf32>,
        %get3A_924 = vector.shape_cast %get3A_923 : vector<1x1x16xf32> to vector<16xf32>
        %max3A_925 = arith.maximumf %max3A_867, %get3A_924 : vector<16xf32>
        %get3A_926 = arith.constant 0 : i32
        %get3A_927 = arith.index_cast %get3A_926 : i32 to index
        %get3A_928 = arith.index_cast %scan3A_918 : i32 to index
        %get3A_929 = arith.constant 16 : index
        %get3A_930 = tpu.vector_load %arg6[%get3A_927, %get3A_928, %get3A_929] {strides = array<i32>} : memref<4x200x128xf32, #tpu.memory_space<vmem>>, vector<1x1x16xf32>,
        %get3A_931 = vector.shape_cast %get3A_930 : vector<1x1x16xf32> to vector<16xf32>
        %max3A_932 = arith.maximumf %max3A_874, %get3A_931 : vector<16xf32>
        %get3A_933 = arith.constant 0 : i32
        %get3A_934 = arith.index_cast %get3A_933 : i32 to index
        %get3A_935 = arith.index_cast %scan3A_918 : i32 to index
        %get3A_936 = arith.constant 32 : index
        %get3A_937 = tpu.vector_load %arg6[%get3A_934, %get3A_935, %get3A_936] {strides = array<i32>} : memref<4x200x128xf32, #tpu.memory_space<vmem>>, vector<1x1x16xf32>,
        %get3A_938 = vector.shape_cast %get3A_937 : vector<1x1x16xf32> to vector<16xf32>
        %max3A_939 = arith.maximumf %max3A_881, %get3A_938 : vector<16xf32>
        %get3A_940 = arith.constant 0 : i32
        %get3A_941 = arith.index_cast %get3A_940 : i32 to index
        %get3A_942 = arith.index_cast %scan3A_918 : i32 to index
        %get3A_943 = arith.constant 48 : index
        %get3A_944 = tpu.vector_load %arg6[%get3A_941, %get3A_942, %get3A_943] {strides = array<i32>} : memref<4x200x128xf32, #tpu.memory_space<vmem>>, vector<1x1x16xf32>,
        %get3A_945 = vector.shape_cast %get3A_944 : vector<1x1x16xf32> to vector<16xf32>
        %max3A_946 = arith.maximumf %max3A_888, %get3A_945 : vector<16xf32>
        %get3A_947 = arith.constant 0 : i32
        %get3A_948 = arith.index_cast %get3A_947 : i32 to index
        %get3A_949 = arith.index_cast %scan3A_918 : i32 to index
        %get3A_950 = arith.constant 64 : index
        %get3A_951 = tpu.vector_load %arg6[%get3A_948, %get3A_949, %get3A_950] {strides = array<i32>} : memref<4x200x128xf32, #tpu.memory_space<vmem>>, vector<1x1x16xf32>,
        %get3A_952 = vector.shape_cast %get3A_951 : vector<1x1x16xf32> to vector<16xf32>
        %max3A_953 = arith.maximumf %max3A_895, %get3A_952 : vector<16xf32>
        %get3A_954 = arith.constant 0 : i32
        %get3A_955 = arith.index_cast %get3A_954 : i32 to index
        %get3A_956 = arith.index_cast %scan3A_918 : i32 to index
        %get3A_957 = arith.constant 80 : index
        %get3A_958 = tpu.vector_load %arg6[%get3A_955, %get3A_956, %get3A_957] {strides = array<i32>} : memref<4x200x128xf32, #tpu.memory_space<vmem>>, vector<1x1x16xf32>,
        %get3A_959 = vector.shape_cast %get3A_958 : vector<1x1x16xf32> to vector<16xf32>
        %max3A_960 = arith.maximumf %max3A_902, %get3A_959 : vector<16xf32>
        %get3A_961 = arith.constant 0 : i32
        %get3A_962 = arith.index_cast %get3A_961 : i32 to index
        %get3A_963 = arith.index_cast %scan3A_918 : i32 to index
        %get3A_964 = arith.constant 96 : index
        %get3A_965 = tpu.vector_load %arg6[%get3A_962, %get3A_963, %get3A_964] {strides = array<i32>} : memref<4x200x128xf32, #tpu.memory_space<vmem>>, vector<1x1x16xf32>,
        %get3A_966 = vector.shape_cast %get3A_965 : vector<1x1x16xf32> to vector<16xf32>
        %max3A_967 = arith.maximumf %max3A_909, %get3A_966 : vector<16xf32>
        %get3A_968 = arith.constant 0 : i32
        %get3A_969 = arith.index_cast %get3A_968 : i32 to index
        %get3A_970 = arith.index_cast %scan3A_918 : i32 to index
        %get3A_971 = arith.constant 112 : index
        %get3A_972 = tpu.vector_load %arg6[%get3A_969, %get3A_970, %get3A_971] {strides = array<i32>} : memref<4x200x128xf32, #tpu.memory_space<vmem>>, vector<1x1x16xf32>,
        %get3A_973 = vector.shape_cast %get3A_972 : vector<1x1x16xf32> to vector<16xf32>
        %max3A_974 = arith.maximumf %max3A_916, %get3A_973 : vector<16xf32>
        scf.yield %max3A_925, %max3A_932, %max3A_939, %max3A_946, %max3A_953, %max3A_960, %max3A_967, %max3A_974 : vector<16xf32>, vector<16xf32>, vector<16xf32>, vector<16xf32>, vector<16xf32>, vector<16xf32>, vector<16xf32>, vector<16xf32>
      }
      %scan3A_177 = arith.constant 200 : i32
      %add3A_178 = arith.constant 4 : i32
      %add3A_179 = arith.addi %add3A_142, %add3A_178 : i32
      %jit3A = arith.constant 2 : i32
      %div3A = arith.divsi %add3A_179, %jit3A : i32
      %sign3A = arith.constant 0 : i32
      %sign3A_180 = arith.cmpi sgt, %add3A_179, %sign3A : i32
      %sign3A_181 = arith.extui %sign3A_180 : i1 to i32
      %sign3A_182 = arith.constant 0 : i32
      %sign3A_183 = arith.cmpi slt, %add3A_179, %sign3A_182 : i32
      %sign3A_184 = arith.extui %sign3A_183 : i1 to i32
      %sign3A_185 = arith.subi %sign3A_181, %sign3A_184 : i32
      %sign3A_186 = arith.constant 0 : i32
      %sign3A_187 = arith.cmpi sgt, %jit3A, %sign3A_186 : i32
      %sign3A_188 = arith.extui %sign3A_187 : i1 to i32
      %sign3A_189 = arith.constant 0 : i32
      %sign3A_190 = arith.cmpi slt, %jit3A, %sign3A_189 : i32
      %sign3A_191 = arith.extui %sign3A_190 : i1 to i32
      %sign3A_192 = arith.subi %sign3A_188, %sign3A_191 : i32
      %ne3A = arith.cmpi ne, %sign3A_185, %sign3A_192 : i32
      %rem3A = arith.remsi %add3A_179, %jit3A : i32
      %ne3A_193 = arith.constant 0 : i32
      %ne3A_194 = arith.cmpi ne, %rem3A, %ne3A_193 : i32
      %and3A = arith.andi %ne3A, %ne3A_194 : i1
      %sub3A = arith.constant 1 : i32
      %sub3A_195 = arith.subi %div3A, %sub3A : i32
      %select_n3A = arith.select %and3A, %sub3A_195, %div3A : i32
      %jit3A_196 = arith.constant 8 : i32
      %eq3A = arith.constant 0 : i32
      %eq3A_197 = arith.cmpi eq, %jit3A_196, %eq3A : i32
      %jit3A_198 = arith.constant 1 : i32
      %select_n3A_199 = arith.select %eq3A_197, %jit3A_198, %jit3A_196 : i32
      %rem3A_200 = arith.remsi %select_n3A, %select_n3A_199 : i32
      %ne3A_201 = arith.constant 0 : i32
      %ne3A_202 = arith.cmpi ne, %rem3A_200, %ne3A_201 : i32
      %lt3A = arith.constant 0 : i32
      %lt3A_203 = arith.cmpi slt, %rem3A_200, %lt3A : i32
      %lt3A_204 = arith.constant 0 : i32
      %lt3A_205 = arith.cmpi slt, %select_n3A_199, %lt3A_204 : i32
      %ne3A_206 = arith.xori %lt3A_203, %lt3A_205 : i1
      %and3A_207 = arith.andi %ne3A_206, %ne3A_202 : i1
      %add3A_208 = arith.addi %rem3A_200, %select_n3A_199 : i32
      %select_n3A_209 = arith.select %and3A_207, %add3A_208, %rem3A_200 : i32
      %eq3A_210 = arith.constant 0 : i32
      %eq3A_211 = arith.cmpi eq, %select_n3A_209, %eq3A_210 : i32
      %jit3A_212 = arith.constant 2 : i32
      %eq3A_213 = arith.constant 0 : i32
      %eq3A_214 = arith.cmpi eq, %jit3A_212, %eq3A_213 : i32
      %jit3A_215 = arith.constant 1 : i32
      %select_n3A_216 = arith.select %eq3A_214, %jit3A_215, %jit3A_212 : i32
      %rem3A_217 = arith.remsi %add3A_179, %select_n3A_216 : i32
      %ne3A_218 = arith.constant 0 : i32
      %ne3A_219 = arith.cmpi ne, %rem3A_217, %ne3A_218 : i32
      %lt3A_220 = arith.constant 0 : i32
      %lt3A_221 = arith.cmpi slt, %rem3A_217, %lt3A_220 : i32
      %lt3A_222 = arith.constant 0 : i32
      %lt3A_223 = arith.cmpi slt, %select_n3A_216, %lt3A_222 : i32
      %ne3A_224 = arith.xori %lt3A_221, %lt3A_223 : i1
      %and3A_225 = arith.andi %ne3A_224, %ne3A_219 : i1
      %add3A_226 = arith.addi %rem3A_217, %select_n3A_216 : i32
      %select_n3A_227 = arith.select %and3A_225, %add3A_226, %rem3A_217 : i32
      %eq3A_228 = arith.constant 0 : i32
      %eq3A_229 = arith.cmpi eq, %select_n3A_227, %eq3A_228 : i32
      %lt3A_230 = arith.constant 64 : i32
      %lt3A_231 = arith.cmpi slt, %add3A_179, %lt3A_230 : i32
      %and3A_232 = arith.andi %eq3A_229, %lt3A_231 : i1
      %and3A_233 = arith.andi %eq3A_211, %and3A_232 : i1
      %convert_element_type3A = arith.extui %and3A_233 : i1 to i32
      %cond3A = arith.constant 0 : i32
      %cond3A_234 = arith.cmpi ne, %convert_element_type3A, %cond3A : i32
      scf.if %cond3A_234 {
        %dma_wait3A_506 = arith.constant 0 : i32
        %dma_wait3A_507 = arith.constant 0 : i32
        %dma_wait3A_508 = arith.constant 0 : i32
        %dma_wait3A_509 = arith.constant 0 : i32
        %dma_wait3A_510 = tpu.memref_slice %arg5[%dma_wait3A_506, %dma_wait3A_507, %dma_wait3A_508, %dma_wait3A_509] : memref<2x8x4x100xi32, #tpu.memory_space<vmem>> -> memref<1x8x4x100xi32, #tpu.memory_space<vmem>>
        %dma_wait3A_511 = tpu.memref_squeeze %dma_wait3A_510 : memref<1x8x4x100xi32, #tpu.memory_space<vmem>> -> memref<8x4x100xi32, #tpu.memory_space<vmem>>
        %dma_wait3A_512 = arith.constant 0 : i32
        %dma_wait3A_513 = arith.constant 0 : i32
        %dma_wait3A_514 = arith.constant 0 : i32
        %dma_wait3A_515 = tpu.memref_slice %arg2[%dma_wait3A_512, %dma_wait3A_513, %dma_wait3A_514] : memref<1024x4x100xi32, #tpu.memory_space<hbm>> -> memref<8x4x100xi32, #tpu.memory_space<hbm>>
        %dma_wait3A_516 = arith.constant 0 : i32
        %dma_wait3A_517 = arith.constant 0 : i32
        %dma_wait3A_518 = arith.constant 0 : i32
        %dma_wait3A_519 = tpu.memref_slice %arg5[%dma_wait3A_506, %dma_wait3A_516, %dma_wait3A_517, %dma_wait3A_518] : memref<2x8x4x100xi32, #tpu.memory_space<vmem>> -> memref<1x8x4x100xi32, #tpu.memory_space<vmem>>
        %dma_wait3A_520 = tpu.memref_squeeze %dma_wait3A_519 : memref<1x8x4x100xi32, #tpu.memory_space<vmem>> -> memref<8x4x100xi32, #tpu.memory_space<vmem>>
        %dma_wait3A_521 = arith.constant 0 : i32
        %dma_wait3A_522 = arith.constant 0 : i32
        %dma_wait3A_523 = arith.constant 0 : i32
        %dma_wait3A_524 = tpu.memref_slice %arg2[%dma_wait3A_521, %dma_wait3A_522, %dma_wait3A_523] : memref<1024x4x100xi32, #tpu.memory_space<hbm>> -> memref<8x4x100xi32, #tpu.memory_space<hbm>>
        tpu.wait_dma2 semaphore(%arg12 : memref<!tpu.dma_semaphore, #tpu.memory_space<semaphore_mem>>) src(%dma_wait3A_524 : memref<8x4x100xi32, #tpu.memory_space<hbm>>) dst(%dma_wait3A_520 : memref<8x4x100xi32, #tpu.memory_space<vmem>>)
        %jit3A_525 = arith.constant 8 : i32
        %div3A_526 = arith.divsi %select_n3A, %jit3A_525 : i32
        %sign3A_527 = arith.constant 0 : i32
        %sign3A_528 = arith.cmpi sgt, %select_n3A, %sign3A_527 : i32
        %sign3A_529 = arith.extui %sign3A_528 : i1 to i32
        %sign3A_530 = arith.constant 0 : i32
        %sign3A_531 = arith.cmpi slt, %select_n3A, %sign3A_530 : i32
        %sign3A_532 = arith.extui %sign3A_531 : i1 to i32
        %sign3A_533 = arith.subi %sign3A_529, %sign3A_532 : i32
        %sign3A_534 = arith.constant 0 : i32
        %sign3A_535 = arith.cmpi sgt, %jit3A_525, %sign3A_534 : i32
        %sign3A_536 = arith.extui %sign3A_535 : i1 to i32
        %sign3A_537 = arith.constant 0 : i32
        %sign3A_538 = arith.cmpi slt, %jit3A_525, %sign3A_537 : i32
        %sign3A_539 = arith.extui %sign3A_538 : i1 to i32
        %sign3A_540 = arith.subi %sign3A_536, %sign3A_539 : i32
        %ne3A_541 = arith.cmpi ne, %sign3A_533, %sign3A_540 : i32
        %rem3A_542 = arith.remsi %select_n3A, %jit3A_525 : i32
        %ne3A_543 = arith.constant 0 : i32
        %ne3A_544 = arith.cmpi ne, %rem3A_542, %ne3A_543 : i32
        %and3A_545 = arith.andi %ne3A_541, %ne3A_544 : i1
        %sub3A_546 = arith.constant 1 : i32
        %sub3A_547 = arith.subi %div3A_526, %sub3A_546 : i32
        %select_n3A_548 = arith.select %and3A_545, %sub3A_547, %div3A_526 : i32
        %add3A_549 = arith.constant 1 : i32
        %add3A_550 = arith.addi %select_n3A_548, %add3A_549 : i32
        %lt3A_551 = arith.constant 4 : i32
        %lt3A_552 = arith.cmpi slt, %add3A_550, %lt3A_551 : i32
        %convert_element_type3A_553 = arith.extui %lt3A_552 : i1 to i32
        %cond3A_554 = arith.constant 0 : i32
        %cond3A_555 = arith.cmpi ne, %convert_element_type3A_553, %cond3A_554 : i32
        scf.if %cond3A_555 {
          %mul3A_556 = arith.constant 8 : i32
          %mul3A_557 = arith.muli %add3A_550, %mul3A_556 : i32
          %add3A_558 = arith.addi %mul3A_2, %mul3A_557 : i32
          %and3A_559 = arith.constant 1 : i32
          %and3A_560 = arith.andi %add3A_550, %and3A_559 : i32
          %dma_start3A_561 = arith.constant 0 : i32
          %dma_start3A_562 = arith.constant 0 : i32
          %dma_start3A_563 = arith.constant 0 : i32
          %dma_start3A_564 = tpu.memref_slice %arg5[%and3A_560, %dma_start3A_561, %dma_start3A_562, %dma_start3A_563] : memref<2x8x4x100xi32, #tpu.memory_space<vmem>> -> memref<1x8x4x100xi32, #tpu.memory_space<vmem>>
          %dma_start3A_565 = tpu.memref_squeeze %dma_start3A_564 : memref<1x8x4x100xi32, #tpu.memory_space<vmem>> -> memref<8x4x100xi32, #tpu.memory_space<vmem>>
          %dma_start3A_566 = arith.constant 0 : i32
          %dma_start3A_567 = arith.constant 0 : i32
          %dma_start3A_568 = tpu.memref_slice %arg2[%add3A_558, %dma_start3A_566, %dma_start3A_567] : memref<1024x4x100xi32, #tpu.memory_space<hbm>> -> memref<8x4x100xi32, #tpu.memory_space<hbm>>
          %dma_start3A_569 = arith.constant 0 : i32
          %dma_start3A_570 = arith.constant 0 : i32
          %dma_start3A_571 = arith.constant 0 : i32
          %dma_start3A_572 = tpu.memref_slice %arg5[%and3A_560, %dma_start3A_569, %dma_start3A_570, %dma_start3A_571] : memref<2x8x4x100xi32, #tpu.memory_space<vmem>> -> memref<1x8x4x100xi32, #tpu.memory_space<vmem>>
          %dma_start3A_573 = tpu.memref_squeeze %dma_start3A_572 : memref<1x8x4x100xi32, #tpu.memory_space<vmem>> -> memref<8x4x100xi32, #tpu.memory_space<vmem>>
          %dma_start3A_574 = arith.constant 0 : i32
          %dma_start3A_575 = arith.constant 0 : i32
          %dma_start3A_576 = tpu.memref_slice %arg2[%add3A_558, %dma_start3A_574, %dma_start3A_575] : memref<1024x4x100xi32, #tpu.memory_space<hbm>> -> memref<8x4x100xi32, #tpu.memory_space<hbm>>
          tpu.enqueue_dma source(%dma_start3A_576 : memref<8x4x100xi32, #tpu.memory_space<hbm>>) target(%dma_start3A_573 : memref<8x4x100xi32, #tpu.memory_space<vmem>>) target_semaphore(%arg12 : memref<!tpu.dma_semaphore, #tpu.memory_space<semaphore_mem>>)
        } else {
        }
      } else {
      }
      %lt3A_235 = arith.constant 64 : i32
      %lt3A_236 = arith.cmpi slt, %add3A_179, %lt3A_235 : i32
      %convert_element_type3A_237 = arith.extui %lt3A_236 : i1 to i32
      %cond3A_238 = arith.constant 0 : i32
      %cond3A_239 = arith.cmpi ne, %convert_element_type3A_237, %cond3A_238 : i32
      scf.if %cond3A_239 {
        %jit3A_506 = arith.constant 2 : i32
        %div3A_507 = arith.divsi %add3A_179, %jit3A_506 : i32
        %sign3A_508 = arith.constant 0 : i32
        %sign3A_509 = arith.cmpi sgt, %add3A_179, %sign3A_508 : i32
        %sign3A_510 = arith.extui %sign3A_509 : i1 to i32
        %sign3A_511 = arith.constant 0 : i32
        %sign3A_512 = arith.cmpi slt, %add3A_179, %sign3A_511 : i32
        %sign3A_513 = arith.extui %sign3A_512 : i1 to i32
        %sign3A_514 = arith.subi %sign3A_510, %sign3A_513 : i32
        %sign3A_515 = arith.constant 0 : i32
        %sign3A_516 = arith.cmpi sgt, %jit3A_506, %sign3A_515 : i32
        %sign3A_517 = arith.extui %sign3A_516 : i1 to i32
        %sign3A_518 = arith.constant 0 : i32
        %sign3A_519 = arith.cmpi slt, %jit3A_506, %sign3A_518 : i32
        %sign3A_520 = arith.extui %sign3A_519 : i1 to i32
        %sign3A_521 = arith.subi %sign3A_517, %sign3A_520 : i32
        %ne3A_522 = arith.cmpi ne, %sign3A_514, %sign3A_521 : i32
        %rem3A_523 = arith.remsi %add3A_179, %jit3A_506 : i32
        %ne3A_524 = arith.constant 0 : i32
        %ne3A_525 = arith.cmpi ne, %rem3A_523, %ne3A_524 : i32
        %and3A_526 = arith.andi %ne3A_522, %ne3A_525 : i1
        %sub3A_527 = arith.constant 1 : i32
        %sub3A_528 = arith.subi %div3A_507, %sub3A_527 : i32
        %select_n3A_529 = arith.select %and3A_526, %sub3A_528, %div3A_507 : i32
        %jit3A_530 = arith.constant 8 : i32
        %div3A_531 = arith.divsi %select_n3A_529, %jit3A_530 : i32
        %sign3A_532 = arith.constant 0 : i32
        %sign3A_533 = arith.cmpi sgt, %select_n3A_529, %sign3A_532 : i32
        %sign3A_534 = arith.extui %sign3A_533 : i1 to i32
        %sign3A_535 = arith.constant 0 : i32
        %sign3A_536 = arith.cmpi slt, %select_n3A_529, %sign3A_535 : i32
        %sign3A_537 = arith.extui %sign3A_536 : i1 to i32
        %sign3A_538 = arith.subi %sign3A_534, %sign3A_537 : i32
        %sign3A_539 = arith.constant 0 : i32
        %sign3A_540 = arith.cmpi sgt, %jit3A_530, %sign3A_539 : i32
        %sign3A_541 = arith.extui %sign3A_540 : i1 to i32
        %sign3A_542 = arith.constant 0 : i32
        %sign3A_543 = arith.cmpi slt, %jit3A_530, %sign3A_542 : i32
        %sign3A_544 = arith.extui %sign3A_543 : i1 to i32
        %sign3A_545 = arith.subi %sign3A_541, %sign3A_544 : i32
        %ne3A_546 = arith.cmpi ne, %sign3A_538, %sign3A_545 : i32
        %rem3A_547 = arith.remsi %select_n3A_529, %jit3A_530 : i32
        %ne3A_548 = arith.constant 0 : i32
        %ne3A_549 = arith.cmpi ne, %rem3A_547, %ne3A_548 : i32
        %and3A_550 = arith.andi %ne3A_546, %ne3A_549 : i1
        %sub3A_551 = arith.constant 1 : i32
        %sub3A_552 = arith.subi %div3A_531, %sub3A_551 : i32
        %select_n3A_553 = arith.select %and3A_550, %sub3A_552, %div3A_531 : i32
        %mul3A_554 = arith.constant 8 : i32
        %mul3A_555 = arith.muli %select_n3A_553, %mul3A_554 : i32
        %sub3A_556 = arith.subi %select_n3A_529, %mul3A_555 : i32
        %and3A_557 = arith.constant 1 : i32
        %and3A_558 = arith.andi %select_n3A_553, %and3A_557 : i32
        %jit3A_559 = arith.constant 2 : i32
        %eq3A_560 = arith.constant 0 : i32
        %eq3A_561 = arith.cmpi eq, %jit3A_559, %eq3A_560 : i32
        %jit3A_562 = arith.constant 1 : i32
        %select_n3A_563 = arith.select %eq3A_561, %jit3A_562, %jit3A_559 : i32
        %rem3A_564 = arith.remsi %add3A_179, %select_n3A_563 : i32
        %ne3A_565 = arith.constant 0 : i32
        %ne3A_566 = arith.cmpi ne, %rem3A_564, %ne3A_565 : i32
        %lt3A_567 = arith.constant 0 : i32
        %lt3A_568 = arith.cmpi slt, %rem3A_564, %lt3A_567 : i32
        %lt3A_569 = arith.constant 0 : i32
        %lt3A_570 = arith.cmpi slt, %select_n3A_563, %lt3A_569 : i32
        %ne3A_571 = arith.xori %lt3A_568, %lt3A_570 : i1
        %and3A_572 = arith.andi %ne3A_571, %ne3A_566 : i1
        %add3A_573 = arith.addi %rem3A_564, %select_n3A_563 : i32
        %select_n3A_574 = arith.select %and3A_572, %add3A_573, %rem3A_564 : i32
        %mul3A_575 = arith.constant 2 : i32
        %mul3A_576 = arith.muli %select_n3A_574, %mul3A_575 : i32
        %add3A_577 = arith.constant 0 : i32
        %add3A_578 = arith.addi %mul3A_576, %add3A_577 : i32
        %dma_start3A_579 = arith.constant 0 : i32
        %dma_start3A_580 = arith.constant 0 : i32
        %dma_start3A_581 = arith.constant 0 : i32
        %dma_start3A_582 = tpu.memref_slice %arg6[%dma_start3A_579, %dma_start3A_580, %dma_start3A_581] : memref<4x200x128xf32, #tpu.memory_space<vmem>> -> memref<1x100x128xf32, #tpu.memory_space<vmem>>
        %dma_start3A_583 = tpu.memref_squeeze %dma_start3A_582 : memref<1x100x128xf32, #tpu.memory_space<vmem>> -> memref<100x128xf32, #tpu.memory_space<vmem>>
        %dma_start3A_584 = arith.constant 0 : i32
        %dma_start3A_585 = tpu.memref_slice %arg5[%and3A_558, %sub3A_556, %add3A_578, %dma_start3A_584] : memref<2x8x4x100xi32, #tpu.memory_space<vmem>> -> memref<1x1x1x100xi32, #tpu.memory_space<vmem>>
        %dma_start3A_586 = tpu.memref_squeeze %dma_start3A_585 : memref<1x1x1x100xi32, #tpu.memory_space<vmem>> -> memref<100xi32, #tpu.memory_space<vmem>>
        %dma_start3A_587 = arith.constant 0 : i32
        %dma_start3A_588 = arith.constant 0 : i32
        %dma_start3A_589 = tpu.memref_slice %arg3[%dma_start3A_587, %dma_start3A_588] : memref<100000x128xf32, #tpu.memory_space<hbm>> -> memref<100000x128xf32, #tpu.memory_space<hbm>>
        tpu.enqueue_indirect_dma source(%dma_start3A_589 : memref<100000x128xf32, #tpu.memory_space<hbm>>) target(%dma_start3A_583 : memref<100x128xf32, #tpu.memory_space<vmem>>) offsets(%dma_start3A_586 : memref<100xi32, #tpu.memory_space<vmem>>) semaphore(%arg8 : memref<!tpu.dma_semaphore, #tpu.memory_space<semaphore_mem>>)
        %and3A_590 = arith.constant 1 : i32
        %and3A_591 = arith.andi %select_n3A_553, %and3A_590 : i32
        %jit3A_592 = arith.constant 2 : i32
        %eq3A_593 = arith.constant 0 : i32
        %eq3A_594 = arith.cmpi eq, %jit3A_592, %eq3A_593 : i32
        %jit3A_595 = arith.constant 1 : i32
        %select_n3A_596 = arith.select %eq3A_594, %jit3A_595, %jit3A_592 : i32
        %rem3A_597 = arith.remsi %add3A_179, %select_n3A_596 : i32
        %ne3A_598 = arith.constant 0 : i32
        %ne3A_599 = arith.cmpi ne, %rem3A_597, %ne3A_598 : i32
        %lt3A_600 = arith.constant 0 : i32
        %lt3A_601 = arith.cmpi slt, %rem3A_597, %lt3A_600 : i32
        %lt3A_602 = arith.constant 0 : i32
        %lt3A_603 = arith.cmpi slt, %select_n3A_596, %lt3A_602 : i32
        %ne3A_604 = arith.xori %lt3A_601, %lt3A_603 : i1
        %and3A_605 = arith.andi %ne3A_604, %ne3A_599 : i1
        %add3A_606 = arith.addi %rem3A_597, %select_n3A_596 : i32
        %select_n3A_607 = arith.select %and3A_605, %add3A_606, %rem3A_597 : i32
        %mul3A_608 = arith.constant 2 : i32
        %mul3A_609 = arith.muli %select_n3A_607, %mul3A_608 : i32
        %add3A_610 = arith.constant 1 : i32
        %add3A_611 = arith.addi %mul3A_609, %add3A_610 : i32
        %dma_start3A_612 = arith.constant 0 : i32
        %dma_start3A_613 = arith.constant 100 : i32
        %dma_start3A_614 = arith.constant 0 : i32
        %dma_start3A_615 = tpu.memref_slice %arg6[%dma_start3A_612, %dma_start3A_613, %dma_start3A_614] : memref<4x200x128xf32, #tpu.memory_space<vmem>> -> memref<1x100x128xf32, #tpu.memory_space<vmem>>
        %dma_start3A_616 = tpu.memref_squeeze %dma_start3A_615 : memref<1x100x128xf32, #tpu.memory_space<vmem>> -> memref<100x128xf32, #tpu.memory_space<vmem>>
        %dma_start3A_617 = arith.constant 0 : i32
        %dma_start3A_618 = tpu.memref_slice %arg5[%and3A_591, %sub3A_556, %add3A_611, %dma_start3A_617] : memref<2x8x4x100xi32, #tpu.memory_space<vmem>> -> memref<1x1x1x100xi32, #tpu.memory_space<vmem>>
        %dma_start3A_619 = tpu.memref_squeeze %dma_start3A_618 : memref<1x1x1x100xi32, #tpu.memory_space<vmem>> -> memref<100xi32, #tpu.memory_space<vmem>>
        %dma_start3A_620 = arith.constant 0 : i32
        %dma_start3A_621 = arith.constant 0 : i32
        %dma_start3A_622 = tpu.memref_slice %arg3[%dma_start3A_620, %dma_start3A_621] : memref<100000x128xf32, #tpu.memory_space<hbm>> -> memref<100000x128xf32, #tpu.memory_space<hbm>>
        tpu.enqueue_indirect_dma source(%dma_start3A_622 : memref<100000x128xf32, #tpu.memory_space<hbm>>) target(%dma_start3A_616 : memref<100x128xf32, #tpu.memory_space<vmem>>) offsets(%dma_start3A_619 : memref<100xi32, #tpu.memory_space<vmem>>) semaphore(%arg8 : memref<!tpu.dma_semaphore, #tpu.memory_space<semaphore_mem>>)
      } else {
      }
      %mul3A_240 = arith.constant 4 : i32
      %mul3A_241 = arith.muli %mul3A_240, %scan3A_138 : i32
      %add3A_242 = arith.constant 1 : i32
      %add3A_243 = arith.addi %mul3A_241, %add3A_242 : i32
      %dma_wait3A_244 = arith.constant 1 : i32
      %dma_wait3A_245 = arith.constant 0 : i32
      %dma_wait3A_246 = arith.constant 0 : i32
      %dma_wait3A_247 = tpu.memref_slice %arg6[%dma_wait3A_244, %dma_wait3A_245, %dma_wait3A_246] : memref<4x200x128xf32, #tpu.memory_space<vmem>> -> memref<1x200x128xf32, #tpu.memory_space<vmem>>
      %dma_wait3A_248 = tpu.memref_squeeze %dma_wait3A_247 : memref<1x200x128xf32, #tpu.memory_space<vmem>> -> memref<200x128xf32, #tpu.memory_space<vmem>>
      %dma_wait3A_249 = arith.constant 0 : i32
      %dma_wait3A_250 = arith.constant 0 : i32
      %dma_wait3A_251 = tpu.memref_slice %arg3[%dma_wait3A_249, %dma_wait3A_250] : memref<100000x128xf32, #tpu.memory_space<hbm>> -> memref<200x128xf32, #tpu.memory_space<hbm>>
      %dma_wait3A_252 = arith.constant 0 : i32
      %dma_wait3A_253 = arith.constant 0 : i32
      %dma_wait3A_254 = tpu.memref_slice %arg6[%dma_wait3A_244, %dma_wait3A_252, %dma_wait3A_253] : memref<4x200x128xf32, #tpu.memory_space<vmem>> -> memref<1x200x128xf32, #tpu.memory_space<vmem>>
      %dma_wait3A_255 = tpu.memref_squeeze %dma_wait3A_254 : memref<1x200x128xf32, #tpu.memory_space<vmem>> -> memref<200x128xf32, #tpu.memory_space<vmem>>
      %dma_wait3A_256 = arith.constant 0 : i32
      %dma_wait3A_257 = arith.constant 0 : i32
      %dma_wait3A_258 = tpu.memref_slice %arg3[%dma_wait3A_256, %dma_wait3A_257] : memref<100000x128xf32, #tpu.memory_space<hbm>> -> memref<200x128xf32, #tpu.memory_space<hbm>>
      tpu.wait_dma2 semaphore(%arg9 : memref<!tpu.dma_semaphore, #tpu.memory_space<semaphore_mem>>) src(%dma_wait3A_258 : memref<200x128xf32, #tpu.memory_space<hbm>>) dst(%dma_wait3A_255 : memref<200x128xf32, #tpu.memory_space<vmem>>)
      %scan3A_259 = arith.constant 0 : i32
      %scan3A_260 = arith.constant 200 : i32
      %scan3A_261 = arith.addi %scan3A_259, %scan3A_260 : i32
      %scan3A_262 = arith.constant 8 : i32
      %scan3A_263:8 = scf.for %scan3A_506 = %scan3A_259 to %scan3A_261 step %scan3A_262 iter_args(%scan3A_507 = %scan3A_176#0, %scan3A_508 = %scan3A_176#1, %scan3A_509 = %scan3A_176#2, %scan3A_510 = %scan3A_176#3, %scan3A_511 = %scan3A_176#4, %scan3A_512 = %scan3A_176#5, %scan3A_513 = %scan3A_176#6, %scan3A_514 = %scan3A_176#7) -> (vector<16xf32>, vector<16xf32>, vector<16xf32>, vector<16xf32>, vector<16xf32>, vector<16xf32>, vector<16xf32>, vector<16xf32>)  : i32 {
        %get3A = arith.constant 1 : i32
        %get3A_515 = arith.index_cast %get3A : i32 to index
        %get3A_516 = arith.index_cast %scan3A_506 : i32 to index
        %get3A_517 = arith.constant 0 : index
        %get3A_518 = tpu.vector_load %arg6[%get3A_515, %get3A_516, %get3A_517] {strides = array<i32>} : memref<4x200x128xf32, #tpu.memory_space<vmem>>, vector<1x1x16xf32>,
        %get3A_519 = vector.shape_cast %get3A_518 : vector<1x1x16xf32> to vector<16xf32>
        %max3A = arith.maximumf %scan3A_507, %get3A_519 : vector<16xf32>
        %get3A_520 = arith.constant 1 : i32
        %get3A_521 = arith.index_cast %get3A_520 : i32 to index
        %get3A_522 = arith.index_cast %scan3A_506 : i32 to index
        %get3A_523 = arith.constant 16 : index
        %get3A_524 = tpu.vector_load %arg6[%get3A_521, %get3A_522, %get3A_523] {strides = array<i32>} : memref<4x200x128xf32, #tpu.memory_space<vmem>>, vector<1x1x16xf32>,
        %get3A_525 = vector.shape_cast %get3A_524 : vector<1x1x16xf32> to vector<16xf32>
        %max3A_526 = arith.maximumf %scan3A_508, %get3A_525 : vector<16xf32>
        %get3A_527 = arith.constant 1 : i32
        %get3A_528 = arith.index_cast %get3A_527 : i32 to index
        %get3A_529 = arith.index_cast %scan3A_506 : i32 to index
        %get3A_530 = arith.constant 32 : index
        %get3A_531 = tpu.vector_load %arg6[%get3A_528, %get3A_529, %get3A_530] {strides = array<i32>} : memref<4x200x128xf32, #tpu.memory_space<vmem>>, vector<1x1x16xf32>,
        %get3A_532 = vector.shape_cast %get3A_531 : vector<1x1x16xf32> to vector<16xf32>
        %max3A_533 = arith.maximumf %scan3A_509, %get3A_532 : vector<16xf32>
        %get3A_534 = arith.constant 1 : i32
        %get3A_535 = arith.index_cast %get3A_534 : i32 to index
        %get3A_536 = arith.index_cast %scan3A_506 : i32 to index
        %get3A_537 = arith.constant 48 : index
        %get3A_538 = tpu.vector_load %arg6[%get3A_535, %get3A_536, %get3A_537] {strides = array<i32>} : memref<4x200x128xf32, #tpu.memory_space<vmem>>, vector<1x1x16xf32>,
        %get3A_539 = vector.shape_cast %get3A_538 : vector<1x1x16xf32> to vector<16xf32>
        %max3A_540 = arith.maximumf %scan3A_510, %get3A_539 : vector<16xf32>
        %get3A_541 = arith.constant 1 : i32
        %get3A_542 = arith.index_cast %get3A_541 : i32 to index
        %get3A_543 = arith.index_cast %scan3A_506 : i32 to index
        %get3A_544 = arith.constant 64 : index
        %get3A_545 = tpu.vector_load %arg6[%get3A_542, %get3A_543, %get3A_544] {strides = array<i32>} : memref<4x200x128xf32, #tpu.memory_space<vmem>>, vector<1x1x16xf32>,
        %get3A_546 = vector.shape_cast %get3A_545 : vector<1x1x16xf32> to vector<16xf32>
        %max3A_547 = arith.maximumf %scan3A_511, %get3A_546 : vector<16xf32>
        %get3A_548 = arith.constant 1 : i32
        %get3A_549 = arith.index_cast %get3A_548 : i32 to index
        %get3A_550 = arith.index_cast %scan3A_506 : i32 to index
        %get3A_551 = arith.constant 80 : index
        %get3A_552 = tpu.vector_load %arg6[%get3A_549, %get3A_550, %get3A_551] {strides = array<i32>} : memref<4x200x128xf32, #tpu.memory_space<vmem>>, vector<1x1x16xf32>,
        %get3A_553 = vector.shape_cast %get3A_552 : vector<1x1x16xf32> to vector<16xf32>
        %max3A_554 = arith.maximumf %scan3A_512, %get3A_553 : vector<16xf32>
        %get3A_555 = arith.constant 1 : i32
        %get3A_556 = arith.index_cast %get3A_555 : i32 to index
        %get3A_557 = arith.index_cast %scan3A_506 : i32 to index
        %get3A_558 = arith.constant 96 : index
        %get3A_559 = tpu.vector_load %arg6[%get3A_556, %get3A_557, %get3A_558] {strides = array<i32>} : memref<4x200x128xf32, #tpu.memory_space<vmem>>, vector<1x1x16xf32>,
        %get3A_560 = vector.shape_cast %get3A_559 : vector<1x1x16xf32> to vector<16xf32>
        %max3A_561 = arith.maximumf %scan3A_513, %get3A_560 : vector<16xf32>
        %get3A_562 = arith.constant 1 : i32
        %get3A_563 = arith.index_cast %get3A_562 : i32 to index
        %get3A_564 = arith.index_cast %scan3A_506 : i32 to index
        %get3A_565 = arith.constant 112 : index
        %get3A_566 = tpu.vector_load %arg6[%get3A_563, %get3A_564, %get3A_565] {strides = array<i32>} : memref<4x200x128xf32, #tpu.memory_space<vmem>>, vector<1x1x16xf32>,
        %get3A_567 = vector.shape_cast %get3A_566 : vector<1x1x16xf32> to vector<16xf32>
        %max3A_568 = arith.maximumf %scan3A_514, %get3A_567 : vector<16xf32>
        %scan3A_569 = arith.constant 1 : i32
        %scan3A_570 = arith.addi %scan3A_506, %scan3A_569 : i32
        %get3A_571 = arith.constant 1 : i32
        %get3A_572 = arith.index_cast %get3A_571 : i32 to index
        %get3A_573 = arith.index_cast %scan3A_570 : i32 to index
        %get3A_574 = arith.constant 0 : index
        %get3A_575 = tpu.vector_load %arg6[%get3A_572, %get3A_573, %get3A_574] {strides = array<i32>} : memref<4x200x128xf32, #tpu.memory_space<vmem>>, vector<1x1x16xf32>,
        %get3A_576 = vector.shape_cast %get3A_575 : vector<1x1x16xf32> to vector<16xf32>
        %max3A_577 = arith.maximumf %max3A, %get3A_576 : vector<16xf32>
        %get3A_578 = arith.constant 1 : i32
        %get3A_579 = arith.index_cast %get3A_578 : i32 to index
        %get3A_580 = arith.index_cast %scan3A_570 : i32 to index
        %get3A_581 = arith.constant 16 : index
        %get3A_582 = tpu.vector_load %arg6[%get3A_579, %get3A_580, %get3A_581] {strides = array<i32>} : memref<4x200x128xf32, #tpu.memory_space<vmem>>, vector<1x1x16xf32>,
        %get3A_583 = vector.shape_cast %get3A_582 : vector<1x1x16xf32> to vector<16xf32>
        %max3A_584 = arith.maximumf %max3A_526, %get3A_583 : vector<16xf32>
        %get3A_585 = arith.constant 1 : i32
        %get3A_586 = arith.index_cast %get3A_585 : i32 to index
        %get3A_587 = arith.index_cast %scan3A_570 : i32 to index
        %get3A_588 = arith.constant 32 : index
        %get3A_589 = tpu.vector_load %arg6[%get3A_586, %get3A_587, %get3A_588] {strides = array<i32>} : memref<4x200x128xf32, #tpu.memory_space<vmem>>, vector<1x1x16xf32>,
        %get3A_590 = vector.shape_cast %get3A_589 : vector<1x1x16xf32> to vector<16xf32>
        %max3A_591 = arith.maximumf %max3A_533, %get3A_590 : vector<16xf32>
        %get3A_592 = arith.constant 1 : i32
        %get3A_593 = arith.index_cast %get3A_592 : i32 to index
        %get3A_594 = arith.index_cast %scan3A_570 : i32 to index
        %get3A_595 = arith.constant 48 : index
        %get3A_596 = tpu.vector_load %arg6[%get3A_593, %get3A_594, %get3A_595] {strides = array<i32>} : memref<4x200x128xf32, #tpu.memory_space<vmem>>, vector<1x1x16xf32>,
        %get3A_597 = vector.shape_cast %get3A_596 : vector<1x1x16xf32> to vector<16xf32>
        %max3A_598 = arith.maximumf %max3A_540, %get3A_597 : vector<16xf32>
        %get3A_599 = arith.constant 1 : i32
        %get3A_600 = arith.index_cast %get3A_599 : i32 to index
        %get3A_601 = arith.index_cast %scan3A_570 : i32 to index
        %get3A_602 = arith.constant 64 : index
        %get3A_603 = tpu.vector_load %arg6[%get3A_600, %get3A_601, %get3A_602] {strides = array<i32>} : memref<4x200x128xf32, #tpu.memory_space<vmem>>, vector<1x1x16xf32>,
        %get3A_604 = vector.shape_cast %get3A_603 : vector<1x1x16xf32> to vector<16xf32>
        %max3A_605 = arith.maximumf %max3A_547, %get3A_604 : vector<16xf32>
        %get3A_606 = arith.constant 1 : i32
        %get3A_607 = arith.index_cast %get3A_606 : i32 to index
        %get3A_608 = arith.index_cast %scan3A_570 : i32 to index
        %get3A_609 = arith.constant 80 : index
        %get3A_610 = tpu.vector_load %arg6[%get3A_607, %get3A_608, %get3A_609] {strides = array<i32>} : memref<4x200x128xf32, #tpu.memory_space<vmem>>, vector<1x1x16xf32>,
        %get3A_611 = vector.shape_cast %get3A_610 : vector<1x1x16xf32> to vector<16xf32>
        %max3A_612 = arith.maximumf %max3A_554, %get3A_611 : vector<16xf32>
        %get3A_613 = arith.constant 1 : i32
        %get3A_614 = arith.index_cast %get3A_613 : i32 to index
        %get3A_615 = arith.index_cast %scan3A_570 : i32 to index
        %get3A_616 = arith.constant 96 : index
        %get3A_617 = tpu.vector_load %arg6[%get3A_614, %get3A_615, %get3A_616] {strides = array<i32>} : memref<4x200x128xf32, #tpu.memory_space<vmem>>, vector<1x1x16xf32>,
        %get3A_618 = vector.shape_cast %get3A_617 : vector<1x1x16xf32> to vector<16xf32>
        %max3A_619 = arith.maximumf %max3A_561, %get3A_618 : vector<16xf32>
        %get3A_620 = arith.constant 1 : i32
        %get3A_621 = arith.index_cast %get3A_620 : i32 to index
        %get3A_622 = arith.index_cast %scan3A_570 : i32 to index
        %get3A_623 = arith.constant 112 : index
        %get3A_624 = tpu.vector_load %arg6[%get3A_621, %get3A_622, %get3A_623] {strides = array<i32>} : memref<4x200x128xf32, #tpu.memory_space<vmem>>, vector<1x1x16xf32>,
        %get3A_625 = vector.shape_cast %get3A_624 : vector<1x1x16xf32> to vector<16xf32>
        %max3A_626 = arith.maximumf %max3A_568, %get3A_625 : vector<16xf32>
        %scan3A_627 = arith.constant 2 : i32
        %scan3A_628 = arith.addi %scan3A_506, %scan3A_627 : i32
        %get3A_629 = arith.constant 1 : i32
        %get3A_630 = arith.index_cast %get3A_629 : i32 to index
        %get3A_631 = arith.index_cast %scan3A_628 : i32 to index
        %get3A_632 = arith.constant 0 : index
        %get3A_633 = tpu.vector_load %arg6[%get3A_630, %get3A_631, %get3A_632] {strides = array<i32>} : memref<4x200x128xf32, #tpu.memory_space<vmem>>, vector<1x1x16xf32>,
        %get3A_634 = vector.shape_cast %get3A_633 : vector<1x1x16xf32> to vector<16xf32>
        %max3A_635 = arith.maximumf %max3A_577, %get3A_634 : vector<16xf32>
        %get3A_636 = arith.constant 1 : i32
        %get3A_637 = arith.index_cast %get3A_636 : i32 to index
        %get3A_638 = arith.index_cast %scan3A_628 : i32 to index
        %get3A_639 = arith.constant 16 : index
        %get3A_640 = tpu.vector_load %arg6[%get3A_637, %get3A_638, %get3A_639] {strides = array<i32>} : memref<4x200x128xf32, #tpu.memory_space<vmem>>, vector<1x1x16xf32>,
        %get3A_641 = vector.shape_cast %get3A_640 : vector<1x1x16xf32> to vector<16xf32>
        %max3A_642 = arith.maximumf %max3A_584, %get3A_641 : vector<16xf32>
        %get3A_643 = arith.constant 1 : i32
        %get3A_644 = arith.index_cast %get3A_643 : i32 to index
        %get3A_645 = arith.index_cast %scan3A_628 : i32 to index
        %get3A_646 = arith.constant 32 : index
        %get3A_647 = tpu.vector_load %arg6[%get3A_644, %get3A_645, %get3A_646] {strides = array<i32>} : memref<4x200x128xf32, #tpu.memory_space<vmem>>, vector<1x1x16xf32>,
        %get3A_648 = vector.shape_cast %get3A_647 : vector<1x1x16xf32> to vector<16xf32>
        %max3A_649 = arith.maximumf %max3A_591, %get3A_648 : vector<16xf32>
        %get3A_650 = arith.constant 1 : i32
        %get3A_651 = arith.index_cast %get3A_650 : i32 to index
        %get3A_652 = arith.index_cast %scan3A_628 : i32 to index
        %get3A_653 = arith.constant 48 : index
        %get3A_654 = tpu.vector_load %arg6[%get3A_651, %get3A_652, %get3A_653] {strides = array<i32>} : memref<4x200x128xf32, #tpu.memory_space<vmem>>, vector<1x1x16xf32>,
        %get3A_655 = vector.shape_cast %get3A_654 : vector<1x1x16xf32> to vector<16xf32>
        %max3A_656 = arith.maximumf %max3A_598, %get3A_655 : vector<16xf32>
        %get3A_657 = arith.constant 1 : i32
        %get3A_658 = arith.index_cast %get3A_657 : i32 to index
        %get3A_659 = arith.index_cast %scan3A_628 : i32 to index
        %get3A_660 = arith.constant 64 : index
        %get3A_661 = tpu.vector_load %arg6[%get3A_658, %get3A_659, %get3A_660] {strides = array<i32>} : memref<4x200x128xf32, #tpu.memory_space<vmem>>, vector<1x1x16xf32>,
        %get3A_662 = vector.shape_cast %get3A_661 : vector<1x1x16xf32> to vector<16xf32>
        %max3A_663 = arith.maximumf %max3A_605, %get3A_662 : vector<16xf32>
        %get3A_664 = arith.constant 1 : i32
        %get3A_665 = arith.index_cast %get3A_664 : i32 to index
        %get3A_666 = arith.index_cast %scan3A_628 : i32 to index
        %get3A_667 = arith.constant 80 : index
        %get3A_668 = tpu.vector_load %arg6[%get3A_665, %get3A_666, %get3A_667] {strides = array<i32>} : memref<4x200x128xf32, #tpu.memory_space<vmem>>, vector<1x1x16xf32>,
        %get3A_669 = vector.shape_cast %get3A_668 : vector<1x1x16xf32> to vector<16xf32>
        %max3A_670 = arith.maximumf %max3A_612, %get3A_669 : vector<16xf32>
        %get3A_671 = arith.constant 1 : i32
        %get3A_672 = arith.index_cast %get3A_671 : i32 to index
        %get3A_673 = arith.index_cast %scan3A_628 : i32 to index
        %get3A_674 = arith.constant 96 : index
        %get3A_675 = tpu.vector_load %arg6[%get3A_672, %get3A_673, %get3A_674] {strides = array<i32>} : memref<4x200x128xf32, #tpu.memory_space<vmem>>, vector<1x1x16xf32>,
        %get3A_676 = vector.shape_cast %get3A_675 : vector<1x1x16xf32> to vector<16xf32>
        %max3A_677 = arith.maximumf %max3A_619, %get3A_676 : vector<16xf32>
        %get3A_678 = arith.constant 1 : i32
        %get3A_679 = arith.index_cast %get3A_678 : i32 to index
        %get3A_680 = arith.index_cast %scan3A_628 : i32 to index
        %get3A_681 = arith.constant 112 : index
        %get3A_682 = tpu.vector_load %arg6[%get3A_679, %get3A_680, %get3A_681] {strides = array<i32>} : memref<4x200x128xf32, #tpu.memory_space<vmem>>, vector<1x1x16xf32>,
        %get3A_683 = vector.shape_cast %get3A_682 : vector<1x1x16xf32> to vector<16xf32>
        %max3A_684 = arith.maximumf %max3A_626, %get3A_683 : vector<16xf32>
        %scan3A_685 = arith.constant 3 : i32
        %scan3A_686 = arith.addi %scan3A_506, %scan3A_685 : i32
        %get3A_687 = arith.constant 1 : i32
        %get3A_688 = arith.index_cast %get3A_687 : i32 to index
        %get3A_689 = arith.index_cast %scan3A_686 : i32 to index
        %get3A_690 = arith.constant 0 : index
        %get3A_691 = tpu.vector_load %arg6[%get3A_688, %get3A_689, %get3A_690] {strides = array<i32>} : memref<4x200x128xf32, #tpu.memory_space<vmem>>, vector<1x1x16xf32>,
        %get3A_692 = vector.shape_cast %get3A_691 : vector<1x1x16xf32> to vector<16xf32>
        %max3A_693 = arith.maximumf %max3A_635, %get3A_692 : vector<16xf32>
        %get3A_694 = arith.constant 1 : i32
        %get3A_695 = arith.index_cast %get3A_694 : i32 to index
        %get3A_696 = arith.index_cast %scan3A_686 : i32 to index
        %get3A_697 = arith.constant 16 : index
        %get3A_698 = tpu.vector_load %arg6[%get3A_695, %get3A_696, %get3A_697] {strides = array<i32>} : memref<4x200x128xf32, #tpu.memory_space<vmem>>, vector<1x1x16xf32>,
        %get3A_699 = vector.shape_cast %get3A_698 : vector<1x1x16xf32> to vector<16xf32>
        %max3A_700 = arith.maximumf %max3A_642, %get3A_699 : vector<16xf32>
        %get3A_701 = arith.constant 1 : i32
        %get3A_702 = arith.index_cast %get3A_701 : i32 to index
        %get3A_703 = arith.index_cast %scan3A_686 : i32 to index
        %get3A_704 = arith.constant 32 : index
        %get3A_705 = tpu.vector_load %arg6[%get3A_702, %get3A_703, %get3A_704] {strides = array<i32>} : memref<4x200x128xf32, #tpu.memory_space<vmem>>, vector<1x1x16xf32>,
        %get3A_706 = vector.shape_cast %get3A_705 : vector<1x1x16xf32> to vector<16xf32>
        %max3A_707 = arith.maximumf %max3A_649, %get3A_706 : vector<16xf32>
        %get3A_708 = arith.constant 1 : i32
        %get3A_709 = arith.index_cast %get3A_708 : i32 to index
        %get3A_710 = arith.index_cast %scan3A_686 : i32 to index
        %get3A_711 = arith.constant 48 : index
        %get3A_712 = tpu.vector_load %arg6[%get3A_709, %get3A_710, %get3A_711] {strides = array<i32>} : memref<4x200x128xf32, #tpu.memory_space<vmem>>, vector<1x1x16xf32>,
        %get3A_713 = vector.shape_cast %get3A_712 : vector<1x1x16xf32> to vector<16xf32>
        %max3A_714 = arith.maximumf %max3A_656, %get3A_713 : vector<16xf32>
        %get3A_715 = arith.constant 1 : i32
        %get3A_716 = arith.index_cast %get3A_715 : i32 to index
        %get3A_717 = arith.index_cast %scan3A_686 : i32 to index
        %get3A_718 = arith.constant 64 : index
        %get3A_719 = tpu.vector_load %arg6[%get3A_716, %get3A_717, %get3A_718] {strides = array<i32>} : memref<4x200x128xf32, #tpu.memory_space<vmem>>, vector<1x1x16xf32>,
        %get3A_720 = vector.shape_cast %get3A_719 : vector<1x1x16xf32> to vector<16xf32>
        %max3A_721 = arith.maximumf %max3A_663, %get3A_720 : vector<16xf32>
        %get3A_722 = arith.constant 1 : i32
        %get3A_723 = arith.index_cast %get3A_722 : i32 to index
        %get3A_724 = arith.index_cast %scan3A_686 : i32 to index
        %get3A_725 = arith.constant 80 : index
        %get3A_726 = tpu.vector_load %arg6[%get3A_723, %get3A_724, %get3A_725] {strides = array<i32>} : memref<4x200x128xf32, #tpu.memory_space<vmem>>, vector<1x1x16xf32>,
        %get3A_727 = vector.shape_cast %get3A_726 : vector<1x1x16xf32> to vector<16xf32>
        %max3A_728 = arith.maximumf %max3A_670, %get3A_727 : vector<16xf32>
        %get3A_729 = arith.constant 1 : i32
        %get3A_730 = arith.index_cast %get3A_729 : i32 to index
        %get3A_731 = arith.index_cast %scan3A_686 : i32 to index
        %get3A_732 = arith.constant 96 : index
        %get3A_733 = tpu.vector_load %arg6[%get3A_730, %get3A_731, %get3A_732] {strides = array<i32>} : memref<4x200x128xf32, #tpu.memory_space<vmem>>, vector<1x1x16xf32>,
        %get3A_734 = vector.shape_cast %get3A_733 : vector<1x1x16xf32> to vector<16xf32>
        %max3A_735 = arith.maximumf %max3A_677, %get3A_734 : vector<16xf32>
        %get3A_736 = arith.constant 1 : i32
        %get3A_737 = arith.index_cast %get3A_736 : i32 to index
        %get3A_738 = arith.index_cast %scan3A_686 : i32 to index
        %get3A_739 = arith.constant 112 : index
        %get3A_740 = tpu.vector_load %arg6[%get3A_737, %get3A_738, %get3A_739] {strides = array<i32>} : memref<4x200x128xf32, #tpu.memory_space<vmem>>, vector<1x1x16xf32>,
        %get3A_741 = vector.shape_cast %get3A_740 : vector<1x1x16xf32> to vector<16xf32>
        %max3A_742 = arith.maximumf %max3A_684, %get3A_741 : vector<16xf32>
        %scan3A_743 = arith.constant 4 : i32
        %scan3A_744 = arith.addi %scan3A_506, %scan3A_743 : i32
        %get3A_745 = arith.constant 1 : i32
        %get3A_746 = arith.index_cast %get3A_745 : i32 to index
        %get3A_747 = arith.index_cast %scan3A_744 : i32 to index
        %get3A_748 = arith.constant 0 : index
        %get3A_749 = tpu.vector_load %arg6[%get3A_746, %get3A_747, %get3A_748] {strides = array<i32>} : memref<4x200x128xf32, #tpu.memory_space<vmem>>, vector<1x1x16xf32>,
        %get3A_750 = vector.shape_cast %get3A_749 : vector<1x1x16xf32> to vector<16xf32>
        %max3A_751 = arith.maximumf %max3A_693, %get3A_750 : vector<16xf32>
        %get3A_752 = arith.constant 1 : i32
        %get3A_753 = arith.index_cast %get3A_752 : i32 to index
        %get3A_754 = arith.index_cast %scan3A_744 : i32 to index
        %get3A_755 = arith.constant 16 : index
        %get3A_756 = tpu.vector_load %arg6[%get3A_753, %get3A_754, %get3A_755] {strides = array<i32>} : memref<4x200x128xf32, #tpu.memory_space<vmem>>, vector<1x1x16xf32>,
        %get3A_757 = vector.shape_cast %get3A_756 : vector<1x1x16xf32> to vector<16xf32>
        %max3A_758 = arith.maximumf %max3A_700, %get3A_757 : vector<16xf32>
        %get3A_759 = arith.constant 1 : i32
        %get3A_760 = arith.index_cast %get3A_759 : i32 to index
        %get3A_761 = arith.index_cast %scan3A_744 : i32 to index
        %get3A_762 = arith.constant 32 : index
        %get3A_763 = tpu.vector_load %arg6[%get3A_760, %get3A_761, %get3A_762] {strides = array<i32>} : memref<4x200x128xf32, #tpu.memory_space<vmem>>, vector<1x1x16xf32>,
        %get3A_764 = vector.shape_cast %get3A_763 : vector<1x1x16xf32> to vector<16xf32>
        %max3A_765 = arith.maximumf %max3A_707, %get3A_764 : vector<16xf32>
        %get3A_766 = arith.constant 1 : i32
        %get3A_767 = arith.index_cast %get3A_766 : i32 to index
        %get3A_768 = arith.index_cast %scan3A_744 : i32 to index
        %get3A_769 = arith.constant 48 : index
        %get3A_770 = tpu.vector_load %arg6[%get3A_767, %get3A_768, %get3A_769] {strides = array<i32>} : memref<4x200x128xf32, #tpu.memory_space<vmem>>, vector<1x1x16xf32>,
        %get3A_771 = vector.shape_cast %get3A_770 : vector<1x1x16xf32> to vector<16xf32>
        %max3A_772 = arith.maximumf %max3A_714, %get3A_771 : vector<16xf32>
        %get3A_773 = arith.constant 1 : i32
        %get3A_774 = arith.index_cast %get3A_773 : i32 to index
        %get3A_775 = arith.index_cast %scan3A_744 : i32 to index
        %get3A_776 = arith.constant 64 : index
        %get3A_777 = tpu.vector_load %arg6[%get3A_774, %get3A_775, %get3A_776] {strides = array<i32>} : memref<4x200x128xf32, #tpu.memory_space<vmem>>, vector<1x1x16xf32>,
        %get3A_778 = vector.shape_cast %get3A_777 : vector<1x1x16xf32> to vector<16xf32>
        %max3A_779 = arith.maximumf %max3A_721, %get3A_778 : vector<16xf32>
        %get3A_780 = arith.constant 1 : i32
        %get3A_781 = arith.index_cast %get3A_780 : i32 to index
        %get3A_782 = arith.index_cast %scan3A_744 : i32 to index
        %get3A_783 = arith.constant 80 : index
        %get3A_784 = tpu.vector_load %arg6[%get3A_781, %get3A_782, %get3A_783] {strides = array<i32>} : memref<4x200x128xf32, #tpu.memory_space<vmem>>, vector<1x1x16xf32>,
        %get3A_785 = vector.shape_cast %get3A_784 : vector<1x1x16xf32> to vector<16xf32>
        %max3A_786 = arith.maximumf %max3A_728, %get3A_785 : vector<16xf32>
        %get3A_787 = arith.constant 1 : i32
        %get3A_788 = arith.index_cast %get3A_787 : i32 to index
        %get3A_789 = arith.index_cast %scan3A_744 : i32 to index
        %get3A_790 = arith.constant 96 : index
        %get3A_791 = tpu.vector_load %arg6[%get3A_788, %get3A_789, %get3A_790] {strides = array<i32>} : memref<4x200x128xf32, #tpu.memory_space<vmem>>, vector<1x1x16xf32>,
        %get3A_792 = vector.shape_cast %get3A_791 : vector<1x1x16xf32> to vector<16xf32>
        %max3A_793 = arith.maximumf %max3A_735, %get3A_792 : vector<16xf32>
        %get3A_794 = arith.constant 1 : i32
        %get3A_795 = arith.index_cast %get3A_794 : i32 to index
        %get3A_796 = arith.index_cast %scan3A_744 : i32 to index
        %get3A_797 = arith.constant 112 : index
        %get3A_798 = tpu.vector_load %arg6[%get3A_795, %get3A_796, %get3A_797] {strides = array<i32>} : memref<4x200x128xf32, #tpu.memory_space<vmem>>, vector<1x1x16xf32>,
        %get3A_799 = vector.shape_cast %get3A_798 : vector<1x1x16xf32> to vector<16xf32>
        %max3A_800 = arith.maximumf %max3A_742, %get3A_799 : vector<16xf32>
        %scan3A_801 = arith.constant 5 : i32
        %scan3A_802 = arith.addi %scan3A_506, %scan3A_801 : i32
        %get3A_803 = arith.constant 1 : i32
        %get3A_804 = arith.index_cast %get3A_803 : i32 to index
        %get3A_805 = arith.index_cast %scan3A_802 : i32 to index
        %get3A_806 = arith.constant 0 : index
        %get3A_807 = tpu.vector_load %arg6[%get3A_804, %get3A_805, %get3A_806] {strides = array<i32>} : memref<4x200x128xf32, #tpu.memory_space<vmem>>, vector<1x1x16xf32>,
        %get3A_808 = vector.shape_cast %get3A_807 : vector<1x1x16xf32> to vector<16xf32>
        %max3A_809 = arith.maximumf %max3A_751, %get3A_808 : vector<16xf32>
        %get3A_810 = arith.constant 1 : i32
        %get3A_811 = arith.index_cast %get3A_810 : i32 to index
        %get3A_812 = arith.index_cast %scan3A_802 : i32 to index
        %get3A_813 = arith.constant 16 : index
        %get3A_814 = tpu.vector_load %arg6[%get3A_811, %get3A_812, %get3A_813] {strides = array<i32>} : memref<4x200x128xf32, #tpu.memory_space<vmem>>, vector<1x1x16xf32>,
        %get3A_815 = vector.shape_cast %get3A_814 : vector<1x1x16xf32> to vector<16xf32>
        %max3A_816 = arith.maximumf %max3A_758, %get3A_815 : vector<16xf32>
        %get3A_817 = arith.constant 1 : i32
        %get3A_818 = arith.index_cast %get3A_817 : i32 to index
        %get3A_819 = arith.index_cast %scan3A_802 : i32 to index
        %get3A_820 = arith.constant 32 : index
        %get3A_821 = tpu.vector_load %arg6[%get3A_818, %get3A_819, %get3A_820] {strides = array<i32>} : memref<4x200x128xf32, #tpu.memory_space<vmem>>, vector<1x1x16xf32>,
        %get3A_822 = vector.shape_cast %get3A_821 : vector<1x1x16xf32> to vector<16xf32>
        %max3A_823 = arith.maximumf %max3A_765, %get3A_822 : vector<16xf32>
        %get3A_824 = arith.constant 1 : i32
        %get3A_825 = arith.index_cast %get3A_824 : i32 to index
        %get3A_826 = arith.index_cast %scan3A_802 : i32 to index
        %get3A_827 = arith.constant 48 : index
        %get3A_828 = tpu.vector_load %arg6[%get3A_825, %get3A_826, %get3A_827] {strides = array<i32>} : memref<4x200x128xf32, #tpu.memory_space<vmem>>, vector<1x1x16xf32>,
        %get3A_829 = vector.shape_cast %get3A_828 : vector<1x1x16xf32> to vector<16xf32>
        %max3A_830 = arith.maximumf %max3A_772, %get3A_829 : vector<16xf32>
        %get3A_831 = arith.constant 1 : i32
        %get3A_832 = arith.index_cast %get3A_831 : i32 to index
        %get3A_833 = arith.index_cast %scan3A_802 : i32 to index
        %get3A_834 = arith.constant 64 : index
        %get3A_835 = tpu.vector_load %arg6[%get3A_832, %get3A_833, %get3A_834] {strides = array<i32>} : memref<4x200x128xf32, #tpu.memory_space<vmem>>, vector<1x1x16xf32>,
        %get3A_836 = vector.shape_cast %get3A_835 : vector<1x1x16xf32> to vector<16xf32>
        %max3A_837 = arith.maximumf %max3A_779, %get3A_836 : vector<16xf32>
        %get3A_838 = arith.constant 1 : i32
        %get3A_839 = arith.index_cast %get3A_838 : i32 to index
        %get3A_840 = arith.index_cast %scan3A_802 : i32 to index
        %get3A_841 = arith.constant 80 : index
        %get3A_842 = tpu.vector_load %arg6[%get3A_839, %get3A_840, %get3A_841] {strides = array<i32>} : memref<4x200x128xf32, #tpu.memory_space<vmem>>, vector<1x1x16xf32>,
        %get3A_843 = vector.shape_cast %get3A_842 : vector<1x1x16xf32> to vector<16xf32>
        %max3A_844 = arith.maximumf %max3A_786, %get3A_843 : vector<16xf32>
        %get3A_845 = arith.constant 1 : i32
        %get3A_846 = arith.index_cast %get3A_845 : i32 to index
        %get3A_847 = arith.index_cast %scan3A_802 : i32 to index
        %get3A_848 = arith.constant 96 : index
        %get3A_849 = tpu.vector_load %arg6[%get3A_846, %get3A_847, %get3A_848] {strides = array<i32>} : memref<4x200x128xf32, #tpu.memory_space<vmem>>, vector<1x1x16xf32>,
        %get3A_850 = vector.shape_cast %get3A_849 : vector<1x1x16xf32> to vector<16xf32>
        %max3A_851 = arith.maximumf %max3A_793, %get3A_850 : vector<16xf32>
        %get3A_852 = arith.constant 1 : i32
        %get3A_853 = arith.index_cast %get3A_852 : i32 to index
        %get3A_854 = arith.index_cast %scan3A_802 : i32 to index
        %get3A_855 = arith.constant 112 : index
        %get3A_856 = tpu.vector_load %arg6[%get3A_853, %get3A_854, %get3A_855] {strides = array<i32>} : memref<4x200x128xf32, #tpu.memory_space<vmem>>, vector<1x1x16xf32>,
        %get3A_857 = vector.shape_cast %get3A_856 : vector<1x1x16xf32> to vector<16xf32>
        %max3A_858 = arith.maximumf %max3A_800, %get3A_857 : vector<16xf32>
        %scan3A_859 = arith.constant 6 : i32
        %scan3A_860 = arith.addi %scan3A_506, %scan3A_859 : i32
        %get3A_861 = arith.constant 1 : i32
        %get3A_862 = arith.index_cast %get3A_861 : i32 to index
        %get3A_863 = arith.index_cast %scan3A_860 : i32 to index
        %get3A_864 = arith.constant 0 : index
        %get3A_865 = tpu.vector_load %arg6[%get3A_862, %get3A_863, %get3A_864] {strides = array<i32>} : memref<4x200x128xf32, #tpu.memory_space<vmem>>, vector<1x1x16xf32>,
        %get3A_866 = vector.shape_cast %get3A_865 : vector<1x1x16xf32> to vector<16xf32>
        %max3A_867 = arith.maximumf %max3A_809, %get3A_866 : vector<16xf32>
        %get3A_868 = arith.constant 1 : i32
        %get3A_869 = arith.index_cast %get3A_868 : i32 to index
        %get3A_870 = arith.index_cast %scan3A_860 : i32 to index
        %get3A_871 = arith.constant 16 : index
        %get3A_872 = tpu.vector_load %arg6[%get3A_869, %get3A_870, %get3A_871] {strides = array<i32>} : memref<4x200x128xf32, #tpu.memory_space<vmem>>, vector<1x1x16xf32>,
        %get3A_873 = vector.shape_cast %get3A_872 : vector<1x1x16xf32> to vector<16xf32>
        %max3A_874 = arith.maximumf %max3A_816, %get3A_873 : vector<16xf32>
        %get3A_875 = arith.constant 1 : i32
        %get3A_876 = arith.index_cast %get3A_875 : i32 to index
        %get3A_877 = arith.index_cast %scan3A_860 : i32 to index
        %get3A_878 = arith.constant 32 : index
        %get3A_879 = tpu.vector_load %arg6[%get3A_876, %get3A_877, %get3A_878] {strides = array<i32>} : memref<4x200x128xf32, #tpu.memory_space<vmem>>, vector<1x1x16xf32>,
        %get3A_880 = vector.shape_cast %get3A_879 : vector<1x1x16xf32> to vector<16xf32>
        %max3A_881 = arith.maximumf %max3A_823, %get3A_880 : vector<16xf32>
        %get3A_882 = arith.constant 1 : i32
        %get3A_883 = arith.index_cast %get3A_882 : i32 to index
        %get3A_884 = arith.index_cast %scan3A_860 : i32 to index
        %get3A_885 = arith.constant 48 : index
        %get3A_886 = tpu.vector_load %arg6[%get3A_883, %get3A_884, %get3A_885] {strides = array<i32>} : memref<4x200x128xf32, #tpu.memory_space<vmem>>, vector<1x1x16xf32>,
        %get3A_887 = vector.shape_cast %get3A_886 : vector<1x1x16xf32> to vector<16xf32>
        %max3A_888 = arith.maximumf %max3A_830, %get3A_887 : vector<16xf32>
        %get3A_889 = arith.constant 1 : i32
        %get3A_890 = arith.index_cast %get3A_889 : i32 to index
        %get3A_891 = arith.index_cast %scan3A_860 : i32 to index
        %get3A_892 = arith.constant 64 : index
        %get3A_893 = tpu.vector_load %arg6[%get3A_890, %get3A_891, %get3A_892] {strides = array<i32>} : memref<4x200x128xf32, #tpu.memory_space<vmem>>, vector<1x1x16xf32>,
        %get3A_894 = vector.shape_cast %get3A_893 : vector<1x1x16xf32> to vector<16xf32>
        %max3A_895 = arith.maximumf %max3A_837, %get3A_894 : vector<16xf32>
        %get3A_896 = arith.constant 1 : i32
        %get3A_897 = arith.index_cast %get3A_896 : i32 to index
        %get3A_898 = arith.index_cast %scan3A_860 : i32 to index
        %get3A_899 = arith.constant 80 : index
        %get3A_900 = tpu.vector_load %arg6[%get3A_897, %get3A_898, %get3A_899] {strides = array<i32>} : memref<4x200x128xf32, #tpu.memory_space<vmem>>, vector<1x1x16xf32>,
        %get3A_901 = vector.shape_cast %get3A_900 : vector<1x1x16xf32> to vector<16xf32>
        %max3A_902 = arith.maximumf %max3A_844, %get3A_901 : vector<16xf32>
        %get3A_903 = arith.constant 1 : i32
        %get3A_904 = arith.index_cast %get3A_903 : i32 to index
        %get3A_905 = arith.index_cast %scan3A_860 : i32 to index
        %get3A_906 = arith.constant 96 : index
        %get3A_907 = tpu.vector_load %arg6[%get3A_904, %get3A_905, %get3A_906] {strides = array<i32>} : memref<4x200x128xf32, #tpu.memory_space<vmem>>, vector<1x1x16xf32>,
        %get3A_908 = vector.shape_cast %get3A_907 : vector<1x1x16xf32> to vector<16xf32>
        %max3A_909 = arith.maximumf %max3A_851, %get3A_908 : vector<16xf32>
        %get3A_910 = arith.constant 1 : i32
        %get3A_911 = arith.index_cast %get3A_910 : i32 to index
        %get3A_912 = arith.index_cast %scan3A_860 : i32 to index
        %get3A_913 = arith.constant 112 : index
        %get3A_914 = tpu.vector_load %arg6[%get3A_911, %get3A_912, %get3A_913] {strides = array<i32>} : memref<4x200x128xf32, #tpu.memory_space<vmem>>, vector<1x1x16xf32>,
        %get3A_915 = vector.shape_cast %get3A_914 : vector<1x1x16xf32> to vector<16xf32>
        %max3A_916 = arith.maximumf %max3A_858, %get3A_915 : vector<16xf32>
        %scan3A_917 = arith.constant 7 : i32
        %scan3A_918 = arith.addi %scan3A_506, %scan3A_917 : i32
        %get3A_919 = arith.constant 1 : i32
        %get3A_920 = arith.index_cast %get3A_919 : i32 to index
        %get3A_921 = arith.index_cast %scan3A_918 : i32 to index
        %get3A_922 = arith.constant 0 : index
        %get3A_923 = tpu.vector_load %arg6[%get3A_920, %get3A_921, %get3A_922] {strides = array<i32>} : memref<4x200x128xf32, #tpu.memory_space<vmem>>, vector<1x1x16xf32>,
        %get3A_924 = vector.shape_cast %get3A_923 : vector<1x1x16xf32> to vector<16xf32>
        %max3A_925 = arith.maximumf %max3A_867, %get3A_924 : vector<16xf32>
        %get3A_926 = arith.constant 1 : i32
        %get3A_927 = arith.index_cast %get3A_926 : i32 to index
        %get3A_928 = arith.index_cast %scan3A_918 : i32 to index
        %get3A_929 = arith.constant 16 : index
        %get3A_930 = tpu.vector_load %arg6[%get3A_927, %get3A_928, %get3A_929] {strides = array<i32>} : memref<4x200x128xf32, #tpu.memory_space<vmem>>, vector<1x1x16xf32>,
        %get3A_931 = vector.shape_cast %get3A_930 : vector<1x1x16xf32> to vector<16xf32>
        %max3A_932 = arith.maximumf %max3A_874, %get3A_931 : vector<16xf32>
        %get3A_933 = arith.constant 1 : i32
        %get3A_934 = arith.index_cast %get3A_933 : i32 to index
        %get3A_935 = arith.index_cast %scan3A_918 : i32 to index
        %get3A_936 = arith.constant 32 : index
        %get3A_937 = tpu.vector_load %arg6[%get3A_934, %get3A_935, %get3A_936] {strides = array<i32>} : memref<4x200x128xf32, #tpu.memory_space<vmem>>, vector<1x1x16xf32>,
        %get3A_938 = vector.shape_cast %get3A_937 : vector<1x1x16xf32> to vector<16xf32>
        %max3A_939 = arith.maximumf %max3A_881, %get3A_938 : vector<16xf32>
        %get3A_940 = arith.constant 1 : i32
        %get3A_941 = arith.index_cast %get3A_940 : i32 to index
        %get3A_942 = arith.index_cast %scan3A_918 : i32 to index
        %get3A_943 = arith.constant 48 : index
        %get3A_944 = tpu.vector_load %arg6[%get3A_941, %get3A_942, %get3A_943] {strides = array<i32>} : memref<4x200x128xf32, #tpu.memory_space<vmem>>, vector<1x1x16xf32>,
        %get3A_945 = vector.shape_cast %get3A_944 : vector<1x1x16xf32> to vector<16xf32>
        %max3A_946 = arith.maximumf %max3A_888, %get3A_945 : vector<16xf32>
        %get3A_947 = arith.constant 1 : i32
        %get3A_948 = arith.index_cast %get3A_947 : i32 to index
        %get3A_949 = arith.index_cast %scan3A_918 : i32 to index
        %get3A_950 = arith.constant 64 : index
        %get3A_951 = tpu.vector_load %arg6[%get3A_948, %get3A_949, %get3A_950] {strides = array<i32>} : memref<4x200x128xf32, #tpu.memory_space<vmem>>, vector<1x1x16xf32>,
        %get3A_952 = vector.shape_cast %get3A_951 : vector<1x1x16xf32> to vector<16xf32>
        %max3A_953 = arith.maximumf %max3A_895, %get3A_952 : vector<16xf32>
        %get3A_954 = arith.constant 1 : i32
        %get3A_955 = arith.index_cast %get3A_954 : i32 to index
        %get3A_956 = arith.index_cast %scan3A_918 : i32 to index
        %get3A_957 = arith.constant 80 : index
        %get3A_958 = tpu.vector_load %arg6[%get3A_955, %get3A_956, %get3A_957] {strides = array<i32>} : memref<4x200x128xf32, #tpu.memory_space<vmem>>, vector<1x1x16xf32>,
        %get3A_959 = vector.shape_cast %get3A_958 : vector<1x1x16xf32> to vector<16xf32>
        %max3A_960 = arith.maximumf %max3A_902, %get3A_959 : vector<16xf32>
        %get3A_961 = arith.constant 1 : i32
        %get3A_962 = arith.index_cast %get3A_961 : i32 to index
        %get3A_963 = arith.index_cast %scan3A_918 : i32 to index
        %get3A_964 = arith.constant 96 : index
        %get3A_965 = tpu.vector_load %arg6[%get3A_962, %get3A_963, %get3A_964] {strides = array<i32>} : memref<4x200x128xf32, #tpu.memory_space<vmem>>, vector<1x1x16xf32>,
        %get3A_966 = vector.shape_cast %get3A_965 : vector<1x1x16xf32> to vector<16xf32>
        %max3A_967 = arith.maximumf %max3A_909, %get3A_966 : vector<16xf32>
        %get3A_968 = arith.constant 1 : i32
        %get3A_969 = arith.index_cast %get3A_968 : i32 to index
        %get3A_970 = arith.index_cast %scan3A_918 : i32 to index
        %get3A_971 = arith.constant 112 : index
        %get3A_972 = tpu.vector_load %arg6[%get3A_969, %get3A_970, %get3A_971] {strides = array<i32>} : memref<4x200x128xf32, #tpu.memory_space<vmem>>, vector<1x1x16xf32>,
        %get3A_973 = vector.shape_cast %get3A_972 : vector<1x1x16xf32> to vector<16xf32>
        %max3A_974 = arith.maximumf %max3A_916, %get3A_973 : vector<16xf32>
        scf.yield %max3A_925, %max3A_932, %max3A_939, %max3A_946, %max3A_953, %max3A_960, %max3A_967, %max3A_974 : vector<16xf32>, vector<16xf32>, vector<16xf32>, vector<16xf32>, vector<16xf32>, vector<16xf32>, vector<16xf32>, vector<16xf32>
      }
      %scan3A_264 = arith.constant 200 : i32
      %mul3A_265 = arith.constant 2 : i32
      %mul3A_266 = arith.muli %mul3A_265, %scan3A_138 : i32
      %add3A_267 = arith.constant 0 : i32
      %add3A_268 = arith.addi %mul3A_266, %add3A_267 : i32
      %swap3A = arith.index_cast %add3A_268 : i32 to index
      %swap3A_269 = arith.constant 0 : index
      %swap3A_270 = tpu.vector_load %arg7[%swap3A, %swap3A_269] {strides = array<i32>} : memref<32x128xf32, #tpu.memory_space<vmem>>, vector<1x16xf32>,
      %swap3A_271 = vector.shape_cast %swap3A_270 : vector<1x16xf32> to vector<16xf32>
      %swap3A_272 = vector.shape_cast %scan3A_263#0 : vector<16xf32> to vector<1x16xf32>
      tpu.vector_store %arg7[%swap3A, %swap3A_269], %swap3A_272 {strides = array<i32>} : memref<32x128xf32, #tpu.memory_space<vmem>>, vector<1x16xf32>,
      %swap3A_273 = arith.index_cast %add3A_268 : i32 to index
      %swap3A_274 = arith.constant 16 : index
      %swap3A_275 = tpu.vector_load %arg7[%swap3A_273, %swap3A_274] {strides = array<i32>} : memref<32x128xf32, #tpu.memory_space<vmem>>, vector<1x16xf32>,
      %swap3A_276 = vector.shape_cast %swap3A_275 : vector<1x16xf32> to vector<16xf32>
      %swap3A_277 = vector.shape_cast %scan3A_263#1 : vector<16xf32> to vector<1x16xf32>
      tpu.vector_store %arg7[%swap3A_273, %swap3A_274], %swap3A_277 {strides = array<i32>} : memref<32x128xf32, #tpu.memory_space<vmem>>, vector<1x16xf32>,
      %swap3A_278 = arith.index_cast %add3A_268 : i32 to index
      %swap3A_279 = arith.constant 32 : index
      %swap3A_280 = tpu.vector_load %arg7[%swap3A_278, %swap3A_279] {strides = array<i32>} : memref<32x128xf32, #tpu.memory_space<vmem>>, vector<1x16xf32>,
      %swap3A_281 = vector.shape_cast %swap3A_280 : vector<1x16xf32> to vector<16xf32>
      %swap3A_282 = vector.shape_cast %scan3A_263#2 : vector<16xf32> to vector<1x16xf32>
      tpu.vector_store %arg7[%swap3A_278, %swap3A_279], %swap3A_282 {strides = array<i32>} : memref<32x128xf32, #tpu.memory_space<vmem>>, vector<1x16xf32>,
      %swap3A_283 = arith.index_cast %add3A_268 : i32 to index
      %swap3A_284 = arith.constant 48 : index
      %swap3A_285 = tpu.vector_load %arg7[%swap3A_283, %swap3A_284] {strides = array<i32>} : memref<32x128xf32, #tpu.memory_space<vmem>>, vector<1x16xf32>,
      %swap3A_286 = vector.shape_cast %swap3A_285 : vector<1x16xf32> to vector<16xf32>
      %swap3A_287 = vector.shape_cast %scan3A_263#3 : vector<16xf32> to vector<1x16xf32>
      tpu.vector_store %arg7[%swap3A_283, %swap3A_284], %swap3A_287 {strides = array<i32>} : memref<32x128xf32, #tpu.memory_space<vmem>>, vector<1x16xf32>,
      %swap3A_288 = arith.index_cast %add3A_268 : i32 to index
      %swap3A_289 = arith.constant 64 : index
      %swap3A_290 = tpu.vector_load %arg7[%swap3A_288, %swap3A_289] {strides = array<i32>} : memref<32x128xf32, #tpu.memory_space<vmem>>, vector<1x16xf32>,
      %swap3A_291 = vector.shape_cast %swap3A_290 : vector<1x16xf32> to vector<16xf32>
      %swap3A_292 = vector.shape_cast %scan3A_263#4 : vector<16xf32> to vector<1x16xf32>
      tpu.vector_store %arg7[%swap3A_288, %swap3A_289], %swap3A_292 {strides = array<i32>} : memref<32x128xf32, #tpu.memory_space<vmem>>, vector<1x16xf32>,
      %swap3A_293 = arith.index_cast %add3A_268 : i32 to index
      %swap3A_294 = arith.constant 80 : index
      %swap3A_295 = tpu.vector_load %arg7[%swap3A_293, %swap3A_294] {strides = array<i32>} : memref<32x128xf32, #tpu.memory_space<vmem>>, vector<1x16xf32>,
      %swap3A_296 = vector.shape_cast %swap3A_295 : vector<1x16xf32> to vector<16xf32>
      %swap3A_297 = vector.shape_cast %scan3A_263#5 : vector<16xf32> to vector<1x16xf32>
      tpu.vector_store %arg7[%swap3A_293, %swap3A_294], %swap3A_297 {strides = array<i32>} : memref<32x128xf32, #tpu.memory_space<vmem>>, vector<1x16xf32>,
      %swap3A_298 = arith.index_cast %add3A_268 : i32 to index
      %swap3A_299 = arith.constant 96 : index
      %swap3A_300 = tpu.vector_load %arg7[%swap3A_298, %swap3A_299] {strides = array<i32>} : memref<32x128xf32, #tpu.memory_space<vmem>>, vector<1x16xf32>,
      %swap3A_301 = vector.shape_cast %swap3A_300 : vector<1x16xf32> to vector<16xf32>
      %swap3A_302 = vector.shape_cast %scan3A_263#6 : vector<16xf32> to vector<1x16xf32>
      tpu.vector_store %arg7[%swap3A_298, %swap3A_299], %swap3A_302 {strides = array<i32>} : memref<32x128xf32, #tpu.memory_space<vmem>>, vector<1x16xf32>,
      %swap3A_303 = arith.index_cast %add3A_268 : i32 to index
      %swap3A_304 = arith.constant 112 : index
      %swap3A_305 = tpu.vector_load %arg7[%swap3A_303, %swap3A_304] {strides = array<i32>} : memref<32x128xf32, #tpu.memory_space<vmem>>, vector<1x16xf32>,
      %swap3A_306 = vector.shape_cast %swap3A_305 : vector<1x16xf32> to vector<16xf32>
      %swap3A_307 = vector.shape_cast %scan3A_263#7 : vector<16xf32> to vector<1x16xf32>
      tpu.vector_store %arg7[%swap3A_303, %swap3A_304], %swap3A_307 {strides = array<i32>} : memref<32x128xf32, #tpu.memory_space<vmem>>, vector<1x16xf32>,
      %add3A_308 = arith.constant 4 : i32
      %add3A_309 = arith.addi %add3A_243, %add3A_308 : i32
      %lt3A_310 = arith.constant 64 : i32
      %lt3A_311 = arith.cmpi slt, %add3A_309, %lt3A_310 : i32
      %convert_element_type3A_312 = arith.extui %lt3A_311 : i1 to i32
      %cond3A_313 = arith.constant 0 : i32
      %cond3A_314 = arith.cmpi ne, %convert_element_type3A_312, %cond3A_313 : i32
      scf.if %cond3A_314 {
        %jit3A_506 = arith.constant 2 : i32
        %div3A_507 = arith.divsi %add3A_309, %jit3A_506 : i32
        %sign3A_508 = arith.constant 0 : i32
        %sign3A_509 = arith.cmpi sgt, %add3A_309, %sign3A_508 : i32
        %sign3A_510 = arith.extui %sign3A_509 : i1 to i32
        %sign3A_511 = arith.constant 0 : i32
        %sign3A_512 = arith.cmpi slt, %add3A_309, %sign3A_511 : i32
        %sign3A_513 = arith.extui %sign3A_512 : i1 to i32
        %sign3A_514 = arith.subi %sign3A_510, %sign3A_513 : i32
        %sign3A_515 = arith.constant 0 : i32
        %sign3A_516 = arith.cmpi sgt, %jit3A_506, %sign3A_515 : i32
        %sign3A_517 = arith.extui %sign3A_516 : i1 to i32
        %sign3A_518 = arith.constant 0 : i32
        %sign3A_519 = arith.cmpi slt, %jit3A_506, %sign3A_518 : i32
        %sign3A_520 = arith.extui %sign3A_519 : i1 to i32
        %sign3A_521 = arith.subi %sign3A_517, %sign3A_520 : i32
        %ne3A_522 = arith.cmpi ne, %sign3A_514, %sign3A_521 : i32
        %rem3A_523 = arith.remsi %add3A_309, %jit3A_506 : i32
        %ne3A_524 = arith.constant 0 : i32
        %ne3A_525 = arith.cmpi ne, %rem3A_523, %ne3A_524 : i32
        %and3A_526 = arith.andi %ne3A_522, %ne3A_525 : i1
        %sub3A_527 = arith.constant 1 : i32
        %sub3A_528 = arith.subi %div3A_507, %sub3A_527 : i32
        %select_n3A_529 = arith.select %and3A_526, %sub3A_528, %div3A_507 : i32
        %jit3A_530 = arith.constant 8 : i32
        %div3A_531 = arith.divsi %select_n3A_529, %jit3A_530 : i32
        %sign3A_532 = arith.constant 0 : i32
        %sign3A_533 = arith.cmpi sgt, %select_n3A_529, %sign3A_532 : i32
        %sign3A_534 = arith.extui %sign3A_533 : i1 to i32
        %sign3A_535 = arith.constant 0 : i32
        %sign3A_536 = arith.cmpi slt, %select_n3A_529, %sign3A_535 : i32
        %sign3A_537 = arith.extui %sign3A_536 : i1 to i32
        %sign3A_538 = arith.subi %sign3A_534, %sign3A_537 : i32
        %sign3A_539 = arith.constant 0 : i32
        %sign3A_540 = arith.cmpi sgt, %jit3A_530, %sign3A_539 : i32
        %sign3A_541 = arith.extui %sign3A_540 : i1 to i32
        %sign3A_542 = arith.constant 0 : i32
        %sign3A_543 = arith.cmpi slt, %jit3A_530, %sign3A_542 : i32
        %sign3A_544 = arith.extui %sign3A_543 : i1 to i32
        %sign3A_545 = arith.subi %sign3A_541, %sign3A_544 : i32
        %ne3A_546 = arith.cmpi ne, %sign3A_538, %sign3A_545 : i32
        %rem3A_547 = arith.remsi %select_n3A_529, %jit3A_530 : i32
        %ne3A_548 = arith.constant 0 : i32
        %ne3A_549 = arith.cmpi ne, %rem3A_547, %ne3A_548 : i32
        %and3A_550 = arith.andi %ne3A_546, %ne3A_549 : i1
        %sub3A_551 = arith.constant 1 : i32
        %sub3A_552 = arith.subi %div3A_531, %sub3A_551 : i32
        %select_n3A_553 = arith.select %and3A_550, %sub3A_552, %div3A_531 : i32
        %mul3A_554 = arith.constant 8 : i32
        %mul3A_555 = arith.muli %select_n3A_553, %mul3A_554 : i32
        %sub3A_556 = arith.subi %select_n3A_529, %mul3A_555 : i32
        %and3A_557 = arith.constant 1 : i32
        %and3A_558 = arith.andi %select_n3A_553, %and3A_557 : i32
        %jit3A_559 = arith.constant 2 : i32
        %eq3A_560 = arith.constant 0 : i32
        %eq3A_561 = arith.cmpi eq, %jit3A_559, %eq3A_560 : i32
        %jit3A_562 = arith.constant 1 : i32
        %select_n3A_563 = arith.select %eq3A_561, %jit3A_562, %jit3A_559 : i32
        %rem3A_564 = arith.remsi %add3A_309, %select_n3A_563 : i32
        %ne3A_565 = arith.constant 0 : i32
        %ne3A_566 = arith.cmpi ne, %rem3A_564, %ne3A_565 : i32
        %lt3A_567 = arith.constant 0 : i32
        %lt3A_568 = arith.cmpi slt, %rem3A_564, %lt3A_567 : i32
        %lt3A_569 = arith.constant 0 : i32
        %lt3A_570 = arith.cmpi slt, %select_n3A_563, %lt3A_569 : i32
        %ne3A_571 = arith.xori %lt3A_568, %lt3A_570 : i1
        %and3A_572 = arith.andi %ne3A_571, %ne3A_566 : i1
        %add3A_573 = arith.addi %rem3A_564, %select_n3A_563 : i32
        %select_n3A_574 = arith.select %and3A_572, %add3A_573, %rem3A_564 : i32
        %mul3A_575 = arith.constant 2 : i32
        %mul3A_576 = arith.muli %select_n3A_574, %mul3A_575 : i32
        %add3A_577 = arith.constant 0 : i32
        %add3A_578 = arith.addi %mul3A_576, %add3A_577 : i32
        %dma_start3A_579 = arith.constant 1 : i32
        %dma_start3A_580 = arith.constant 0 : i32
        %dma_start3A_581 = arith.constant 0 : i32
        %dma_start3A_582 = tpu.memref_slice %arg6[%dma_start3A_579, %dma_start3A_580, %dma_start3A_581] : memref<4x200x128xf32, #tpu.memory_space<vmem>> -> memref<1x100x128xf32, #tpu.memory_space<vmem>>
        %dma_start3A_583 = tpu.memref_squeeze %dma_start3A_582 : memref<1x100x128xf32, #tpu.memory_space<vmem>> -> memref<100x128xf32, #tpu.memory_space<vmem>>
        %dma_start3A_584 = arith.constant 0 : i32
        %dma_start3A_585 = tpu.memref_slice %arg5[%and3A_558, %sub3A_556, %add3A_578, %dma_start3A_584] : memref<2x8x4x100xi32, #tpu.memory_space<vmem>> -> memref<1x1x1x100xi32, #tpu.memory_space<vmem>>
        %dma_start3A_586 = tpu.memref_squeeze %dma_start3A_585 : memref<1x1x1x100xi32, #tpu.memory_space<vmem>> -> memref<100xi32, #tpu.memory_space<vmem>>
        %dma_start3A_587 = arith.constant 0 : i32
        %dma_start3A_588 = arith.constant 0 : i32
        %dma_start3A_589 = tpu.memref_slice %arg3[%dma_start3A_587, %dma_start3A_588] : memref<100000x128xf32, #tpu.memory_space<hbm>> -> memref<100000x128xf32, #tpu.memory_space<hbm>>
        tpu.enqueue_indirect_dma source(%dma_start3A_589 : memref<100000x128xf32, #tpu.memory_space<hbm>>) target(%dma_start3A_583 : memref<100x128xf32, #tpu.memory_space<vmem>>) offsets(%dma_start3A_586 : memref<100xi32, #tpu.memory_space<vmem>>) semaphore(%arg9 : memref<!tpu.dma_semaphore, #tpu.memory_space<semaphore_mem>>)
        %and3A_590 = arith.constant 1 : i32
        %and3A_591 = arith.andi %select_n3A_553, %and3A_590 : i32
        %jit3A_592 = arith.constant 2 : i32
        %eq3A_593 = arith.constant 0 : i32
        %eq3A_594 = arith.cmpi eq, %jit3A_592, %eq3A_593 : i32
        %jit3A_595 = arith.constant 1 : i32
        %select_n3A_596 = arith.select %eq3A_594, %jit3A_595, %jit3A_592 : i32
        %rem3A_597 = arith.remsi %add3A_309, %select_n3A_596 : i32
        %ne3A_598 = arith.constant 0 : i32
        %ne3A_599 = arith.cmpi ne, %rem3A_597, %ne3A_598 : i32
        %lt3A_600 = arith.constant 0 : i32
        %lt3A_601 = arith.cmpi slt, %rem3A_597, %lt3A_600 : i32
        %lt3A_602 = arith.constant 0 : i32
        %lt3A_603 = arith.cmpi slt, %select_n3A_596, %lt3A_602 : i32
        %ne3A_604 = arith.xori %lt3A_601, %lt3A_603 : i1
        %and3A_605 = arith.andi %ne3A_604, %ne3A_599 : i1
        %add3A_606 = arith.addi %rem3A_597, %select_n3A_596 : i32
        %select_n3A_607 = arith.select %and3A_605, %add3A_606, %rem3A_597 : i32
        %mul3A_608 = arith.constant 2 : i32
        %mul3A_609 = arith.muli %select_n3A_607, %mul3A_608 : i32
        %add3A_610 = arith.constant 1 : i32
        %add3A_611 = arith.addi %mul3A_609, %add3A_610 : i32
        %dma_start3A_612 = arith.constant 1 : i32
        %dma_start3A_613 = arith.constant 100 : i32
        %dma_start3A_614 = arith.constant 0 : i32
        %dma_start3A_615 = tpu.memref_slice %arg6[%dma_start3A_612, %dma_start3A_613, %dma_start3A_614] : memref<4x200x128xf32, #tpu.memory_space<vmem>> -> memref<1x100x128xf32, #tpu.memory_space<vmem>>
        %dma_start3A_616 = tpu.memref_squeeze %dma_start3A_615 : memref<1x100x128xf32, #tpu.memory_space<vmem>> -> memref<100x128xf32, #tpu.memory_space<vmem>>
        %dma_start3A_617 = arith.constant 0 : i32
        %dma_start3A_618 = tpu.memref_slice %arg5[%and3A_591, %sub3A_556, %add3A_611, %dma_start3A_617] : memref<2x8x4x100xi32, #tpu.memory_space<vmem>> -> memref<1x1x1x100xi32, #tpu.memory_space<vmem>>
        %dma_start3A_619 = tpu.memref_squeeze %dma_start3A_618 : memref<1x1x1x100xi32, #tpu.memory_space<vmem>> -> memref<100xi32, #tpu.memory_space<vmem>>
        %dma_start3A_620 = arith.constant 0 : i32
        %dma_start3A_621 = arith.constant 0 : i32
        %dma_start3A_622 = tpu.memref_slice %arg3[%dma_start3A_620, %dma_start3A_621] : memref<100000x128xf32, #tpu.memory_space<hbm>> -> memref<100000x128xf32, #tpu.memory_space<hbm>>
        tpu.enqueue_indirect_dma source(%dma_start3A_622 : memref<100000x128xf32, #tpu.memory_space<hbm>>) target(%dma_start3A_616 : memref<100x128xf32, #tpu.memory_space<vmem>>) offsets(%dma_start3A_619 : memref<100xi32, #tpu.memory_space<vmem>>) semaphore(%arg9 : memref<!tpu.dma_semaphore, #tpu.memory_space<semaphore_mem>>)
      } else {
      }
      %mul3A_315 = arith.constant 4 : i32
      %mul3A_316 = arith.muli %mul3A_315, %scan3A_138 : i32
      %add3A_317 = arith.constant 2 : i32
      %add3A_318 = arith.addi %mul3A_316, %add3A_317 : i32
      %dma_wait3A_319 = arith.constant 2 : i32
      %dma_wait3A_320 = arith.constant 0 : i32
      %dma_wait3A_321 = arith.constant 0 : i32
      %dma_wait3A_322 = tpu.memref_slice %arg6[%dma_wait3A_319, %dma_wait3A_320, %dma_wait3A_321] : memref<4x200x128xf32, #tpu.memory_space<vmem>> -> memref<1x200x128xf32, #tpu.memory_space<vmem>>
      %dma_wait3A_323 = tpu.memref_squeeze %dma_wait3A_322 : memref<1x200x128xf32, #tpu.memory_space<vmem>> -> memref<200x128xf32, #tpu.memory_space<vmem>>
      %dma_wait3A_324 = arith.constant 0 : i32
      %dma_wait3A_325 = arith.constant 0 : i32
      %dma_wait3A_326 = tpu.memref_slice %arg3[%dma_wait3A_324, %dma_wait3A_325] : memref<100000x128xf32, #tpu.memory_space<hbm>> -> memref<200x128xf32, #tpu.memory_space<hbm>>
      %dma_wait3A_327 = arith.constant 0 : i32
      %dma_wait3A_328 = arith.constant 0 : i32
      %dma_wait3A_329 = tpu.memref_slice %arg6[%dma_wait3A_319, %dma_wait3A_327, %dma_wait3A_328] : memref<4x200x128xf32, #tpu.memory_space<vmem>> -> memref<1x200x128xf32, #tpu.memory_space<vmem>>
      %dma_wait3A_330 = tpu.memref_squeeze %dma_wait3A_329 : memref<1x200x128xf32, #tpu.memory_space<vmem>> -> memref<200x128xf32, #tpu.memory_space<vmem>>
      %dma_wait3A_331 = arith.constant 0 : i32
      %dma_wait3A_332 = arith.constant 0 : i32
      %dma_wait3A_333 = tpu.memref_slice %arg3[%dma_wait3A_331, %dma_wait3A_332] : memref<100000x128xf32, #tpu.memory_space<hbm>> -> memref<200x128xf32, #tpu.memory_space<hbm>>
      tpu.wait_dma2 semaphore(%arg10 : memref<!tpu.dma_semaphore, #tpu.memory_space<semaphore_mem>>) src(%dma_wait3A_333 : memref<200x128xf32, #tpu.memory_space<hbm>>) dst(%dma_wait3A_330 : memref<200x128xf32, #tpu.memory_space<vmem>>)
      %broadcast_in_dim3A_334 = arith.constant 0xFF800000 : f32
      %broadcast_in_dim3A_335 = vector.broadcast %broadcast_in_dim3A_334 : f32 to vector<16xf32>
      %broadcast_in_dim3A_336 = arith.constant 0xFF800000 : f32
      %broadcast_in_dim3A_337 = vector.broadcast %broadcast_in_dim3A_336 : f32 to vector<16xf32>
      %broadcast_in_dim3A_338 = arith.constant 0xFF800000 : f32
      %broadcast_in_dim3A_339 = vector.broadcast %broadcast_in_dim3A_338 : f32 to vector<16xf32>
      %broadcast_in_dim3A_340 = arith.constant 0xFF800000 : f32
      %broadcast_in_dim3A_341 = vector.broadcast %broadcast_in_dim3A_340 : f32 to vector<16xf32>
      %broadcast_in_dim3A_342 = arith.constant 0xFF800000 : f32
      %broadcast_in_dim3A_343 = vector.broadcast %broadcast_in_dim3A_342 : f32 to vector<16xf32>
      %broadcast_in_dim3A_344 = arith.constant 0xFF800000 : f32
      %broadcast_in_dim3A_345 = vector.broadcast %broadcast_in_dim3A_344 : f32 to vector<16xf32>
      %broadcast_in_dim3A_346 = arith.constant 0xFF800000 : f32
      %broadcast_in_dim3A_347 = vector.broadcast %broadcast_in_dim3A_346 : f32 to vector<16xf32>
      %broadcast_in_dim3A_348 = arith.constant 0xFF800000 : f32
      %broadcast_in_dim3A_349 = vector.broadcast %broadcast_in_dim3A_348 : f32 to vector<16xf32>
      %scan3A_350 = arith.constant 0 : i32
      %scan3A_351 = arith.constant 200 : i32
      %scan3A_352 = arith.addi %scan3A_350, %scan3A_351 : i32
      %scan3A_353 = arith.constant 8 : i32
      %scan3A_354:8 = scf.for %scan3A_506 = %scan3A_350 to %scan3A_352 step %scan3A_353 iter_args(%scan3A_507 = %broadcast_in_dim3A_335, %scan3A_508 = %broadcast_in_dim3A_337, %scan3A_509 = %broadcast_in_dim3A_339, %scan3A_510 = %broadcast_in_dim3A_341, %scan3A_511 = %broadcast_in_dim3A_343, %scan3A_512 = %broadcast_in_dim3A_345, %scan3A_513 = %broadcast_in_dim3A_347, %scan3A_514 = %broadcast_in_dim3A_349) -> (vector<16xf32>, vector<16xf32>, vector<16xf32>, vector<16xf32>, vector<16xf32>, vector<16xf32>, vector<16xf32>, vector<16xf32>)  : i32 {
        %get3A = arith.constant 2 : i32
        %get3A_515 = arith.index_cast %get3A : i32 to index
        %get3A_516 = arith.index_cast %scan3A_506 : i32 to index
        %get3A_517 = arith.constant 0 : index
        %get3A_518 = tpu.vector_load %arg6[%get3A_515, %get3A_516, %get3A_517] {strides = array<i32>} : memref<4x200x128xf32, #tpu.memory_space<vmem>>, vector<1x1x16xf32>,
        %get3A_519 = vector.shape_cast %get3A_518 : vector<1x1x16xf32> to vector<16xf32>
        %max3A = arith.maximumf %scan3A_507, %get3A_519 : vector<16xf32>
        %get3A_520 = arith.constant 2 : i32
        %get3A_521 = arith.index_cast %get3A_520 : i32 to index
        %get3A_522 = arith.index_cast %scan3A_506 : i32 to index
        %get3A_523 = arith.constant 16 : index
        %get3A_524 = tpu.vector_load %arg6[%get3A_521, %get3A_522, %get3A_523] {strides = array<i32>} : memref<4x200x128xf32, #tpu.memory_space<vmem>>, vector<1x1x16xf32>,
        %get3A_525 = vector.shape_cast %get3A_524 : vector<1x1x16xf32> to vector<16xf32>
        %max3A_526 = arith.maximumf %scan3A_508, %get3A_525 : vector<16xf32>
        %get3A_527 = arith.constant 2 : i32
        %get3A_528 = arith.index_cast %get3A_527 : i32 to index
        %get3A_529 = arith.index_cast %scan3A_506 : i32 to index
        %get3A_530 = arith.constant 32 : index
        %get3A_531 = tpu.vector_load %arg6[%get3A_528, %get3A_529, %get3A_530] {strides = array<i32>} : memref<4x200x128xf32, #tpu.memory_space<vmem>>, vector<1x1x16xf32>,
        %get3A_532 = vector.shape_cast %get3A_531 : vector<1x1x16xf32> to vector<16xf32>
        %max3A_533 = arith.maximumf %scan3A_509, %get3A_532 : vector<16xf32>
        %get3A_534 = arith.constant 2 : i32
        %get3A_535 = arith.index_cast %get3A_534 : i32 to index
        %get3A_536 = arith.index_cast %scan3A_506 : i32 to index
        %get3A_537 = arith.constant 48 : index
        %get3A_538 = tpu.vector_load %arg6[%get3A_535, %get3A_536, %get3A_537] {strides = array<i32>} : memref<4x200x128xf32, #tpu.memory_space<vmem>>, vector<1x1x16xf32>,
        %get3A_539 = vector.shape_cast %get3A_538 : vector<1x1x16xf32> to vector<16xf32>
        %max3A_540 = arith.maximumf %scan3A_510, %get3A_539 : vector<16xf32>
        %get3A_541 = arith.constant 2 : i32
        %get3A_542 = arith.index_cast %get3A_541 : i32 to index
        %get3A_543 = arith.index_cast %scan3A_506 : i32 to index
        %get3A_544 = arith.constant 64 : index
        %get3A_545 = tpu.vector_load %arg6[%get3A_542, %get3A_543, %get3A_544] {strides = array<i32>} : memref<4x200x128xf32, #tpu.memory_space<vmem>>, vector<1x1x16xf32>,
        %get3A_546 = vector.shape_cast %get3A_545 : vector<1x1x16xf32> to vector<16xf32>
        %max3A_547 = arith.maximumf %scan3A_511, %get3A_546 : vector<16xf32>
        %get3A_548 = arith.constant 2 : i32
        %get3A_549 = arith.index_cast %get3A_548 : i32 to index
        %get3A_550 = arith.index_cast %scan3A_506 : i32 to index
        %get3A_551 = arith.constant 80 : index
        %get3A_552 = tpu.vector_load %arg6[%get3A_549, %get3A_550, %get3A_551] {strides = array<i32>} : memref<4x200x128xf32, #tpu.memory_space<vmem>>, vector<1x1x16xf32>,
        %get3A_553 = vector.shape_cast %get3A_552 : vector<1x1x16xf32> to vector<16xf32>
        %max3A_554 = arith.maximumf %scan3A_512, %get3A_553 : vector<16xf32>
        %get3A_555 = arith.constant 2 : i32
        %get3A_556 = arith.index_cast %get3A_555 : i32 to index
        %get3A_557 = arith.index_cast %scan3A_506 : i32 to index
        %get3A_558 = arith.constant 96 : index
        %get3A_559 = tpu.vector_load %arg6[%get3A_556, %get3A_557, %get3A_558] {strides = array<i32>} : memref<4x200x128xf32, #tpu.memory_space<vmem>>, vector<1x1x16xf32>,
        %get3A_560 = vector.shape_cast %get3A_559 : vector<1x1x16xf32> to vector<16xf32>
        %max3A_561 = arith.maximumf %scan3A_513, %get3A_560 : vector<16xf32>
        %get3A_562 = arith.constant 2 : i32
        %get3A_563 = arith.index_cast %get3A_562 : i32 to index
        %get3A_564 = arith.index_cast %scan3A_506 : i32 to index
        %get3A_565 = arith.constant 112 : index
        %get3A_566 = tpu.vector_load %arg6[%get3A_563, %get3A_564, %get3A_565] {strides = array<i32>} : memref<4x200x128xf32, #tpu.memory_space<vmem>>, vector<1x1x16xf32>,
        %get3A_567 = vector.shape_cast %get3A_566 : vector<1x1x16xf32> to vector<16xf32>
        %max3A_568 = arith.maximumf %scan3A_514, %get3A_567 : vector<16xf32>
        %scan3A_569 = arith.constant 1 : i32
        %scan3A_570 = arith.addi %scan3A_506, %scan3A_569 : i32
        %get3A_571 = arith.constant 2 : i32
        %get3A_572 = arith.index_cast %get3A_571 : i32 to index
        %get3A_573 = arith.index_cast %scan3A_570 : i32 to index
        %get3A_574 = arith.constant 0 : index
        %get3A_575 = tpu.vector_load %arg6[%get3A_572, %get3A_573, %get3A_574] {strides = array<i32>} : memref<4x200x128xf32, #tpu.memory_space<vmem>>, vector<1x1x16xf32>,
        %get3A_576 = vector.shape_cast %get3A_575 : vector<1x1x16xf32> to vector<16xf32>
        %max3A_577 = arith.maximumf %max3A, %get3A_576 : vector<16xf32>
        %get3A_578 = arith.constant 2 : i32
        %get3A_579 = arith.index_cast %get3A_578 : i32 to index
        %get3A_580 = arith.index_cast %scan3A_570 : i32 to index
        %get3A_581 = arith.constant 16 : index
        %get3A_582 = tpu.vector_load %arg6[%get3A_579, %get3A_580, %get3A_581] {strides = array<i32>} : memref<4x200x128xf32, #tpu.memory_space<vmem>>, vector<1x1x16xf32>,
        %get3A_583 = vector.shape_cast %get3A_582 : vector<1x1x16xf32> to vector<16xf32>
        %max3A_584 = arith.maximumf %max3A_526, %get3A_583 : vector<16xf32>
        %get3A_585 = arith.constant 2 : i32
        %get3A_586 = arith.index_cast %get3A_585 : i32 to index
        %get3A_587 = arith.index_cast %scan3A_570 : i32 to index
        %get3A_588 = arith.constant 32 : index
        %get3A_589 = tpu.vector_load %arg6[%get3A_586, %get3A_587, %get3A_588] {strides = array<i32>} : memref<4x200x128xf32, #tpu.memory_space<vmem>>, vector<1x1x16xf32>,
        %get3A_590 = vector.shape_cast %get3A_589 : vector<1x1x16xf32> to vector<16xf32>
        %max3A_591 = arith.maximumf %max3A_533, %get3A_590 : vector<16xf32>
        %get3A_592 = arith.constant 2 : i32
        %get3A_593 = arith.index_cast %get3A_592 : i32 to index
        %get3A_594 = arith.index_cast %scan3A_570 : i32 to index
        %get3A_595 = arith.constant 48 : index
        %get3A_596 = tpu.vector_load %arg6[%get3A_593, %get3A_594, %get3A_595] {strides = array<i32>} : memref<4x200x128xf32, #tpu.memory_space<vmem>>, vector<1x1x16xf32>,
        %get3A_597 = vector.shape_cast %get3A_596 : vector<1x1x16xf32> to vector<16xf32>
        %max3A_598 = arith.maximumf %max3A_540, %get3A_597 : vector<16xf32>
        %get3A_599 = arith.constant 2 : i32
        %get3A_600 = arith.index_cast %get3A_599 : i32 to index
        %get3A_601 = arith.index_cast %scan3A_570 : i32 to index
        %get3A_602 = arith.constant 64 : index
        %get3A_603 = tpu.vector_load %arg6[%get3A_600, %get3A_601, %get3A_602] {strides = array<i32>} : memref<4x200x128xf32, #tpu.memory_space<vmem>>, vector<1x1x16xf32>,
        %get3A_604 = vector.shape_cast %get3A_603 : vector<1x1x16xf32> to vector<16xf32>
        %max3A_605 = arith.maximumf %max3A_547, %get3A_604 : vector<16xf32>
        %get3A_606 = arith.constant 2 : i32
        %get3A_607 = arith.index_cast %get3A_606 : i32 to index
        %get3A_608 = arith.index_cast %scan3A_570 : i32 to index
        %get3A_609 = arith.constant 80 : index
        %get3A_610 = tpu.vector_load %arg6[%get3A_607, %get3A_608, %get3A_609] {strides = array<i32>} : memref<4x200x128xf32, #tpu.memory_space<vmem>>, vector<1x1x16xf32>,
        %get3A_611 = vector.shape_cast %get3A_610 : vector<1x1x16xf32> to vector<16xf32>
        %max3A_612 = arith.maximumf %max3A_554, %get3A_611 : vector<16xf32>
        %get3A_613 = arith.constant 2 : i32
        %get3A_614 = arith.index_cast %get3A_613 : i32 to index
        %get3A_615 = arith.index_cast %scan3A_570 : i32 to index
        %get3A_616 = arith.constant 96 : index
        %get3A_617 = tpu.vector_load %arg6[%get3A_614, %get3A_615, %get3A_616] {strides = array<i32>} : memref<4x200x128xf32, #tpu.memory_space<vmem>>, vector<1x1x16xf32>,
        %get3A_618 = vector.shape_cast %get3A_617 : vector<1x1x16xf32> to vector<16xf32>
        %max3A_619 = arith.maximumf %max3A_561, %get3A_618 : vector<16xf32>
        %get3A_620 = arith.constant 2 : i32
        %get3A_621 = arith.index_cast %get3A_620 : i32 to index
        %get3A_622 = arith.index_cast %scan3A_570 : i32 to index
        %get3A_623 = arith.constant 112 : index
        %get3A_624 = tpu.vector_load %arg6[%get3A_621, %get3A_622, %get3A_623] {strides = array<i32>} : memref<4x200x128xf32, #tpu.memory_space<vmem>>, vector<1x1x16xf32>,
        %get3A_625 = vector.shape_cast %get3A_624 : vector<1x1x16xf32> to vector<16xf32>
        %max3A_626 = arith.maximumf %max3A_568, %get3A_625 : vector<16xf32>
        %scan3A_627 = arith.constant 2 : i32
        %scan3A_628 = arith.addi %scan3A_506, %scan3A_627 : i32
        %get3A_629 = arith.constant 2 : i32
        %get3A_630 = arith.index_cast %get3A_629 : i32 to index
        %get3A_631 = arith.index_cast %scan3A_628 : i32 to index
        %get3A_632 = arith.constant 0 : index
        %get3A_633 = tpu.vector_load %arg6[%get3A_630, %get3A_631, %get3A_632] {strides = array<i32>} : memref<4x200x128xf32, #tpu.memory_space<vmem>>, vector<1x1x16xf32>,
        %get3A_634 = vector.shape_cast %get3A_633 : vector<1x1x16xf32> to vector<16xf32>
        %max3A_635 = arith.maximumf %max3A_577, %get3A_634 : vector<16xf32>
        %get3A_636 = arith.constant 2 : i32
        %get3A_637 = arith.index_cast %get3A_636 : i32 to index
        %get3A_638 = arith.index_cast %scan3A_628 : i32 to index
        %get3A_639 = arith.constant 16 : index
        %get3A_640 = tpu.vector_load %arg6[%get3A_637, %get3A_638, %get3A_639] {strides = array<i32>} : memref<4x200x128xf32, #tpu.memory_space<vmem>>, vector<1x1x16xf32>,
        %get3A_641 = vector.shape_cast %get3A_640 : vector<1x1x16xf32> to vector<16xf32>
        %max3A_642 = arith.maximumf %max3A_584, %get3A_641 : vector<16xf32>
        %get3A_643 = arith.constant 2 : i32
        %get3A_644 = arith.index_cast %get3A_643 : i32 to index
        %get3A_645 = arith.index_cast %scan3A_628 : i32 to index
        %get3A_646 = arith.constant 32 : index
        %get3A_647 = tpu.vector_load %arg6[%get3A_644, %get3A_645, %get3A_646] {strides = array<i32>} : memref<4x200x128xf32, #tpu.memory_space<vmem>>, vector<1x1x16xf32>,
        %get3A_648 = vector.shape_cast %get3A_647 : vector<1x1x16xf32> to vector<16xf32>
        %max3A_649 = arith.maximumf %max3A_591, %get3A_648 : vector<16xf32>
        %get3A_650 = arith.constant 2 : i32
        %get3A_651 = arith.index_cast %get3A_650 : i32 to index
        %get3A_652 = arith.index_cast %scan3A_628 : i32 to index
        %get3A_653 = arith.constant 48 : index
        %get3A_654 = tpu.vector_load %arg6[%get3A_651, %get3A_652, %get3A_653] {strides = array<i32>} : memref<4x200x128xf32, #tpu.memory_space<vmem>>, vector<1x1x16xf32>,
        %get3A_655 = vector.shape_cast %get3A_654 : vector<1x1x16xf32> to vector<16xf32>
        %max3A_656 = arith.maximumf %max3A_598, %get3A_655 : vector<16xf32>
        %get3A_657 = arith.constant 2 : i32
        %get3A_658 = arith.index_cast %get3A_657 : i32 to index
        %get3A_659 = arith.index_cast %scan3A_628 : i32 to index
        %get3A_660 = arith.constant 64 : index
        %get3A_661 = tpu.vector_load %arg6[%get3A_658, %get3A_659, %get3A_660] {strides = array<i32>} : memref<4x200x128xf32, #tpu.memory_space<vmem>>, vector<1x1x16xf32>,
        %get3A_662 = vector.shape_cast %get3A_661 : vector<1x1x16xf32> to vector<16xf32>
        %max3A_663 = arith.maximumf %max3A_605, %get3A_662 : vector<16xf32>
        %get3A_664 = arith.constant 2 : i32
        %get3A_665 = arith.index_cast %get3A_664 : i32 to index
        %get3A_666 = arith.index_cast %scan3A_628 : i32 to index
        %get3A_667 = arith.constant 80 : index
        %get3A_668 = tpu.vector_load %arg6[%get3A_665, %get3A_666, %get3A_667] {strides = array<i32>} : memref<4x200x128xf32, #tpu.memory_space<vmem>>, vector<1x1x16xf32>,
        %get3A_669 = vector.shape_cast %get3A_668 : vector<1x1x16xf32> to vector<16xf32>
        %max3A_670 = arith.maximumf %max3A_612, %get3A_669 : vector<16xf32>
        %get3A_671 = arith.constant 2 : i32
        %get3A_672 = arith.index_cast %get3A_671 : i32 to index
        %get3A_673 = arith.index_cast %scan3A_628 : i32 to index
        %get3A_674 = arith.constant 96 : index
        %get3A_675 = tpu.vector_load %arg6[%get3A_672, %get3A_673, %get3A_674] {strides = array<i32>} : memref<4x200x128xf32, #tpu.memory_space<vmem>>, vector<1x1x16xf32>,
        %get3A_676 = vector.shape_cast %get3A_675 : vector<1x1x16xf32> to vector<16xf32>
        %max3A_677 = arith.maximumf %max3A_619, %get3A_676 : vector<16xf32>
        %get3A_678 = arith.constant 2 : i32
        %get3A_679 = arith.index_cast %get3A_678 : i32 to index
        %get3A_680 = arith.index_cast %scan3A_628 : i32 to index
        %get3A_681 = arith.constant 112 : index
        %get3A_682 = tpu.vector_load %arg6[%get3A_679, %get3A_680, %get3A_681] {strides = array<i32>} : memref<4x200x128xf32, #tpu.memory_space<vmem>>, vector<1x1x16xf32>,
        %get3A_683 = vector.shape_cast %get3A_682 : vector<1x1x16xf32> to vector<16xf32>
        %max3A_684 = arith.maximumf %max3A_626, %get3A_683 : vector<16xf32>
        %scan3A_685 = arith.constant 3 : i32
        %scan3A_686 = arith.addi %scan3A_506, %scan3A_685 : i32
        %get3A_687 = arith.constant 2 : i32
        %get3A_688 = arith.index_cast %get3A_687 : i32 to index
        %get3A_689 = arith.index_cast %scan3A_686 : i32 to index
        %get3A_690 = arith.constant 0 : index
        %get3A_691 = tpu.vector_load %arg6[%get3A_688, %get3A_689, %get3A_690] {strides = array<i32>} : memref<4x200x128xf32, #tpu.memory_space<vmem>>, vector<1x1x16xf32>,
        %get3A_692 = vector.shape_cast %get3A_691 : vector<1x1x16xf32> to vector<16xf32>
        %max3A_693 = arith.maximumf %max3A_635, %get3A_692 : vector<16xf32>
        %get3A_694 = arith.constant 2 : i32
        %get3A_695 = arith.index_cast %get3A_694 : i32 to index
        %get3A_696 = arith.index_cast %scan3A_686 : i32 to index
        %get3A_697 = arith.constant 16 : index
        %get3A_698 = tpu.vector_load %arg6[%get3A_695, %get3A_696, %get3A_697] {strides = array<i32>} : memref<4x200x128xf32, #tpu.memory_space<vmem>>, vector<1x1x16xf32>,
        %get3A_699 = vector.shape_cast %get3A_698 : vector<1x1x16xf32> to vector<16xf32>
        %max3A_700 = arith.maximumf %max3A_642, %get3A_699 : vector<16xf32>
        %get3A_701 = arith.constant 2 : i32
        %get3A_702 = arith.index_cast %get3A_701 : i32 to index
        %get3A_703 = arith.index_cast %scan3A_686 : i32 to index
        %get3A_704 = arith.constant 32 : index
        %get3A_705 = tpu.vector_load %arg6[%get3A_702, %get3A_703, %get3A_704] {strides = array<i32>} : memref<4x200x128xf32, #tpu.memory_space<vmem>>, vector<1x1x16xf32>,
        %get3A_706 = vector.shape_cast %get3A_705 : vector<1x1x16xf32> to vector<16xf32>
        %max3A_707 = arith.maximumf %max3A_649, %get3A_706 : vector<16xf32>
        %get3A_708 = arith.constant 2 : i32
        %get3A_709 = arith.index_cast %get3A_708 : i32 to index
        %get3A_710 = arith.index_cast %scan3A_686 : i32 to index
        %get3A_711 = arith.constant 48 : index
        %get3A_712 = tpu.vector_load %arg6[%get3A_709, %get3A_710, %get3A_711] {strides = array<i32>} : memref<4x200x128xf32, #tpu.memory_space<vmem>>, vector<1x1x16xf32>,
        %get3A_713 = vector.shape_cast %get3A_712 : vector<1x1x16xf32> to vector<16xf32>
        %max3A_714 = arith.maximumf %max3A_656, %get3A_713 : vector<16xf32>
        %get3A_715 = arith.constant 2 : i32
        %get3A_716 = arith.index_cast %get3A_715 : i32 to index
        %get3A_717 = arith.index_cast %scan3A_686 : i32 to index
        %get3A_718 = arith.constant 64 : index
        %get3A_719 = tpu.vector_load %arg6[%get3A_716, %get3A_717, %get3A_718] {strides = array<i32>} : memref<4x200x128xf32, #tpu.memory_space<vmem>>, vector<1x1x16xf32>,
        %get3A_720 = vector.shape_cast %get3A_719 : vector<1x1x16xf32> to vector<16xf32>
        %max3A_721 = arith.maximumf %max3A_663, %get3A_720 : vector<16xf32>
        %get3A_722 = arith.constant 2 : i32
        %get3A_723 = arith.index_cast %get3A_722 : i32 to index
        %get3A_724 = arith.index_cast %scan3A_686 : i32 to index
        %get3A_725 = arith.constant 80 : index
        %get3A_726 = tpu.vector_load %arg6[%get3A_723, %get3A_724, %get3A_725] {strides = array<i32>} : memref<4x200x128xf32, #tpu.memory_space<vmem>>, vector<1x1x16xf32>,
        %get3A_727 = vector.shape_cast %get3A_726 : vector<1x1x16xf32> to vector<16xf32>
        %max3A_728 = arith.maximumf %max3A_670, %get3A_727 : vector<16xf32>
        %get3A_729 = arith.constant 2 : i32
        %get3A_730 = arith.index_cast %get3A_729 : i32 to index
        %get3A_731 = arith.index_cast %scan3A_686 : i32 to index
        %get3A_732 = arith.constant 96 : index
        %get3A_733 = tpu.vector_load %arg6[%get3A_730, %get3A_731, %get3A_732] {strides = array<i32>} : memref<4x200x128xf32, #tpu.memory_space<vmem>>, vector<1x1x16xf32>,
        %get3A_734 = vector.shape_cast %get3A_733 : vector<1x1x16xf32> to vector<16xf32>
        %max3A_735 = arith.maximumf %max3A_677, %get3A_734 : vector<16xf32>
        %get3A_736 = arith.constant 2 : i32
        %get3A_737 = arith.index_cast %get3A_736 : i32 to index
        %get3A_738 = arith.index_cast %scan3A_686 : i32 to index
        %get3A_739 = arith.constant 112 : index
        %get3A_740 = tpu.vector_load %arg6[%get3A_737, %get3A_738, %get3A_739] {strides = array<i32>} : memref<4x200x128xf32, #tpu.memory_space<vmem>>, vector<1x1x16xf32>,
        %get3A_741 = vector.shape_cast %get3A_740 : vector<1x1x16xf32> to vector<16xf32>
        %max3A_742 = arith.maximumf %max3A_684, %get3A_741 : vector<16xf32>
        %scan3A_743 = arith.constant 4 : i32
        %scan3A_744 = arith.addi %scan3A_506, %scan3A_743 : i32
        %get3A_745 = arith.constant 2 : i32
        %get3A_746 = arith.index_cast %get3A_745 : i32 to index
        %get3A_747 = arith.index_cast %scan3A_744 : i32 to index
        %get3A_748 = arith.constant 0 : index
        %get3A_749 = tpu.vector_load %arg6[%get3A_746, %get3A_747, %get3A_748] {strides = array<i32>} : memref<4x200x128xf32, #tpu.memory_space<vmem>>, vector<1x1x16xf32>,
        %get3A_750 = vector.shape_cast %get3A_749 : vector<1x1x16xf32> to vector<16xf32>
        %max3A_751 = arith.maximumf %max3A_693, %get3A_750 : vector<16xf32>
        %get3A_752 = arith.constant 2 : i32
        %get3A_753 = arith.index_cast %get3A_752 : i32 to index
        %get3A_754 = arith.index_cast %scan3A_744 : i32 to index
        %get3A_755 = arith.constant 16 : index
        %get3A_756 = tpu.vector_load %arg6[%get3A_753, %get3A_754, %get3A_755] {strides = array<i32>} : memref<4x200x128xf32, #tpu.memory_space<vmem>>, vector<1x1x16xf32>,
        %get3A_757 = vector.shape_cast %get3A_756 : vector<1x1x16xf32> to vector<16xf32>
        %max3A_758 = arith.maximumf %max3A_700, %get3A_757 : vector<16xf32>
        %get3A_759 = arith.constant 2 : i32
        %get3A_760 = arith.index_cast %get3A_759 : i32 to index
        %get3A_761 = arith.index_cast %scan3A_744 : i32 to index
        %get3A_762 = arith.constant 32 : index
        %get3A_763 = tpu.vector_load %arg6[%get3A_760, %get3A_761, %get3A_762] {strides = array<i32>} : memref<4x200x128xf32, #tpu.memory_space<vmem>>, vector<1x1x16xf32>,
        %get3A_764 = vector.shape_cast %get3A_763 : vector<1x1x16xf32> to vector<16xf32>
        %max3A_765 = arith.maximumf %max3A_707, %get3A_764 : vector<16xf32>
        %get3A_766 = arith.constant 2 : i32
        %get3A_767 = arith.index_cast %get3A_766 : i32 to index
        %get3A_768 = arith.index_cast %scan3A_744 : i32 to index
        %get3A_769 = arith.constant 48 : index
        %get3A_770 = tpu.vector_load %arg6[%get3A_767, %get3A_768, %get3A_769] {strides = array<i32>} : memref<4x200x128xf32, #tpu.memory_space<vmem>>, vector<1x1x16xf32>,
        %get3A_771 = vector.shape_cast %get3A_770 : vector<1x1x16xf32> to vector<16xf32>
        %max3A_772 = arith.maximumf %max3A_714, %get3A_771 : vector<16xf32>
        %get3A_773 = arith.constant 2 : i32
        %get3A_774 = arith.index_cast %get3A_773 : i32 to index
        %get3A_775 = arith.index_cast %scan3A_744 : i32 to index
        %get3A_776 = arith.constant 64 : index
        %get3A_777 = tpu.vector_load %arg6[%get3A_774, %get3A_775, %get3A_776] {strides = array<i32>} : memref<4x200x128xf32, #tpu.memory_space<vmem>>, vector<1x1x16xf32>,
        %get3A_778 = vector.shape_cast %get3A_777 : vector<1x1x16xf32> to vector<16xf32>
        %max3A_779 = arith.maximumf %max3A_721, %get3A_778 : vector<16xf32>
        %get3A_780 = arith.constant 2 : i32
        %get3A_781 = arith.index_cast %get3A_780 : i32 to index
        %get3A_782 = arith.index_cast %scan3A_744 : i32 to index
        %get3A_783 = arith.constant 80 : index
        %get3A_784 = tpu.vector_load %arg6[%get3A_781, %get3A_782, %get3A_783] {strides = array<i32>} : memref<4x200x128xf32, #tpu.memory_space<vmem>>, vector<1x1x16xf32>,
        %get3A_785 = vector.shape_cast %get3A_784 : vector<1x1x16xf32> to vector<16xf32>
        %max3A_786 = arith.maximumf %max3A_728, %get3A_785 : vector<16xf32>
        %get3A_787 = arith.constant 2 : i32
        %get3A_788 = arith.index_cast %get3A_787 : i32 to index
        %get3A_789 = arith.index_cast %scan3A_744 : i32 to index
        %get3A_790 = arith.constant 96 : index
        %get3A_791 = tpu.vector_load %arg6[%get3A_788, %get3A_789, %get3A_790] {strides = array<i32>} : memref<4x200x128xf32, #tpu.memory_space<vmem>>, vector<1x1x16xf32>,
        %get3A_792 = vector.shape_cast %get3A_791 : vector<1x1x16xf32> to vector<16xf32>
        %max3A_793 = arith.maximumf %max3A_735, %get3A_792 : vector<16xf32>
        %get3A_794 = arith.constant 2 : i32
        %get3A_795 = arith.index_cast %get3A_794 : i32 to index
        %get3A_796 = arith.index_cast %scan3A_744 : i32 to index
        %get3A_797 = arith.constant 112 : index
        %get3A_798 = tpu.vector_load %arg6[%get3A_795, %get3A_796, %get3A_797] {strides = array<i32>} : memref<4x200x128xf32, #tpu.memory_space<vmem>>, vector<1x1x16xf32>,
        %get3A_799 = vector.shape_cast %get3A_798 : vector<1x1x16xf32> to vector<16xf32>
        %max3A_800 = arith.maximumf %max3A_742, %get3A_799 : vector<16xf32>
        %scan3A_801 = arith.constant 5 : i32
        %scan3A_802 = arith.addi %scan3A_506, %scan3A_801 : i32
        %get3A_803 = arith.constant 2 : i32
        %get3A_804 = arith.index_cast %get3A_803 : i32 to index
        %get3A_805 = arith.index_cast %scan3A_802 : i32 to index
        %get3A_806 = arith.constant 0 : index
        %get3A_807 = tpu.vector_load %arg6[%get3A_804, %get3A_805, %get3A_806] {strides = array<i32>} : memref<4x200x128xf32, #tpu.memory_space<vmem>>, vector<1x1x16xf32>,
        %get3A_808 = vector.shape_cast %get3A_807 : vector<1x1x16xf32> to vector<16xf32>
        %max3A_809 = arith.maximumf %max3A_751, %get3A_808 : vector<16xf32>
        %get3A_810 = arith.constant 2 : i32
        %get3A_811 = arith.index_cast %get3A_810 : i32 to index
        %get3A_812 = arith.index_cast %scan3A_802 : i32 to index
        %get3A_813 = arith.constant 16 : index
        %get3A_814 = tpu.vector_load %arg6[%get3A_811, %get3A_812, %get3A_813] {strides = array<i32>} : memref<4x200x128xf32, #tpu.memory_space<vmem>>, vector<1x1x16xf32>,
        %get3A_815 = vector.shape_cast %get3A_814 : vector<1x1x16xf32> to vector<16xf32>
        %max3A_816 = arith.maximumf %max3A_758, %get3A_815 : vector<16xf32>
        %get3A_817 = arith.constant 2 : i32
        %get3A_818 = arith.index_cast %get3A_817 : i32 to index
        %get3A_819 = arith.index_cast %scan3A_802 : i32 to index
        %get3A_820 = arith.constant 32 : index
        %get3A_821 = tpu.vector_load %arg6[%get3A_818, %get3A_819, %get3A_820] {strides = array<i32>} : memref<4x200x128xf32, #tpu.memory_space<vmem>>, vector<1x1x16xf32>,
        %get3A_822 = vector.shape_cast %get3A_821 : vector<1x1x16xf32> to vector<16xf32>
        %max3A_823 = arith.maximumf %max3A_765, %get3A_822 : vector<16xf32>
        %get3A_824 = arith.constant 2 : i32
        %get3A_825 = arith.index_cast %get3A_824 : i32 to index
        %get3A_826 = arith.index_cast %scan3A_802 : i32 to index
        %get3A_827 = arith.constant 48 : index
        %get3A_828 = tpu.vector_load %arg6[%get3A_825, %get3A_826, %get3A_827] {strides = array<i32>} : memref<4x200x128xf32, #tpu.memory_space<vmem>>, vector<1x1x16xf32>,
        %get3A_829 = vector.shape_cast %get3A_828 : vector<1x1x16xf32> to vector<16xf32>
        %max3A_830 = arith.maximumf %max3A_772, %get3A_829 : vector<16xf32>
        %get3A_831 = arith.constant 2 : i32
        %get3A_832 = arith.index_cast %get3A_831 : i32 to index
        %get3A_833 = arith.index_cast %scan3A_802 : i32 to index
        %get3A_834 = arith.constant 64 : index
        %get3A_835 = tpu.vector_load %arg6[%get3A_832, %get3A_833, %get3A_834] {strides = array<i32>} : memref<4x200x128xf32, #tpu.memory_space<vmem>>, vector<1x1x16xf32>,
        %get3A_836 = vector.shape_cast %get3A_835 : vector<1x1x16xf32> to vector<16xf32>
        %max3A_837 = arith.maximumf %max3A_779, %get3A_836 : vector<16xf32>
        %get3A_838 = arith.constant 2 : i32
        %get3A_839 = arith.index_cast %get3A_838 : i32 to index
        %get3A_840 = arith.index_cast %scan3A_802 : i32 to index
        %get3A_841 = arith.constant 80 : index
        %get3A_842 = tpu.vector_load %arg6[%get3A_839, %get3A_840, %get3A_841] {strides = array<i32>} : memref<4x200x128xf32, #tpu.memory_space<vmem>>, vector<1x1x16xf32>,
        %get3A_843 = vector.shape_cast %get3A_842 : vector<1x1x16xf32> to vector<16xf32>
        %max3A_844 = arith.maximumf %max3A_786, %get3A_843 : vector<16xf32>
        %get3A_845 = arith.constant 2 : i32
        %get3A_846 = arith.index_cast %get3A_845 : i32 to index
        %get3A_847 = arith.index_cast %scan3A_802 : i32 to index
        %get3A_848 = arith.constant 96 : index
        %get3A_849 = tpu.vector_load %arg6[%get3A_846, %get3A_847, %get3A_848] {strides = array<i32>} : memref<4x200x128xf32, #tpu.memory_space<vmem>>, vector<1x1x16xf32>,
        %get3A_850 = vector.shape_cast %get3A_849 : vector<1x1x16xf32> to vector<16xf32>
        %max3A_851 = arith.maximumf %max3A_793, %get3A_850 : vector<16xf32>
        %get3A_852 = arith.constant 2 : i32
        %get3A_853 = arith.index_cast %get3A_852 : i32 to index
        %get3A_854 = arith.index_cast %scan3A_802 : i32 to index
        %get3A_855 = arith.constant 112 : index
        %get3A_856 = tpu.vector_load %arg6[%get3A_853, %get3A_854, %get3A_855] {strides = array<i32>} : memref<4x200x128xf32, #tpu.memory_space<vmem>>, vector<1x1x16xf32>,
        %get3A_857 = vector.shape_cast %get3A_856 : vector<1x1x16xf32> to vector<16xf32>
        %max3A_858 = arith.maximumf %max3A_800, %get3A_857 : vector<16xf32>
        %scan3A_859 = arith.constant 6 : i32
        %scan3A_860 = arith.addi %scan3A_506, %scan3A_859 : i32
        %get3A_861 = arith.constant 2 : i32
        %get3A_862 = arith.index_cast %get3A_861 : i32 to index
        %get3A_863 = arith.index_cast %scan3A_860 : i32 to index
        %get3A_864 = arith.constant 0 : index
        %get3A_865 = tpu.vector_load %arg6[%get3A_862, %get3A_863, %get3A_864] {strides = array<i32>} : memref<4x200x128xf32, #tpu.memory_space<vmem>>, vector<1x1x16xf32>,
        %get3A_866 = vector.shape_cast %get3A_865 : vector<1x1x16xf32> to vector<16xf32>
        %max3A_867 = arith.maximumf %max3A_809, %get3A_866 : vector<16xf32>
        %get3A_868 = arith.constant 2 : i32
        %get3A_869 = arith.index_cast %get3A_868 : i32 to index
        %get3A_870 = arith.index_cast %scan3A_860 : i32 to index
        %get3A_871 = arith.constant 16 : index
        %get3A_872 = tpu.vector_load %arg6[%get3A_869, %get3A_870, %get3A_871] {strides = array<i32>} : memref<4x200x128xf32, #tpu.memory_space<vmem>>, vector<1x1x16xf32>,
        %get3A_873 = vector.shape_cast %get3A_872 : vector<1x1x16xf32> to vector<16xf32>
        %max3A_874 = arith.maximumf %max3A_816, %get3A_873 : vector<16xf32>
        %get3A_875 = arith.constant 2 : i32
        %get3A_876 = arith.index_cast %get3A_875 : i32 to index
        %get3A_877 = arith.index_cast %scan3A_860 : i32 to index
        %get3A_878 = arith.constant 32 : index
        %get3A_879 = tpu.vector_load %arg6[%get3A_876, %get3A_877, %get3A_878] {strides = array<i32>} : memref<4x200x128xf32, #tpu.memory_space<vmem>>, vector<1x1x16xf32>,
        %get3A_880 = vector.shape_cast %get3A_879 : vector<1x1x16xf32> to vector<16xf32>
        %max3A_881 = arith.maximumf %max3A_823, %get3A_880 : vector<16xf32>
        %get3A_882 = arith.constant 2 : i32
        %get3A_883 = arith.index_cast %get3A_882 : i32 to index
        %get3A_884 = arith.index_cast %scan3A_860 : i32 to index
        %get3A_885 = arith.constant 48 : index
        %get3A_886 = tpu.vector_load %arg6[%get3A_883, %get3A_884, %get3A_885] {strides = array<i32>} : memref<4x200x128xf32, #tpu.memory_space<vmem>>, vector<1x1x16xf32>,
        %get3A_887 = vector.shape_cast %get3A_886 : vector<1x1x16xf32> to vector<16xf32>
        %max3A_888 = arith.maximumf %max3A_830, %get3A_887 : vector<16xf32>
        %get3A_889 = arith.constant 2 : i32
        %get3A_890 = arith.index_cast %get3A_889 : i32 to index
        %get3A_891 = arith.index_cast %scan3A_860 : i32 to index
        %get3A_892 = arith.constant 64 : index
        %get3A_893 = tpu.vector_load %arg6[%get3A_890, %get3A_891, %get3A_892] {strides = array<i32>} : memref<4x200x128xf32, #tpu.memory_space<vmem>>, vector<1x1x16xf32>,
        %get3A_894 = vector.shape_cast %get3A_893 : vector<1x1x16xf32> to vector<16xf32>
        %max3A_895 = arith.maximumf %max3A_837, %get3A_894 : vector<16xf32>
        %get3A_896 = arith.constant 2 : i32
        %get3A_897 = arith.index_cast %get3A_896 : i32 to index
        %get3A_898 = arith.index_cast %scan3A_860 : i32 to index
        %get3A_899 = arith.constant 80 : index
        %get3A_900 = tpu.vector_load %arg6[%get3A_897, %get3A_898, %get3A_899] {strides = array<i32>} : memref<4x200x128xf32, #tpu.memory_space<vmem>>, vector<1x1x16xf32>,
        %get3A_901 = vector.shape_cast %get3A_900 : vector<1x1x16xf32> to vector<16xf32>
        %max3A_902 = arith.maximumf %max3A_844, %get3A_901 : vector<16xf32>
        %get3A_903 = arith.constant 2 : i32
        %get3A_904 = arith.index_cast %get3A_903 : i32 to index
        %get3A_905 = arith.index_cast %scan3A_860 : i32 to index
        %get3A_906 = arith.constant 96 : index
        %get3A_907 = tpu.vector_load %arg6[%get3A_904, %get3A_905, %get3A_906] {strides = array<i32>} : memref<4x200x128xf32, #tpu.memory_space<vmem>>, vector<1x1x16xf32>,
        %get3A_908 = vector.shape_cast %get3A_907 : vector<1x1x16xf32> to vector<16xf32>
        %max3A_909 = arith.maximumf %max3A_851, %get3A_908 : vector<16xf32>
        %get3A_910 = arith.constant 2 : i32
        %get3A_911 = arith.index_cast %get3A_910 : i32 to index
        %get3A_912 = arith.index_cast %scan3A_860 : i32 to index
        %get3A_913 = arith.constant 112 : index
        %get3A_914 = tpu.vector_load %arg6[%get3A_911, %get3A_912, %get3A_913] {strides = array<i32>} : memref<4x200x128xf32, #tpu.memory_space<vmem>>, vector<1x1x16xf32>,
        %get3A_915 = vector.shape_cast %get3A_914 : vector<1x1x16xf32> to vector<16xf32>
        %max3A_916 = arith.maximumf %max3A_858, %get3A_915 : vector<16xf32>
        %scan3A_917 = arith.constant 7 : i32
        %scan3A_918 = arith.addi %scan3A_506, %scan3A_917 : i32
        %get3A_919 = arith.constant 2 : i32
        %get3A_920 = arith.index_cast %get3A_919 : i32 to index
        %get3A_921 = arith.index_cast %scan3A_918 : i32 to index
        %get3A_922 = arith.constant 0 : index
        %get3A_923 = tpu.vector_load %arg6[%get3A_920, %get3A_921, %get3A_922] {strides = array<i32>} : memref<4x200x128xf32, #tpu.memory_space<vmem>>, vector<1x1x16xf32>,
        %get3A_924 = vector.shape_cast %get3A_923 : vector<1x1x16xf32> to vector<16xf32>
        %max3A_925 = arith.maximumf %max3A_867, %get3A_924 : vector<16xf32>
        %get3A_926 = arith.constant 2 : i32
        %get3A_927 = arith.index_cast %get3A_926 : i32 to index
        %get3A_928 = arith.index_cast %scan3A_918 : i32 to index
        %get3A_929 = arith.constant 16 : index
        %get3A_930 = tpu.vector_load %arg6[%get3A_927, %get3A_928, %get3A_929] {strides = array<i32>} : memref<4x200x128xf32, #tpu.memory_space<vmem>>, vector<1x1x16xf32>,
        %get3A_931 = vector.shape_cast %get3A_930 : vector<1x1x16xf32> to vector<16xf32>
        %max3A_932 = arith.maximumf %max3A_874, %get3A_931 : vector<16xf32>
        %get3A_933 = arith.constant 2 : i32
        %get3A_934 = arith.index_cast %get3A_933 : i32 to index
        %get3A_935 = arith.index_cast %scan3A_918 : i32 to index
        %get3A_936 = arith.constant 32 : index
        %get3A_937 = tpu.vector_load %arg6[%get3A_934, %get3A_935, %get3A_936] {strides = array<i32>} : memref<4x200x128xf32, #tpu.memory_space<vmem>>, vector<1x1x16xf32>,
        %get3A_938 = vector.shape_cast %get3A_937 : vector<1x1x16xf32> to vector<16xf32>
        %max3A_939 = arith.maximumf %max3A_881, %get3A_938 : vector<16xf32>
        %get3A_940 = arith.constant 2 : i32
        %get3A_941 = arith.index_cast %get3A_940 : i32 to index
        %get3A_942 = arith.index_cast %scan3A_918 : i32 to index
        %get3A_943 = arith.constant 48 : index
        %get3A_944 = tpu.vector_load %arg6[%get3A_941, %get3A_942, %get3A_943] {strides = array<i32>} : memref<4x200x128xf32, #tpu.memory_space<vmem>>, vector<1x1x16xf32>,
        %get3A_945 = vector.shape_cast %get3A_944 : vector<1x1x16xf32> to vector<16xf32>
        %max3A_946 = arith.maximumf %max3A_888, %get3A_945 : vector<16xf32>
        %get3A_947 = arith.constant 2 : i32
        %get3A_948 = arith.index_cast %get3A_947 : i32 to index
        %get3A_949 = arith.index_cast %scan3A_918 : i32 to index
        %get3A_950 = arith.constant 64 : index
        %get3A_951 = tpu.vector_load %arg6[%get3A_948, %get3A_949, %get3A_950] {strides = array<i32>} : memref<4x200x128xf32, #tpu.memory_space<vmem>>, vector<1x1x16xf32>,
        %get3A_952 = vector.shape_cast %get3A_951 : vector<1x1x16xf32> to vector<16xf32>
        %max3A_953 = arith.maximumf %max3A_895, %get3A_952 : vector<16xf32>
        %get3A_954 = arith.constant 2 : i32
        %get3A_955 = arith.index_cast %get3A_954 : i32 to index
        %get3A_956 = arith.index_cast %scan3A_918 : i32 to index
        %get3A_957 = arith.constant 80 : index
        %get3A_958 = tpu.vector_load %arg6[%get3A_955, %get3A_956, %get3A_957] {strides = array<i32>} : memref<4x200x128xf32, #tpu.memory_space<vmem>>, vector<1x1x16xf32>,
        %get3A_959 = vector.shape_cast %get3A_958 : vector<1x1x16xf32> to vector<16xf32>
        %max3A_960 = arith.maximumf %max3A_902, %get3A_959 : vector<16xf32>
        %get3A_961 = arith.constant 2 : i32
        %get3A_962 = arith.index_cast %get3A_961 : i32 to index
        %get3A_963 = arith.index_cast %scan3A_918 : i32 to index
        %get3A_964 = arith.constant 96 : index
        %get3A_965 = tpu.vector_load %arg6[%get3A_962, %get3A_963, %get3A_964] {strides = array<i32>} : memref<4x200x128xf32, #tpu.memory_space<vmem>>, vector<1x1x16xf32>,
        %get3A_966 = vector.shape_cast %get3A_965 : vector<1x1x16xf32> to vector<16xf32>
        %max3A_967 = arith.maximumf %max3A_909, %get3A_966 : vector<16xf32>
        %get3A_968 = arith.constant 2 : i32
        %get3A_969 = arith.index_cast %get3A_968 : i32 to index
        %get3A_970 = arith.index_cast %scan3A_918 : i32 to index
        %get3A_971 = arith.constant 112 : index
        %get3A_972 = tpu.vector_load %arg6[%get3A_969, %get3A_970, %get3A_971] {strides = array<i32>} : memref<4x200x128xf32, #tpu.memory_space<vmem>>, vector<1x1x16xf32>,
        %get3A_973 = vector.shape_cast %get3A_972 : vector<1x1x16xf32> to vector<16xf32>
        %max3A_974 = arith.maximumf %max3A_916, %get3A_973 : vector<16xf32>
        scf.yield %max3A_925, %max3A_932, %max3A_939, %max3A_946, %max3A_953, %max3A_960, %max3A_967, %max3A_974 : vector<16xf32>, vector<16xf32>, vector<16xf32>, vector<16xf32>, vector<16xf32>, vector<16xf32>, vector<16xf32>, vector<16xf32>
      }
      %scan3A_355 = arith.constant 200 : i32
      %add3A_356 = arith.constant 4 : i32
      %add3A_357 = arith.addi %add3A_318, %add3A_356 : i32
      %jit3A_358 = arith.constant 2 : i32
      %div3A_359 = arith.divsi %add3A_357, %jit3A_358 : i32
      %sign3A_360 = arith.constant 0 : i32
      %sign3A_361 = arith.cmpi sgt, %add3A_357, %sign3A_360 : i32
      %sign3A_362 = arith.extui %sign3A_361 : i1 to i32
      %sign3A_363 = arith.constant 0 : i32
      %sign3A_364 = arith.cmpi slt, %add3A_357, %sign3A_363 : i32
      %sign3A_365 = arith.extui %sign3A_364 : i1 to i32
      %sign3A_366 = arith.subi %sign3A_362, %sign3A_365 : i32
      %sign3A_367 = arith.constant 0 : i32
      %sign3A_368 = arith.cmpi sgt, %jit3A_358, %sign3A_367 : i32
      %sign3A_369 = arith.extui %sign3A_368 : i1 to i32
      %sign3A_370 = arith.constant 0 : i32
      %sign3A_371 = arith.cmpi slt, %jit3A_358, %sign3A_370 : i32
      %sign3A_372 = arith.extui %sign3A_371 : i1 to i32
      %sign3A_373 = arith.subi %sign3A_369, %sign3A_372 : i32
      %ne3A_374 = arith.cmpi ne, %sign3A_366, %sign3A_373 : i32
      %rem3A_375 = arith.remsi %add3A_357, %jit3A_358 : i32
      %ne3A_376 = arith.constant 0 : i32
      %ne3A_377 = arith.cmpi ne, %rem3A_375, %ne3A_376 : i32
      %and3A_378 = arith.andi %ne3A_374, %ne3A_377 : i1
      %sub3A_379 = arith.constant 1 : i32
      %sub3A_380 = arith.subi %div3A_359, %sub3A_379 : i32
      %select_n3A_381 = arith.select %and3A_378, %sub3A_380, %div3A_359 : i32
      %jit3A_382 = arith.constant 8 : i32
      %eq3A_383 = arith.constant 0 : i32
      %eq3A_384 = arith.cmpi eq, %jit3A_382, %eq3A_383 : i32
      %jit3A_385 = arith.constant 1 : i32
      %select_n3A_386 = arith.select %eq3A_384, %jit3A_385, %jit3A_382 : i32
      %rem3A_387 = arith.remsi %select_n3A_381, %select_n3A_386 : i32
      %ne3A_388 = arith.constant 0 : i32
      %ne3A_389 = arith.cmpi ne, %rem3A_387, %ne3A_388 : i32
      %lt3A_390 = arith.constant 0 : i32
      %lt3A_391 = arith.cmpi slt, %rem3A_387, %lt3A_390 : i32
      %lt3A_392 = arith.constant 0 : i32
      %lt3A_393 = arith.cmpi slt, %select_n3A_386, %lt3A_392 : i32
      %ne3A_394 = arith.xori %lt3A_391, %lt3A_393 : i1
      %and3A_395 = arith.andi %ne3A_394, %ne3A_389 : i1
      %add3A_396 = arith.addi %rem3A_387, %select_n3A_386 : i32
      %select_n3A_397 = arith.select %and3A_395, %add3A_396, %rem3A_387 : i32
      %eq3A_398 = arith.constant 0 : i32
      %eq3A_399 = arith.cmpi eq, %select_n3A_397, %eq3A_398 : i32
      %jit3A_400 = arith.constant 2 : i32
      %eq3A_401 = arith.constant 0 : i32
      %eq3A_402 = arith.cmpi eq, %jit3A_400, %eq3A_401 : i32
      %jit3A_403 = arith.constant 1 : i32
      %select_n3A_404 = arith.select %eq3A_402, %jit3A_403, %jit3A_400 : i32
      %rem3A_405 = arith.remsi %add3A_357, %select_n3A_404 : i32
      %ne3A_406 = arith.constant 0 : i32
      %ne3A_407 = arith.cmpi ne, %rem3A_405, %ne3A_406 : i32
      %lt3A_408 = arith.constant 0 : i32
      %lt3A_409 = arith.cmpi slt, %rem3A_405, %lt3A_408 : i32
      %lt3A_410 = arith.constant 0 : i32
      %lt3A_411 = arith.cmpi slt, %select_n3A_404, %lt3A_410 : i32
      %ne3A_412 = arith.xori %lt3A_409, %lt3A_411 : i1
      %and3A_413 = arith.andi %ne3A_412, %ne3A_407 : i1
      %add3A_414 = arith.addi %rem3A_405, %select_n3A_404 : i32
      %select_n3A_415 = arith.select %and3A_413, %add3A_414, %rem3A_405 : i32
      %eq3A_416 = arith.constant 0 : i32
      %eq3A_417 = arith.cmpi eq, %select_n3A_415, %eq3A_416 : i32
      %lt3A_418 = arith.constant 64 : i32
      %lt3A_419 = arith.cmpi slt, %add3A_357, %lt3A_418 : i32
      %and3A_420 = arith.andi %eq3A_417, %lt3A_419 : i1
      %and3A_421 = arith.andi %eq3A_399, %and3A_420 : i1
      %convert_element_type3A_422 = arith.extui %and3A_421 : i1 to i32
      %cond3A_423 = arith.constant 0 : i32
      %cond3A_424 = arith.cmpi ne, %convert_element_type3A_422, %cond3A_423 : i32
      scf.if %cond3A_424 {
        %dma_wait3A_506 = arith.constant 0 : i32
        %dma_wait3A_507 = arith.constant 0 : i32
        %dma_wait3A_508 = arith.constant 0 : i32
        %dma_wait3A_509 = arith.constant 0 : i32
        %dma_wait3A_510 = tpu.memref_slice %arg5[%dma_wait3A_506, %dma_wait3A_507, %dma_wait3A_508, %dma_wait3A_509] : memref<2x8x4x100xi32, #tpu.memory_space<vmem>> -> memref<1x8x4x100xi32, #tpu.memory_space<vmem>>
        %dma_wait3A_511 = tpu.memref_squeeze %dma_wait3A_510 : memref<1x8x4x100xi32, #tpu.memory_space<vmem>> -> memref<8x4x100xi32, #tpu.memory_space<vmem>>
        %dma_wait3A_512 = arith.constant 0 : i32
        %dma_wait3A_513 = arith.constant 0 : i32
        %dma_wait3A_514 = arith.constant 0 : i32
        %dma_wait3A_515 = tpu.memref_slice %arg2[%dma_wait3A_512, %dma_wait3A_513, %dma_wait3A_514] : memref<1024x4x100xi32, #tpu.memory_space<hbm>> -> memref<8x4x100xi32, #tpu.memory_space<hbm>>
        %dma_wait3A_516 = arith.constant 0 : i32
        %dma_wait3A_517 = arith.constant 0 : i32
        %dma_wait3A_518 = arith.constant 0 : i32
        %dma_wait3A_519 = tpu.memref_slice %arg5[%dma_wait3A_506, %dma_wait3A_516, %dma_wait3A_517, %dma_wait3A_518] : memref<2x8x4x100xi32, #tpu.memory_space<vmem>> -> memref<1x8x4x100xi32, #tpu.memory_space<vmem>>
        %dma_wait3A_520 = tpu.memref_squeeze %dma_wait3A_519 : memref<1x8x4x100xi32, #tpu.memory_space<vmem>> -> memref<8x4x100xi32, #tpu.memory_space<vmem>>
        %dma_wait3A_521 = arith.constant 0 : i32
        %dma_wait3A_522 = arith.constant 0 : i32
        %dma_wait3A_523 = arith.constant 0 : i32
        %dma_wait3A_524 = tpu.memref_slice %arg2[%dma_wait3A_521, %dma_wait3A_522, %dma_wait3A_523] : memref<1024x4x100xi32, #tpu.memory_space<hbm>> -> memref<8x4x100xi32, #tpu.memory_space<hbm>>
        tpu.wait_dma2 semaphore(%arg12 : memref<!tpu.dma_semaphore, #tpu.memory_space<semaphore_mem>>) src(%dma_wait3A_524 : memref<8x4x100xi32, #tpu.memory_space<hbm>>) dst(%dma_wait3A_520 : memref<8x4x100xi32, #tpu.memory_space<vmem>>)
        %jit3A_525 = arith.constant 8 : i32
        %div3A_526 = arith.divsi %select_n3A_381, %jit3A_525 : i32
        %sign3A_527 = arith.constant 0 : i32
        %sign3A_528 = arith.cmpi sgt, %select_n3A_381, %sign3A_527 : i32
        %sign3A_529 = arith.extui %sign3A_528 : i1 to i32
        %sign3A_530 = arith.constant 0 : i32
        %sign3A_531 = arith.cmpi slt, %select_n3A_381, %sign3A_530 : i32
        %sign3A_532 = arith.extui %sign3A_531 : i1 to i32
        %sign3A_533 = arith.subi %sign3A_529, %sign3A_532 : i32
        %sign3A_534 = arith.constant 0 : i32
        %sign3A_535 = arith.cmpi sgt, %jit3A_525, %sign3A_534 : i32
        %sign3A_536 = arith.extui %sign3A_535 : i1 to i32
        %sign3A_537 = arith.constant 0 : i32
        %sign3A_538 = arith.cmpi slt, %jit3A_525, %sign3A_537 : i32
        %sign3A_539 = arith.extui %sign3A_538 : i1 to i32
        %sign3A_540 = arith.subi %sign3A_536, %sign3A_539 : i32
        %ne3A_541 = arith.cmpi ne, %sign3A_533, %sign3A_540 : i32
        %rem3A_542 = arith.remsi %select_n3A_381, %jit3A_525 : i32
        %ne3A_543 = arith.constant 0 : i32
        %ne3A_544 = arith.cmpi ne, %rem3A_542, %ne3A_543 : i32
        %and3A_545 = arith.andi %ne3A_541, %ne3A_544 : i1
        %sub3A_546 = arith.constant 1 : i32
        %sub3A_547 = arith.subi %div3A_526, %sub3A_546 : i32
        %select_n3A_548 = arith.select %and3A_545, %sub3A_547, %div3A_526 : i32
        %add3A_549 = arith.constant 1 : i32
        %add3A_550 = arith.addi %select_n3A_548, %add3A_549 : i32
        %lt3A_551 = arith.constant 4 : i32
        %lt3A_552 = arith.cmpi slt, %add3A_550, %lt3A_551 : i32
        %convert_element_type3A_553 = arith.extui %lt3A_552 : i1 to i32
        %cond3A_554 = arith.constant 0 : i32
        %cond3A_555 = arith.cmpi ne, %convert_element_type3A_553, %cond3A_554 : i32
        scf.if %cond3A_555 {
          %mul3A_556 = arith.constant 8 : i32
          %mul3A_557 = arith.muli %add3A_550, %mul3A_556 : i32
          %add3A_558 = arith.addi %mul3A_2, %mul3A_557 : i32
          %and3A_559 = arith.constant 1 : i32
          %and3A_560 = arith.andi %add3A_550, %and3A_559 : i32
          %dma_start3A_561 = arith.constant 0 : i32
          %dma_start3A_562 = arith.constant 0 : i32
          %dma_start3A_563 = arith.constant 0 : i32
          %dma_start3A_564 = tpu.memref_slice %arg5[%and3A_560, %dma_start3A_561, %dma_start3A_562, %dma_start3A_563] : memref<2x8x4x100xi32, #tpu.memory_space<vmem>> -> memref<1x8x4x100xi32, #tpu.memory_space<vmem>>
          %dma_start3A_565 = tpu.memref_squeeze %dma_start3A_564 : memref<1x8x4x100xi32, #tpu.memory_space<vmem>> -> memref<8x4x100xi32, #tpu.memory_space<vmem>>
          %dma_start3A_566 = arith.constant 0 : i32
          %dma_start3A_567 = arith.constant 0 : i32
          %dma_start3A_568 = tpu.memref_slice %arg2[%add3A_558, %dma_start3A_566, %dma_start3A_567] : memref<1024x4x100xi32, #tpu.memory_space<hbm>> -> memref<8x4x100xi32, #tpu.memory_space<hbm>>
          %dma_start3A_569 = arith.constant 0 : i32
          %dma_start3A_570 = arith.constant 0 : i32
          %dma_start3A_571 = arith.constant 0 : i32
          %dma_start3A_572 = tpu.memref_slice %arg5[%and3A_560, %dma_start3A_569, %dma_start3A_570, %dma_start3A_571] : memref<2x8x4x100xi32, #tpu.memory_space<vmem>> -> memref<1x8x4x100xi32, #tpu.memory_space<vmem>>
          %dma_start3A_573 = tpu.memref_squeeze %dma_start3A_572 : memref<1x8x4x100xi32, #tpu.memory_space<vmem>> -> memref<8x4x100xi32, #tpu.memory_space<vmem>>
          %dma_start3A_574 = arith.constant 0 : i32
          %dma_start3A_575 = arith.constant 0 : i32
          %dma_start3A_576 = tpu.memref_slice %arg2[%add3A_558, %dma_start3A_574, %dma_start3A_575] : memref<1024x4x100xi32, #tpu.memory_space<hbm>> -> memref<8x4x100xi32, #tpu.memory_space<hbm>>
          tpu.enqueue_dma source(%dma_start3A_576 : memref<8x4x100xi32, #tpu.memory_space<hbm>>) target(%dma_start3A_573 : memref<8x4x100xi32, #tpu.memory_space<vmem>>) target_semaphore(%arg12 : memref<!tpu.dma_semaphore, #tpu.memory_space<semaphore_mem>>)
        } else {
        }
      } else {
      }
      %lt3A_425 = arith.constant 64 : i32
      %lt3A_426 = arith.cmpi slt, %add3A_357, %lt3A_425 : i32
      %convert_element_type3A_427 = arith.extui %lt3A_426 : i1 to i32
      %cond3A_428 = arith.constant 0 : i32
      %cond3A_429 = arith.cmpi ne, %convert_element_type3A_427, %cond3A_428 : i32
      scf.if %cond3A_429 {
        %jit3A_506 = arith.constant 2 : i32
        %div3A_507 = arith.divsi %add3A_357, %jit3A_506 : i32
        %sign3A_508 = arith.constant 0 : i32
        %sign3A_509 = arith.cmpi sgt, %add3A_357, %sign3A_508 : i32
        %sign3A_510 = arith.extui %sign3A_509 : i1 to i32
        %sign3A_511 = arith.constant 0 : i32
        %sign3A_512 = arith.cmpi slt, %add3A_357, %sign3A_511 : i32
        %sign3A_513 = arith.extui %sign3A_512 : i1 to i32
        %sign3A_514 = arith.subi %sign3A_510, %sign3A_513 : i32
        %sign3A_515 = arith.constant 0 : i32
        %sign3A_516 = arith.cmpi sgt, %jit3A_506, %sign3A_515 : i32
        %sign3A_517 = arith.extui %sign3A_516 : i1 to i32
        %sign3A_518 = arith.constant 0 : i32
        %sign3A_519 = arith.cmpi slt, %jit3A_506, %sign3A_518 : i32
        %sign3A_520 = arith.extui %sign3A_519 : i1 to i32
        %sign3A_521 = arith.subi %sign3A_517, %sign3A_520 : i32
        %ne3A_522 = arith.cmpi ne, %sign3A_514, %sign3A_521 : i32
        %rem3A_523 = arith.remsi %add3A_357, %jit3A_506 : i32
        %ne3A_524 = arith.constant 0 : i32
        %ne3A_525 = arith.cmpi ne, %rem3A_523, %ne3A_524 : i32
        %and3A_526 = arith.andi %ne3A_522, %ne3A_525 : i1
        %sub3A_527 = arith.constant 1 : i32
        %sub3A_528 = arith.subi %div3A_507, %sub3A_527 : i32
        %select_n3A_529 = arith.select %and3A_526, %sub3A_528, %div3A_507 : i32
        %jit3A_530 = arith.constant 8 : i32
        %div3A_531 = arith.divsi %select_n3A_529, %jit3A_530 : i32
        %sign3A_532 = arith.constant 0 : i32
        %sign3A_533 = arith.cmpi sgt, %select_n3A_529, %sign3A_532 : i32
        %sign3A_534 = arith.extui %sign3A_533 : i1 to i32
        %sign3A_535 = arith.constant 0 : i32
        %sign3A_536 = arith.cmpi slt, %select_n3A_529, %sign3A_535 : i32
        %sign3A_537 = arith.extui %sign3A_536 : i1 to i32
        %sign3A_538 = arith.subi %sign3A_534, %sign3A_537 : i32
        %sign3A_539 = arith.constant 0 : i32
        %sign3A_540 = arith.cmpi sgt, %jit3A_530, %sign3A_539 : i32
        %sign3A_541 = arith.extui %sign3A_540 : i1 to i32
        %sign3A_542 = arith.constant 0 : i32
        %sign3A_543 = arith.cmpi slt, %jit3A_530, %sign3A_542 : i32
        %sign3A_544 = arith.extui %sign3A_543 : i1 to i32
        %sign3A_545 = arith.subi %sign3A_541, %sign3A_544 : i32
        %ne3A_546 = arith.cmpi ne, %sign3A_538, %sign3A_545 : i32
        %rem3A_547 = arith.remsi %select_n3A_529, %jit3A_530 : i32
        %ne3A_548 = arith.constant 0 : i32
        %ne3A_549 = arith.cmpi ne, %rem3A_547, %ne3A_548 : i32
        %and3A_550 = arith.andi %ne3A_546, %ne3A_549 : i1
        %sub3A_551 = arith.constant 1 : i32
        %sub3A_552 = arith.subi %div3A_531, %sub3A_551 : i32
        %select_n3A_553 = arith.select %and3A_550, %sub3A_552, %div3A_531 : i32
        %mul3A_554 = arith.constant 8 : i32
        %mul3A_555 = arith.muli %select_n3A_553, %mul3A_554 : i32
        %sub3A_556 = arith.subi %select_n3A_529, %mul3A_555 : i32
        %and3A_557 = arith.constant 1 : i32
        %and3A_558 = arith.andi %select_n3A_553, %and3A_557 : i32
        %jit3A_559 = arith.constant 2 : i32
        %eq3A_560 = arith.constant 0 : i32
        %eq3A_561 = arith.cmpi eq, %jit3A_559, %eq3A_560 : i32
        %jit3A_562 = arith.constant 1 : i32
        %select_n3A_563 = arith.select %eq3A_561, %jit3A_562, %jit3A_559 : i32
        %rem3A_564 = arith.remsi %add3A_357, %select_n3A_563 : i32
        %ne3A_565 = arith.constant 0 : i32
        %ne3A_566 = arith.cmpi ne, %rem3A_564, %ne3A_565 : i32
        %lt3A_567 = arith.constant 0 : i32
        %lt3A_568 = arith.cmpi slt, %rem3A_564, %lt3A_567 : i32
        %lt3A_569 = arith.constant 0 : i32
        %lt3A_570 = arith.cmpi slt, %select_n3A_563, %lt3A_569 : i32
        %ne3A_571 = arith.xori %lt3A_568, %lt3A_570 : i1
        %and3A_572 = arith.andi %ne3A_571, %ne3A_566 : i1
        %add3A_573 = arith.addi %rem3A_564, %select_n3A_563 : i32
        %select_n3A_574 = arith.select %and3A_572, %add3A_573, %rem3A_564 : i32
        %mul3A_575 = arith.constant 2 : i32
        %mul3A_576 = arith.muli %select_n3A_574, %mul3A_575 : i32
        %add3A_577 = arith.constant 0 : i32
        %add3A_578 = arith.addi %mul3A_576, %add3A_577 : i32
        %dma_start3A_579 = arith.constant 2 : i32
        %dma_start3A_580 = arith.constant 0 : i32
        %dma_start3A_581 = arith.constant 0 : i32
        %dma_start3A_582 = tpu.memref_slice %arg6[%dma_start3A_579, %dma_start3A_580, %dma_start3A_581] : memref<4x200x128xf32, #tpu.memory_space<vmem>> -> memref<1x100x128xf32, #tpu.memory_space<vmem>>
        %dma_start3A_583 = tpu.memref_squeeze %dma_start3A_582 : memref<1x100x128xf32, #tpu.memory_space<vmem>> -> memref<100x128xf32, #tpu.memory_space<vmem>>
        %dma_start3A_584 = arith.constant 0 : i32
        %dma_start3A_585 = tpu.memref_slice %arg5[%and3A_558, %sub3A_556, %add3A_578, %dma_start3A_584] : memref<2x8x4x100xi32, #tpu.memory_space<vmem>> -> memref<1x1x1x100xi32, #tpu.memory_space<vmem>>
        %dma_start3A_586 = tpu.memref_squeeze %dma_start3A_585 : memref<1x1x1x100xi32, #tpu.memory_space<vmem>> -> memref<100xi32, #tpu.memory_space<vmem>>
        %dma_start3A_587 = arith.constant 0 : i32
        %dma_start3A_588 = arith.constant 0 : i32
        %dma_start3A_589 = tpu.memref_slice %arg3[%dma_start3A_587, %dma_start3A_588] : memref<100000x128xf32, #tpu.memory_space<hbm>> -> memref<100000x128xf32, #tpu.memory_space<hbm>>
        tpu.enqueue_indirect_dma source(%dma_start3A_589 : memref<100000x128xf32, #tpu.memory_space<hbm>>) target(%dma_start3A_583 : memref<100x128xf32, #tpu.memory_space<vmem>>) offsets(%dma_start3A_586 : memref<100xi32, #tpu.memory_space<vmem>>) semaphore(%arg10 : memref<!tpu.dma_semaphore, #tpu.memory_space<semaphore_mem>>)
        %and3A_590 = arith.constant 1 : i32
        %and3A_591 = arith.andi %select_n3A_553, %and3A_590 : i32
        %jit3A_592 = arith.constant 2 : i32
        %eq3A_593 = arith.constant 0 : i32
        %eq3A_594 = arith.cmpi eq, %jit3A_592, %eq3A_593 : i32
        %jit3A_595 = arith.constant 1 : i32
        %select_n3A_596 = arith.select %eq3A_594, %jit3A_595, %jit3A_592 : i32
        %rem3A_597 = arith.remsi %add3A_357, %select_n3A_596 : i32
        %ne3A_598 = arith.constant 0 : i32
        %ne3A_599 = arith.cmpi ne, %rem3A_597, %ne3A_598 : i32
        %lt3A_600 = arith.constant 0 : i32
        %lt3A_601 = arith.cmpi slt, %rem3A_597, %lt3A_600 : i32
        %lt3A_602 = arith.constant 0 : i32
        %lt3A_603 = arith.cmpi slt, %select_n3A_596, %lt3A_602 : i32
        %ne3A_604 = arith.xori %lt3A_601, %lt3A_603 : i1
        %and3A_605 = arith.andi %ne3A_604, %ne3A_599 : i1
        %add3A_606 = arith.addi %rem3A_597, %select_n3A_596 : i32
        %select_n3A_607 = arith.select %and3A_605, %add3A_606, %rem3A_597 : i32
        %mul3A_608 = arith.constant 2 : i32
        %mul3A_609 = arith.muli %select_n3A_607, %mul3A_608 : i32
        %add3A_610 = arith.constant 1 : i32
        %add3A_611 = arith.addi %mul3A_609, %add3A_610 : i32
        %dma_start3A_612 = arith.constant 2 : i32
        %dma_start3A_613 = arith.constant 100 : i32
        %dma_start3A_614 = arith.constant 0 : i32
        %dma_start3A_615 = tpu.memref_slice %arg6[%dma_start3A_612, %dma_start3A_613, %dma_start3A_614] : memref<4x200x128xf32, #tpu.memory_space<vmem>> -> memref<1x100x128xf32, #tpu.memory_space<vmem>>
        %dma_start3A_616 = tpu.memref_squeeze %dma_start3A_615 : memref<1x100x128xf32, #tpu.memory_space<vmem>> -> memref<100x128xf32, #tpu.memory_space<vmem>>
        %dma_start3A_617 = arith.constant 0 : i32
        %dma_start3A_618 = tpu.memref_slice %arg5[%and3A_591, %sub3A_556, %add3A_611, %dma_start3A_617] : memref<2x8x4x100xi32, #tpu.memory_space<vmem>> -> memref<1x1x1x100xi32, #tpu.memory_space<vmem>>
        %dma_start3A_619 = tpu.memref_squeeze %dma_start3A_618 : memref<1x1x1x100xi32, #tpu.memory_space<vmem>> -> memref<100xi32, #tpu.memory_space<vmem>>
        %dma_start3A_620 = arith.constant 0 : i32
        %dma_start3A_621 = arith.constant 0 : i32
        %dma_start3A_622 = tpu.memref_slice %arg3[%dma_start3A_620, %dma_start3A_621] : memref<100000x128xf32, #tpu.memory_space<hbm>> -> memref<100000x128xf32, #tpu.memory_space<hbm>>
        tpu.enqueue_indirect_dma source(%dma_start3A_622 : memref<100000x128xf32, #tpu.memory_space<hbm>>) target(%dma_start3A_616 : memref<100x128xf32, #tpu.memory_space<vmem>>) offsets(%dma_start3A_619 : memref<100xi32, #tpu.memory_space<vmem>>) semaphore(%arg10 : memref<!tpu.dma_semaphore, #tpu.memory_space<semaphore_mem>>)
      } else {
      }
      %mul3A_430 = arith.constant 4 : i32
      %mul3A_431 = arith.muli %mul3A_430, %scan3A_138 : i32
      %add3A_432 = arith.constant 3 : i32
      %add3A_433 = arith.addi %mul3A_431, %add3A_432 : i32
      %dma_wait3A_434 = arith.constant 3 : i32
      %dma_wait3A_435 = arith.constant 0 : i32
      %dma_wait3A_436 = arith.constant 0 : i32
      %dma_wait3A_437 = tpu.memref_slice %arg6[%dma_wait3A_434, %dma_wait3A_435, %dma_wait3A_436] : memref<4x200x128xf32, #tpu.memory_space<vmem>> -> memref<1x200x128xf32, #tpu.memory_space<vmem>>
      %dma_wait3A_438 = tpu.memref_squeeze %dma_wait3A_437 : memref<1x200x128xf32, #tpu.memory_space<vmem>> -> memref<200x128xf32, #tpu.memory_space<vmem>>
      %dma_wait3A_439 = arith.constant 0 : i32
      %dma_wait3A_440 = arith.constant 0 : i32
      %dma_wait3A_441 = tpu.memref_slice %arg3[%dma_wait3A_439, %dma_wait3A_440] : memref<100000x128xf32, #tpu.memory_space<hbm>> -> memref<200x128xf32, #tpu.memory_space<hbm>>
      %dma_wait3A_442 = arith.constant 0 : i32
      %dma_wait3A_443 = arith.constant 0 : i32
      %dma_wait3A_444 = tpu.memref_slice %arg6[%dma_wait3A_434, %dma_wait3A_442, %dma_wait3A_443] : memref<4x200x128xf32, #tpu.memory_space<vmem>> -> memref<1x200x128xf32, #tpu.memory_space<vmem>>
      %dma_wait3A_445 = tpu.memref_squeeze %dma_wait3A_444 : memref<1x200x128xf32, #tpu.memory_space<vmem>> -> memref<200x128xf32, #tpu.memory_space<vmem>>
      %dma_wait3A_446 = arith.constant 0 : i32
      %dma_wait3A_447 = arith.constant 0 : i32
      %dma_wait3A_448 = tpu.memref_slice %arg3[%dma_wait3A_446, %dma_wait3A_447] : memref<100000x128xf32, #tpu.memory_space<hbm>> -> memref<200x128xf32, #tpu.memory_space<hbm>>
      tpu.wait_dma2 semaphore(%arg11 : memref<!tpu.dma_semaphore, #tpu.memory_space<semaphore_mem>>) src(%dma_wait3A_448 : memref<200x128xf32, #tpu.memory_space<hbm>>) dst(%dma_wait3A_445 : memref<200x128xf32, #tpu.memory_space<vmem>>)
      %scan3A_449 = arith.constant 0 : i32
      %scan3A_450 = arith.constant 200 : i32
      %scan3A_451 = arith.addi %scan3A_449, %scan3A_450 : i32
      %scan3A_452 = arith.constant 8 : i32
      %scan3A_453:8 = scf.for %scan3A_506 = %scan3A_449 to %scan3A_451 step %scan3A_452 iter_args(%scan3A_507 = %scan3A_354#0, %scan3A_508 = %scan3A_354#1, %scan3A_509 = %scan3A_354#2, %scan3A_510 = %scan3A_354#3, %scan3A_511 = %scan3A_354#4, %scan3A_512 = %scan3A_354#5, %scan3A_513 = %scan3A_354#6, %scan3A_514 = %scan3A_354#7) -> (vector<16xf32>, vector<16xf32>, vector<16xf32>, vector<16xf32>, vector<16xf32>, vector<16xf32>, vector<16xf32>, vector<16xf32>)  : i32 {
        %get3A = arith.constant 3 : i32
        %get3A_515 = arith.index_cast %get3A : i32 to index
        %get3A_516 = arith.index_cast %scan3A_506 : i32 to index
        %get3A_517 = arith.constant 0 : index
        %get3A_518 = tpu.vector_load %arg6[%get3A_515, %get3A_516, %get3A_517] {strides = array<i32>} : memref<4x200x128xf32, #tpu.memory_space<vmem>>, vector<1x1x16xf32>,
        %get3A_519 = vector.shape_cast %get3A_518 : vector<1x1x16xf32> to vector<16xf32>
        %max3A = arith.maximumf %scan3A_507, %get3A_519 : vector<16xf32>
        %get3A_520 = arith.constant 3 : i32
        %get3A_521 = arith.index_cast %get3A_520 : i32 to index
        %get3A_522 = arith.index_cast %scan3A_506 : i32 to index
        %get3A_523 = arith.constant 16 : index
        %get3A_524 = tpu.vector_load %arg6[%get3A_521, %get3A_522, %get3A_523] {strides = array<i32>} : memref<4x200x128xf32, #tpu.memory_space<vmem>>, vector<1x1x16xf32>,
        %get3A_525 = vector.shape_cast %get3A_524 : vector<1x1x16xf32> to vector<16xf32>
        %max3A_526 = arith.maximumf %scan3A_508, %get3A_525 : vector<16xf32>
        %get3A_527 = arith.constant 3 : i32
        %get3A_528 = arith.index_cast %get3A_527 : i32 to index
        %get3A_529 = arith.index_cast %scan3A_506 : i32 to index
        %get3A_530 = arith.constant 32 : index
        %get3A_531 = tpu.vector_load %arg6[%get3A_528, %get3A_529, %get3A_530] {strides = array<i32>} : memref<4x200x128xf32, #tpu.memory_space<vmem>>, vector<1x1x16xf32>,
        %get3A_532 = vector.shape_cast %get3A_531 : vector<1x1x16xf32> to vector<16xf32>
        %max3A_533 = arith.maximumf %scan3A_509, %get3A_532 : vector<16xf32>
        %get3A_534 = arith.constant 3 : i32
        %get3A_535 = arith.index_cast %get3A_534 : i32 to index
        %get3A_536 = arith.index_cast %scan3A_506 : i32 to index
        %get3A_537 = arith.constant 48 : index
        %get3A_538 = tpu.vector_load %arg6[%get3A_535, %get3A_536, %get3A_537] {strides = array<i32>} : memref<4x200x128xf32, #tpu.memory_space<vmem>>, vector<1x1x16xf32>,
        %get3A_539 = vector.shape_cast %get3A_538 : vector<1x1x16xf32> to vector<16xf32>
        %max3A_540 = arith.maximumf %scan3A_510, %get3A_539 : vector<16xf32>
        %get3A_541 = arith.constant 3 : i32
        %get3A_542 = arith.index_cast %get3A_541 : i32 to index
        %get3A_543 = arith.index_cast %scan3A_506 : i32 to index
        %get3A_544 = arith.constant 64 : index
        %get3A_545 = tpu.vector_load %arg6[%get3A_542, %get3A_543, %get3A_544] {strides = array<i32>} : memref<4x200x128xf32, #tpu.memory_space<vmem>>, vector<1x1x16xf32>,
        %get3A_546 = vector.shape_cast %get3A_545 : vector<1x1x16xf32> to vector<16xf32>
        %max3A_547 = arith.maximumf %scan3A_511, %get3A_546 : vector<16xf32>
        %get3A_548 = arith.constant 3 : i32
        %get3A_549 = arith.index_cast %get3A_548 : i32 to index
        %get3A_550 = arith.index_cast %scan3A_506 : i32 to index
        %get3A_551 = arith.constant 80 : index
        %get3A_552 = tpu.vector_load %arg6[%get3A_549, %get3A_550, %get3A_551] {strides = array<i32>} : memref<4x200x128xf32, #tpu.memory_space<vmem>>, vector<1x1x16xf32>,
        %get3A_553 = vector.shape_cast %get3A_552 : vector<1x1x16xf32> to vector<16xf32>
        %max3A_554 = arith.maximumf %scan3A_512, %get3A_553 : vector<16xf32>
        %get3A_555 = arith.constant 3 : i32
        %get3A_556 = arith.index_cast %get3A_555 : i32 to index
        %get3A_557 = arith.index_cast %scan3A_506 : i32 to index
        %get3A_558 = arith.constant 96 : index
        %get3A_559 = tpu.vector_load %arg6[%get3A_556, %get3A_557, %get3A_558] {strides = array<i32>} : memref<4x200x128xf32, #tpu.memory_space<vmem>>, vector<1x1x16xf32>,
        %get3A_560 = vector.shape_cast %get3A_559 : vector<1x1x16xf32> to vector<16xf32>
        %max3A_561 = arith.maximumf %scan3A_513, %get3A_560 : vector<16xf32>
        %get3A_562 = arith.constant 3 : i32
        %get3A_563 = arith.index_cast %get3A_562 : i32 to index
        %get3A_564 = arith.index_cast %scan3A_506 : i32 to index
        %get3A_565 = arith.constant 112 : index
        %get3A_566 = tpu.vector_load %arg6[%get3A_563, %get3A_564, %get3A_565] {strides = array<i32>} : memref<4x200x128xf32, #tpu.memory_space<vmem>>, vector<1x1x16xf32>,
        %get3A_567 = vector.shape_cast %get3A_566 : vector<1x1x16xf32> to vector<16xf32>
        %max3A_568 = arith.maximumf %scan3A_514, %get3A_567 : vector<16xf32>
        %scan3A_569 = arith.constant 1 : i32
        %scan3A_570 = arith.addi %scan3A_506, %scan3A_569 : i32
        %get3A_571 = arith.constant 3 : i32
        %get3A_572 = arith.index_cast %get3A_571 : i32 to index
        %get3A_573 = arith.index_cast %scan3A_570 : i32 to index
        %get3A_574 = arith.constant 0 : index
        %get3A_575 = tpu.vector_load %arg6[%get3A_572, %get3A_573, %get3A_574] {strides = array<i32>} : memref<4x200x128xf32, #tpu.memory_space<vmem>>, vector<1x1x16xf32>,
        %get3A_576 = vector.shape_cast %get3A_575 : vector<1x1x16xf32> to vector<16xf32>
        %max3A_577 = arith.maximumf %max3A, %get3A_576 : vector<16xf32>
        %get3A_578 = arith.constant 3 : i32
        %get3A_579 = arith.index_cast %get3A_578 : i32 to index
        %get3A_580 = arith.index_cast %scan3A_570 : i32 to index
        %get3A_581 = arith.constant 16 : index
        %get3A_582 = tpu.vector_load %arg6[%get3A_579, %get3A_580, %get3A_581] {strides = array<i32>} : memref<4x200x128xf32, #tpu.memory_space<vmem>>, vector<1x1x16xf32>,
        %get3A_583 = vector.shape_cast %get3A_582 : vector<1x1x16xf32> to vector<16xf32>
        %max3A_584 = arith.maximumf %max3A_526, %get3A_583 : vector<16xf32>
        %get3A_585 = arith.constant 3 : i32
        %get3A_586 = arith.index_cast %get3A_585 : i32 to index
        %get3A_587 = arith.index_cast %scan3A_570 : i32 to index
        %get3A_588 = arith.constant 32 : index
        %get3A_589 = tpu.vector_load %arg6[%get3A_586, %get3A_587, %get3A_588] {strides = array<i32>} : memref<4x200x128xf32, #tpu.memory_space<vmem>>, vector<1x1x16xf32>,
        %get3A_590 = vector.shape_cast %get3A_589 : vector<1x1x16xf32> to vector<16xf32>
        %max3A_591 = arith.maximumf %max3A_533, %get3A_590 : vector<16xf32>
        %get3A_592 = arith.constant 3 : i32
        %get3A_593 = arith.index_cast %get3A_592 : i32 to index
        %get3A_594 = arith.index_cast %scan3A_570 : i32 to index
        %get3A_595 = arith.constant 48 : index
        %get3A_596 = tpu.vector_load %arg6[%get3A_593, %get3A_594, %get3A_595] {strides = array<i32>} : memref<4x200x128xf32, #tpu.memory_space<vmem>>, vector<1x1x16xf32>,
        %get3A_597 = vector.shape_cast %get3A_596 : vector<1x1x16xf32> to vector<16xf32>
        %max3A_598 = arith.maximumf %max3A_540, %get3A_597 : vector<16xf32>
        %get3A_599 = arith.constant 3 : i32
        %get3A_600 = arith.index_cast %get3A_599 : i32 to index
        %get3A_601 = arith.index_cast %scan3A_570 : i32 to index
        %get3A_602 = arith.constant 64 : index
        %get3A_603 = tpu.vector_load %arg6[%get3A_600, %get3A_601, %get3A_602] {strides = array<i32>} : memref<4x200x128xf32, #tpu.memory_space<vmem>>, vector<1x1x16xf32>,
        %get3A_604 = vector.shape_cast %get3A_603 : vector<1x1x16xf32> to vector<16xf32>
        %max3A_605 = arith.maximumf %max3A_547, %get3A_604 : vector<16xf32>
        %get3A_606 = arith.constant 3 : i32
        %get3A_607 = arith.index_cast %get3A_606 : i32 to index
        %get3A_608 = arith.index_cast %scan3A_570 : i32 to index
        %get3A_609 = arith.constant 80 : index
        %get3A_610 = tpu.vector_load %arg6[%get3A_607, %get3A_608, %get3A_609] {strides = array<i32>} : memref<4x200x128xf32, #tpu.memory_space<vmem>>, vector<1x1x16xf32>,
        %get3A_611 = vector.shape_cast %get3A_610 : vector<1x1x16xf32> to vector<16xf32>
        %max3A_612 = arith.maximumf %max3A_554, %get3A_611 : vector<16xf32>
        %get3A_613 = arith.constant 3 : i32
        %get3A_614 = arith.index_cast %get3A_613 : i32 to index
        %get3A_615 = arith.index_cast %scan3A_570 : i32 to index
        %get3A_616 = arith.constant 96 : index
        %get3A_617 = tpu.vector_load %arg6[%get3A_614, %get3A_615, %get3A_616] {strides = array<i32>} : memref<4x200x128xf32, #tpu.memory_space<vmem>>, vector<1x1x16xf32>,
        %get3A_618 = vector.shape_cast %get3A_617 : vector<1x1x16xf32> to vector<16xf32>
        %max3A_619 = arith.maximumf %max3A_561, %get3A_618 : vector<16xf32>
        %get3A_620 = arith.constant 3 : i32
        %get3A_621 = arith.index_cast %get3A_620 : i32 to index
        %get3A_622 = arith.index_cast %scan3A_570 : i32 to index
        %get3A_623 = arith.constant 112 : index
        %get3A_624 = tpu.vector_load %arg6[%get3A_621, %get3A_622, %get3A_623] {strides = array<i32>} : memref<4x200x128xf32, #tpu.memory_space<vmem>>, vector<1x1x16xf32>,
        %get3A_625 = vector.shape_cast %get3A_624 : vector<1x1x16xf32> to vector<16xf32>
        %max3A_626 = arith.maximumf %max3A_568, %get3A_625 : vector<16xf32>
        %scan3A_627 = arith.constant 2 : i32
        %scan3A_628 = arith.addi %scan3A_506, %scan3A_627 : i32
        %get3A_629 = arith.constant 3 : i32
        %get3A_630 = arith.index_cast %get3A_629 : i32 to index
        %get3A_631 = arith.index_cast %scan3A_628 : i32 to index
        %get3A_632 = arith.constant 0 : index
        %get3A_633 = tpu.vector_load %arg6[%get3A_630, %get3A_631, %get3A_632] {strides = array<i32>} : memref<4x200x128xf32, #tpu.memory_space<vmem>>, vector<1x1x16xf32>,
        %get3A_634 = vector.shape_cast %get3A_633 : vector<1x1x16xf32> to vector<16xf32>
        %max3A_635 = arith.maximumf %max3A_577, %get3A_634 : vector<16xf32>
        %get3A_636 = arith.constant 3 : i32
        %get3A_637 = arith.index_cast %get3A_636 : i32 to index
        %get3A_638 = arith.index_cast %scan3A_628 : i32 to index
        %get3A_639 = arith.constant 16 : index
        %get3A_640 = tpu.vector_load %arg6[%get3A_637, %get3A_638, %get3A_639] {strides = array<i32>} : memref<4x200x128xf32, #tpu.memory_space<vmem>>, vector<1x1x16xf32>,
        %get3A_641 = vector.shape_cast %get3A_640 : vector<1x1x16xf32> to vector<16xf32>
        %max3A_642 = arith.maximumf %max3A_584, %get3A_641 : vector<16xf32>
        %get3A_643 = arith.constant 3 : i32
        %get3A_644 = arith.index_cast %get3A_643 : i32 to index
        %get3A_645 = arith.index_cast %scan3A_628 : i32 to index
        %get3A_646 = arith.constant 32 : index
        %get3A_647 = tpu.vector_load %arg6[%get3A_644, %get3A_645, %get3A_646] {strides = array<i32>} : memref<4x200x128xf32, #tpu.memory_space<vmem>>, vector<1x1x16xf32>,
        %get3A_648 = vector.shape_cast %get3A_647 : vector<1x1x16xf32> to vector<16xf32>
        %max3A_649 = arith.maximumf %max3A_591, %get3A_648 : vector<16xf32>
        %get3A_650 = arith.constant 3 : i32
        %get3A_651 = arith.index_cast %get3A_650 : i32 to index
        %get3A_652 = arith.index_cast %scan3A_628 : i32 to index
        %get3A_653 = arith.constant 48 : index
        %get3A_654 = tpu.vector_load %arg6[%get3A_651, %get3A_652, %get3A_653] {strides = array<i32>} : memref<4x200x128xf32, #tpu.memory_space<vmem>>, vector<1x1x16xf32>,
        %get3A_655 = vector.shape_cast %get3A_654 : vector<1x1x16xf32> to vector<16xf32>
        %max3A_656 = arith.maximumf %max3A_598, %get3A_655 : vector<16xf32>
        %get3A_657 = arith.constant 3 : i32
        %get3A_658 = arith.index_cast %get3A_657 : i32 to index
        %get3A_659 = arith.index_cast %scan3A_628 : i32 to index
        %get3A_660 = arith.constant 64 : index
        %get3A_661 = tpu.vector_load %arg6[%get3A_658, %get3A_659, %get3A_660] {strides = array<i32>} : memref<4x200x128xf32, #tpu.memory_space<vmem>>, vector<1x1x16xf32>,
        %get3A_662 = vector.shape_cast %get3A_661 : vector<1x1x16xf32> to vector<16xf32>
        %max3A_663 = arith.maximumf %max3A_605, %get3A_662 : vector<16xf32>
        %get3A_664 = arith.constant 3 : i32
        %get3A_665 = arith.index_cast %get3A_664 : i32 to index
        %get3A_666 = arith.index_cast %scan3A_628 : i32 to index
        %get3A_667 = arith.constant 80 : index
        %get3A_668 = tpu.vector_load %arg6[%get3A_665, %get3A_666, %get3A_667] {strides = array<i32>} : memref<4x200x128xf32, #tpu.memory_space<vmem>>, vector<1x1x16xf32>,
        %get3A_669 = vector.shape_cast %get3A_668 : vector<1x1x16xf32> to vector<16xf32>
        %max3A_670 = arith.maximumf %max3A_612, %get3A_669 : vector<16xf32>
        %get3A_671 = arith.constant 3 : i32
        %get3A_672 = arith.index_cast %get3A_671 : i32 to index
        %get3A_673 = arith.index_cast %scan3A_628 : i32 to index
        %get3A_674 = arith.constant 96 : index
        %get3A_675 = tpu.vector_load %arg6[%get3A_672, %get3A_673, %get3A_674] {strides = array<i32>} : memref<4x200x128xf32, #tpu.memory_space<vmem>>, vector<1x1x16xf32>,
        %get3A_676 = vector.shape_cast %get3A_675 : vector<1x1x16xf32> to vector<16xf32>
        %max3A_677 = arith.maximumf %max3A_619, %get3A_676 : vector<16xf32>
        %get3A_678 = arith.constant 3 : i32
        %get3A_679 = arith.index_cast %get3A_678 : i32 to index
        %get3A_680 = arith.index_cast %scan3A_628 : i32 to index
        %get3A_681 = arith.constant 112 : index
        %get3A_682 = tpu.vector_load %arg6[%get3A_679, %get3A_680, %get3A_681] {strides = array<i32>} : memref<4x200x128xf32, #tpu.memory_space<vmem>>, vector<1x1x16xf32>,
        %get3A_683 = vector.shape_cast %get3A_682 : vector<1x1x16xf32> to vector<16xf32>
        %max3A_684 = arith.maximumf %max3A_626, %get3A_683 : vector<16xf32>
        %scan3A_685 = arith.constant 3 : i32
        %scan3A_686 = arith.addi %scan3A_506, %scan3A_685 : i32
        %get3A_687 = arith.constant 3 : i32
        %get3A_688 = arith.index_cast %get3A_687 : i32 to index
        %get3A_689 = arith.index_cast %scan3A_686 : i32 to index
        %get3A_690 = arith.constant 0 : index
        %get3A_691 = tpu.vector_load %arg6[%get3A_688, %get3A_689, %get3A_690] {strides = array<i32>} : memref<4x200x128xf32, #tpu.memory_space<vmem>>, vector<1x1x16xf32>,
        %get3A_692 = vector.shape_cast %get3A_691 : vector<1x1x16xf32> to vector<16xf32>
        %max3A_693 = arith.maximumf %max3A_635, %get3A_692 : vector<16xf32>
        %get3A_694 = arith.constant 3 : i32
        %get3A_695 = arith.index_cast %get3A_694 : i32 to index
        %get3A_696 = arith.index_cast %scan3A_686 : i32 to index
        %get3A_697 = arith.constant 16 : index
        %get3A_698 = tpu.vector_load %arg6[%get3A_695, %get3A_696, %get3A_697] {strides = array<i32>} : memref<4x200x128xf32, #tpu.memory_space<vmem>>, vector<1x1x16xf32>,
        %get3A_699 = vector.shape_cast %get3A_698 : vector<1x1x16xf32> to vector<16xf32>
        %max3A_700 = arith.maximumf %max3A_642, %get3A_699 : vector<16xf32>
        %get3A_701 = arith.constant 3 : i32
        %get3A_702 = arith.index_cast %get3A_701 : i32 to index
        %get3A_703 = arith.index_cast %scan3A_686 : i32 to index
        %get3A_704 = arith.constant 32 : index
        %get3A_705 = tpu.vector_load %arg6[%get3A_702, %get3A_703, %get3A_704] {strides = array<i32>} : memref<4x200x128xf32, #tpu.memory_space<vmem>>, vector<1x1x16xf32>,
        %get3A_706 = vector.shape_cast %get3A_705 : vector<1x1x16xf32> to vector<16xf32>
        %max3A_707 = arith.maximumf %max3A_649, %get3A_706 : vector<16xf32>
        %get3A_708 = arith.constant 3 : i32
        %get3A_709 = arith.index_cast %get3A_708 : i32 to index
        %get3A_710 = arith.index_cast %scan3A_686 : i32 to index
        %get3A_711 = arith.constant 48 : index
        %get3A_712 = tpu.vector_load %arg6[%get3A_709, %get3A_710, %get3A_711] {strides = array<i32>} : memref<4x200x128xf32, #tpu.memory_space<vmem>>, vector<1x1x16xf32>,
        %get3A_713 = vector.shape_cast %get3A_712 : vector<1x1x16xf32> to vector<16xf32>
        %max3A_714 = arith.maximumf %max3A_656, %get3A_713 : vector<16xf32>
        %get3A_715 = arith.constant 3 : i32
        %get3A_716 = arith.index_cast %get3A_715 : i32 to index
        %get3A_717 = arith.index_cast %scan3A_686 : i32 to index
        %get3A_718 = arith.constant 64 : index
        %get3A_719 = tpu.vector_load %arg6[%get3A_716, %get3A_717, %get3A_718] {strides = array<i32>} : memref<4x200x128xf32, #tpu.memory_space<vmem>>, vector<1x1x16xf32>,
        %get3A_720 = vector.shape_cast %get3A_719 : vector<1x1x16xf32> to vector<16xf32>
        %max3A_721 = arith.maximumf %max3A_663, %get3A_720 : vector<16xf32>
        %get3A_722 = arith.constant 3 : i32
        %get3A_723 = arith.index_cast %get3A_722 : i32 to index
        %get3A_724 = arith.index_cast %scan3A_686 : i32 to index
        %get3A_725 = arith.constant 80 : index
        %get3A_726 = tpu.vector_load %arg6[%get3A_723, %get3A_724, %get3A_725] {strides = array<i32>} : memref<4x200x128xf32, #tpu.memory_space<vmem>>, vector<1x1x16xf32>,
        %get3A_727 = vector.shape_cast %get3A_726 : vector<1x1x16xf32> to vector<16xf32>
        %max3A_728 = arith.maximumf %max3A_670, %get3A_727 : vector<16xf32>
        %get3A_729 = arith.constant 3 : i32
        %get3A_730 = arith.index_cast %get3A_729 : i32 to index
        %get3A_731 = arith.index_cast %scan3A_686 : i32 to index
        %get3A_732 = arith.constant 96 : index
        %get3A_733 = tpu.vector_load %arg6[%get3A_730, %get3A_731, %get3A_732] {strides = array<i32>} : memref<4x200x128xf32, #tpu.memory_space<vmem>>, vector<1x1x16xf32>,
        %get3A_734 = vector.shape_cast %get3A_733 : vector<1x1x16xf32> to vector<16xf32>
        %max3A_735 = arith.maximumf %max3A_677, %get3A_734 : vector<16xf32>
        %get3A_736 = arith.constant 3 : i32
        %get3A_737 = arith.index_cast %get3A_736 : i32 to index
        %get3A_738 = arith.index_cast %scan3A_686 : i32 to index
        %get3A_739 = arith.constant 112 : index
        %get3A_740 = tpu.vector_load %arg6[%get3A_737, %get3A_738, %get3A_739] {strides = array<i32>} : memref<4x200x128xf32, #tpu.memory_space<vmem>>, vector<1x1x16xf32>,
        %get3A_741 = vector.shape_cast %get3A_740 : vector<1x1x16xf32> to vector<16xf32>
        %max3A_742 = arith.maximumf %max3A_684, %get3A_741 : vector<16xf32>
        %scan3A_743 = arith.constant 4 : i32
        %scan3A_744 = arith.addi %scan3A_506, %scan3A_743 : i32
        %get3A_745 = arith.constant 3 : i32
        %get3A_746 = arith.index_cast %get3A_745 : i32 to index
        %get3A_747 = arith.index_cast %scan3A_744 : i32 to index
        %get3A_748 = arith.constant 0 : index
        %get3A_749 = tpu.vector_load %arg6[%get3A_746, %get3A_747, %get3A_748] {strides = array<i32>} : memref<4x200x128xf32, #tpu.memory_space<vmem>>, vector<1x1x16xf32>,
        %get3A_750 = vector.shape_cast %get3A_749 : vector<1x1x16xf32> to vector<16xf32>
        %max3A_751 = arith.maximumf %max3A_693, %get3A_750 : vector<16xf32>
        %get3A_752 = arith.constant 3 : i32
        %get3A_753 = arith.index_cast %get3A_752 : i32 to index
        %get3A_754 = arith.index_cast %scan3A_744 : i32 to index
        %get3A_755 = arith.constant 16 : index
        %get3A_756 = tpu.vector_load %arg6[%get3A_753, %get3A_754, %get3A_755] {strides = array<i32>} : memref<4x200x128xf32, #tpu.memory_space<vmem>>, vector<1x1x16xf32>,
        %get3A_757 = vector.shape_cast %get3A_756 : vector<1x1x16xf32> to vector<16xf32>
        %max3A_758 = arith.maximumf %max3A_700, %get3A_757 : vector<16xf32>
        %get3A_759 = arith.constant 3 : i32
        %get3A_760 = arith.index_cast %get3A_759 : i32 to index
        %get3A_761 = arith.index_cast %scan3A_744 : i32 to index
        %get3A_762 = arith.constant 32 : index
        %get3A_763 = tpu.vector_load %arg6[%get3A_760, %get3A_761, %get3A_762] {strides = array<i32>} : memref<4x200x128xf32, #tpu.memory_space<vmem>>, vector<1x1x16xf32>,
        %get3A_764 = vector.shape_cast %get3A_763 : vector<1x1x16xf32> to vector<16xf32>
        %max3A_765 = arith.maximumf %max3A_707, %get3A_764 : vector<16xf32>
        %get3A_766 = arith.constant 3 : i32
        %get3A_767 = arith.index_cast %get3A_766 : i32 to index
        %get3A_768 = arith.index_cast %scan3A_744 : i32 to index
        %get3A_769 = arith.constant 48 : index
        %get3A_770 = tpu.vector_load %arg6[%get3A_767, %get3A_768, %get3A_769] {strides = array<i32>} : memref<4x200x128xf32, #tpu.memory_space<vmem>>, vector<1x1x16xf32>,
        %get3A_771 = vector.shape_cast %get3A_770 : vector<1x1x16xf32> to vector<16xf32>
        %max3A_772 = arith.maximumf %max3A_714, %get3A_771 : vector<16xf32>
        %get3A_773 = arith.constant 3 : i32
        %get3A_774 = arith.index_cast %get3A_773 : i32 to index
        %get3A_775 = arith.index_cast %scan3A_744 : i32 to index
        %get3A_776 = arith.constant 64 : index
        %get3A_777 = tpu.vector_load %arg6[%get3A_774, %get3A_775, %get3A_776] {strides = array<i32>} : memref<4x200x128xf32, #tpu.memory_space<vmem>>, vector<1x1x16xf32>,
        %get3A_778 = vector.shape_cast %get3A_777 : vector<1x1x16xf32> to vector<16xf32>
        %max3A_779 = arith.maximumf %max3A_721, %get3A_778 : vector<16xf32>
        %get3A_780 = arith.constant 3 : i32
        %get3A_781 = arith.index_cast %get3A_780 : i32 to index
        %get3A_782 = arith.index_cast %scan3A_744 : i32 to index
        %get3A_783 = arith.constant 80 : index
        %get3A_784 = tpu.vector_load %arg6[%get3A_781, %get3A_782, %get3A_783] {strides = array<i32>} : memref<4x200x128xf32, #tpu.memory_space<vmem>>, vector<1x1x16xf32>,
        %get3A_785 = vector.shape_cast %get3A_784 : vector<1x1x16xf32> to vector<16xf32>
        %max3A_786 = arith.maximumf %max3A_728, %get3A_785 : vector<16xf32>
        %get3A_787 = arith.constant 3 : i32
        %get3A_788 = arith.index_cast %get3A_787 : i32 to index
        %get3A_789 = arith.index_cast %scan3A_744 : i32 to index
        %get3A_790 = arith.constant 96 : index
        %get3A_791 = tpu.vector_load %arg6[%get3A_788, %get3A_789, %get3A_790] {strides = array<i32>} : memref<4x200x128xf32, #tpu.memory_space<vmem>>, vector<1x1x16xf32>,
        %get3A_792 = vector.shape_cast %get3A_791 : vector<1x1x16xf32> to vector<16xf32>
        %max3A_793 = arith.maximumf %max3A_735, %get3A_792 : vector<16xf32>
        %get3A_794 = arith.constant 3 : i32
        %get3A_795 = arith.index_cast %get3A_794 : i32 to index
        %get3A_796 = arith.index_cast %scan3A_744 : i32 to index
        %get3A_797 = arith.constant 112 : index
        %get3A_798 = tpu.vector_load %arg6[%get3A_795, %get3A_796, %get3A_797] {strides = array<i32>} : memref<4x200x128xf32, #tpu.memory_space<vmem>>, vector<1x1x16xf32>,
        %get3A_799 = vector.shape_cast %get3A_798 : vector<1x1x16xf32> to vector<16xf32>
        %max3A_800 = arith.maximumf %max3A_742, %get3A_799 : vector<16xf32>
        %scan3A_801 = arith.constant 5 : i32
        %scan3A_802 = arith.addi %scan3A_506, %scan3A_801 : i32
        %get3A_803 = arith.constant 3 : i32
        %get3A_804 = arith.index_cast %get3A_803 : i32 to index
        %get3A_805 = arith.index_cast %scan3A_802 : i32 to index
        %get3A_806 = arith.constant 0 : index
        %get3A_807 = tpu.vector_load %arg6[%get3A_804, %get3A_805, %get3A_806] {strides = array<i32>} : memref<4x200x128xf32, #tpu.memory_space<vmem>>, vector<1x1x16xf32>,
        %get3A_808 = vector.shape_cast %get3A_807 : vector<1x1x16xf32> to vector<16xf32>
        %max3A_809 = arith.maximumf %max3A_751, %get3A_808 : vector<16xf32>
        %get3A_810 = arith.constant 3 : i32
        %get3A_811 = arith.index_cast %get3A_810 : i32 to index
        %get3A_812 = arith.index_cast %scan3A_802 : i32 to index
        %get3A_813 = arith.constant 16 : index
        %get3A_814 = tpu.vector_load %arg6[%get3A_811, %get3A_812, %get3A_813] {strides = array<i32>} : memref<4x200x128xf32, #tpu.memory_space<vmem>>, vector<1x1x16xf32>,
        %get3A_815 = vector.shape_cast %get3A_814 : vector<1x1x16xf32> to vector<16xf32>
        %max3A_816 = arith.maximumf %max3A_758, %get3A_815 : vector<16xf32>
        %get3A_817 = arith.constant 3 : i32
        %get3A_818 = arith.index_cast %get3A_817 : i32 to index
        %get3A_819 = arith.index_cast %scan3A_802 : i32 to index
        %get3A_820 = arith.constant 32 : index
        %get3A_821 = tpu.vector_load %arg6[%get3A_818, %get3A_819, %get3A_820] {strides = array<i32>} : memref<4x200x128xf32, #tpu.memory_space<vmem>>, vector<1x1x16xf32>,
        %get3A_822 = vector.shape_cast %get3A_821 : vector<1x1x16xf32> to vector<16xf32>
        %max3A_823 = arith.maximumf %max3A_765, %get3A_822 : vector<16xf32>
        %get3A_824 = arith.constant 3 : i32
        %get3A_825 = arith.index_cast %get3A_824 : i32 to index
        %get3A_826 = arith.index_cast %scan3A_802 : i32 to index
        %get3A_827 = arith.constant 48 : index
        %get3A_828 = tpu.vector_load %arg6[%get3A_825, %get3A_826, %get3A_827] {strides = array<i32>} : memref<4x200x128xf32, #tpu.memory_space<vmem>>, vector<1x1x16xf32>,
        %get3A_829 = vector.shape_cast %get3A_828 : vector<1x1x16xf32> to vector<16xf32>
        %max3A_830 = arith.maximumf %max3A_772, %get3A_829 : vector<16xf32>
        %get3A_831 = arith.constant 3 : i32
        %get3A_832 = arith.index_cast %get3A_831 : i32 to index
        %get3A_833 = arith.index_cast %scan3A_802 : i32 to index
        %get3A_834 = arith.constant 64 : index
        %get3A_835 = tpu.vector_load %arg6[%get3A_832, %get3A_833, %get3A_834] {strides = array<i32>} : memref<4x200x128xf32, #tpu.memory_space<vmem>>, vector<1x1x16xf32>,
        %get3A_836 = vector.shape_cast %get3A_835 : vector<1x1x16xf32> to vector<16xf32>
        %max3A_837 = arith.maximumf %max3A_779, %get3A_836 : vector<16xf32>
        %get3A_838 = arith.constant 3 : i32
        %get3A_839 = arith.index_cast %get3A_838 : i32 to index
        %get3A_840 = arith.index_cast %scan3A_802 : i32 to index
        %get3A_841 = arith.constant 80 : index
        %get3A_842 = tpu.vector_load %arg6[%get3A_839, %get3A_840, %get3A_841] {strides = array<i32>} : memref<4x200x128xf32, #tpu.memory_space<vmem>>, vector<1x1x16xf32>,
        %get3A_843 = vector.shape_cast %get3A_842 : vector<1x1x16xf32> to vector<16xf32>
        %max3A_844 = arith.maximumf %max3A_786, %get3A_843 : vector<16xf32>
        %get3A_845 = arith.constant 3 : i32
        %get3A_846 = arith.index_cast %get3A_845 : i32 to index
        %get3A_847 = arith.index_cast %scan3A_802 : i32 to index
        %get3A_848 = arith.constant 96 : index
        %get3A_849 = tpu.vector_load %arg6[%get3A_846, %get3A_847, %get3A_848] {strides = array<i32>} : memref<4x200x128xf32, #tpu.memory_space<vmem>>, vector<1x1x16xf32>,
        %get3A_850 = vector.shape_cast %get3A_849 : vector<1x1x16xf32> to vector<16xf32>
        %max3A_851 = arith.maximumf %max3A_793, %get3A_850 : vector<16xf32>
        %get3A_852 = arith.constant 3 : i32
        %get3A_853 = arith.index_cast %get3A_852 : i32 to index
        %get3A_854 = arith.index_cast %scan3A_802 : i32 to index
        %get3A_855 = arith.constant 112 : index
        %get3A_856 = tpu.vector_load %arg6[%get3A_853, %get3A_854, %get3A_855] {strides = array<i32>} : memref<4x200x128xf32, #tpu.memory_space<vmem>>, vector<1x1x16xf32>,
        %get3A_857 = vector.shape_cast %get3A_856 : vector<1x1x16xf32> to vector<16xf32>
        %max3A_858 = arith.maximumf %max3A_800, %get3A_857 : vector<16xf32>
        %scan3A_859 = arith.constant 6 : i32
        %scan3A_860 = arith.addi %scan3A_506, %scan3A_859 : i32
        %get3A_861 = arith.constant 3 : i32
        %get3A_862 = arith.index_cast %get3A_861 : i32 to index
        %get3A_863 = arith.index_cast %scan3A_860 : i32 to index
        %get3A_864 = arith.constant 0 : index
        %get3A_865 = tpu.vector_load %arg6[%get3A_862, %get3A_863, %get3A_864] {strides = array<i32>} : memref<4x200x128xf32, #tpu.memory_space<vmem>>, vector<1x1x16xf32>,
        %get3A_866 = vector.shape_cast %get3A_865 : vector<1x1x16xf32> to vector<16xf32>
        %max3A_867 = arith.maximumf %max3A_809, %get3A_866 : vector<16xf32>
        %get3A_868 = arith.constant 3 : i32
        %get3A_869 = arith.index_cast %get3A_868 : i32 to index
        %get3A_870 = arith.index_cast %scan3A_860 : i32 to index
        %get3A_871 = arith.constant 16 : index
        %get3A_872 = tpu.vector_load %arg6[%get3A_869, %get3A_870, %get3A_871] {strides = array<i32>} : memref<4x200x128xf32, #tpu.memory_space<vmem>>, vector<1x1x16xf32>,
        %get3A_873 = vector.shape_cast %get3A_872 : vector<1x1x16xf32> to vector<16xf32>
        %max3A_874 = arith.maximumf %max3A_816, %get3A_873 : vector<16xf32>
        %get3A_875 = arith.constant 3 : i32
        %get3A_876 = arith.index_cast %get3A_875 : i32 to index
        %get3A_877 = arith.index_cast %scan3A_860 : i32 to index
        %get3A_878 = arith.constant 32 : index
        %get3A_879 = tpu.vector_load %arg6[%get3A_876, %get3A_877, %get3A_878] {strides = array<i32>} : memref<4x200x128xf32, #tpu.memory_space<vmem>>, vector<1x1x16xf32>,
        %get3A_880 = vector.shape_cast %get3A_879 : vector<1x1x16xf32> to vector<16xf32>
        %max3A_881 = arith.maximumf %max3A_823, %get3A_880 : vector<16xf32>
        %get3A_882 = arith.constant 3 : i32
        %get3A_883 = arith.index_cast %get3A_882 : i32 to index
        %get3A_884 = arith.index_cast %scan3A_860 : i32 to index
        %get3A_885 = arith.constant 48 : index
        %get3A_886 = tpu.vector_load %arg6[%get3A_883, %get3A_884, %get3A_885] {strides = array<i32>} : memref<4x200x128xf32, #tpu.memory_space<vmem>>, vector<1x1x16xf32>,
        %get3A_887 = vector.shape_cast %get3A_886 : vector<1x1x16xf32> to vector<16xf32>
        %max3A_888 = arith.maximumf %max3A_830, %get3A_887 : vector<16xf32>
        %get3A_889 = arith.constant 3 : i32
        %get3A_890 = arith.index_cast %get3A_889 : i32 to index
        %get3A_891 = arith.index_cast %scan3A_860 : i32 to index
        %get3A_892 = arith.constant 64 : index
        %get3A_893 = tpu.vector_load %arg6[%get3A_890, %get3A_891, %get3A_892] {strides = array<i32>} : memref<4x200x128xf32, #tpu.memory_space<vmem>>, vector<1x1x16xf32>,
        %get3A_894 = vector.shape_cast %get3A_893 : vector<1x1x16xf32> to vector<16xf32>
        %max3A_895 = arith.maximumf %max3A_837, %get3A_894 : vector<16xf32>
        %get3A_896 = arith.constant 3 : i32
        %get3A_897 = arith.index_cast %get3A_896 : i32 to index
        %get3A_898 = arith.index_cast %scan3A_860 : i32 to index
        %get3A_899 = arith.constant 80 : index
        %get3A_900 = tpu.vector_load %arg6[%get3A_897, %get3A_898, %get3A_899] {strides = array<i32>} : memref<4x200x128xf32, #tpu.memory_space<vmem>>, vector<1x1x16xf32>,
        %get3A_901 = vector.shape_cast %get3A_900 : vector<1x1x16xf32> to vector<16xf32>
        %max3A_902 = arith.maximumf %max3A_844, %get3A_901 : vector<16xf32>
        %get3A_903 = arith.constant 3 : i32
        %get3A_904 = arith.index_cast %get3A_903 : i32 to index
        %get3A_905 = arith.index_cast %scan3A_860 : i32 to index
        %get3A_906 = arith.constant 96 : index
        %get3A_907 = tpu.vector_load %arg6[%get3A_904, %get3A_905, %get3A_906] {strides = array<i32>} : memref<4x200x128xf32, #tpu.memory_space<vmem>>, vector<1x1x16xf32>,
        %get3A_908 = vector.shape_cast %get3A_907 : vector<1x1x16xf32> to vector<16xf32>
        %max3A_909 = arith.maximumf %max3A_851, %get3A_908 : vector<16xf32>
        %get3A_910 = arith.constant 3 : i32
        %get3A_911 = arith.index_cast %get3A_910 : i32 to index
        %get3A_912 = arith.index_cast %scan3A_860 : i32 to index
        %get3A_913 = arith.constant 112 : index
        %get3A_914 = tpu.vector_load %arg6[%get3A_911, %get3A_912, %get3A_913] {strides = array<i32>} : memref<4x200x128xf32, #tpu.memory_space<vmem>>, vector<1x1x16xf32>,
        %get3A_915 = vector.shape_cast %get3A_914 : vector<1x1x16xf32> to vector<16xf32>
        %max3A_916 = arith.maximumf %max3A_858, %get3A_915 : vector<16xf32>
        %scan3A_917 = arith.constant 7 : i32
        %scan3A_918 = arith.addi %scan3A_506, %scan3A_917 : i32
        %get3A_919 = arith.constant 3 : i32
        %get3A_920 = arith.index_cast %get3A_919 : i32 to index
        %get3A_921 = arith.index_cast %scan3A_918 : i32 to index
        %get3A_922 = arith.constant 0 : index
        %get3A_923 = tpu.vector_load %arg6[%get3A_920, %get3A_921, %get3A_922] {strides = array<i32>} : memref<4x200x128xf32, #tpu.memory_space<vmem>>, vector<1x1x16xf32>,
        %get3A_924 = vector.shape_cast %get3A_923 : vector<1x1x16xf32> to vector<16xf32>
        %max3A_925 = arith.maximumf %max3A_867, %get3A_924 : vector<16xf32>
        %get3A_926 = arith.constant 3 : i32
        %get3A_927 = arith.index_cast %get3A_926 : i32 to index
        %get3A_928 = arith.index_cast %scan3A_918 : i32 to index
        %get3A_929 = arith.constant 16 : index
        %get3A_930 = tpu.vector_load %arg6[%get3A_927, %get3A_928, %get3A_929] {strides = array<i32>} : memref<4x200x128xf32, #tpu.memory_space<vmem>>, vector<1x1x16xf32>,
        %get3A_931 = vector.shape_cast %get3A_930 : vector<1x1x16xf32> to vector<16xf32>
        %max3A_932 = arith.maximumf %max3A_874, %get3A_931 : vector<16xf32>
        %get3A_933 = arith.constant 3 : i32
        %get3A_934 = arith.index_cast %get3A_933 : i32 to index
        %get3A_935 = arith.index_cast %scan3A_918 : i32 to index
        %get3A_936 = arith.constant 32 : index
        %get3A_937 = tpu.vector_load %arg6[%get3A_934, %get3A_935, %get3A_936] {strides = array<i32>} : memref<4x200x128xf32, #tpu.memory_space<vmem>>, vector<1x1x16xf32>,
        %get3A_938 = vector.shape_cast %get3A_937 : vector<1x1x16xf32> to vector<16xf32>
        %max3A_939 = arith.maximumf %max3A_881, %get3A_938 : vector<16xf32>
        %get3A_940 = arith.constant 3 : i32
        %get3A_941 = arith.index_cast %get3A_940 : i32 to index
        %get3A_942 = arith.index_cast %scan3A_918 : i32 to index
        %get3A_943 = arith.constant 48 : index
        %get3A_944 = tpu.vector_load %arg6[%get3A_941, %get3A_942, %get3A_943] {strides = array<i32>} : memref<4x200x128xf32, #tpu.memory_space<vmem>>, vector<1x1x16xf32>,
        %get3A_945 = vector.shape_cast %get3A_944 : vector<1x1x16xf32> to vector<16xf32>
        %max3A_946 = arith.maximumf %max3A_888, %get3A_945 : vector<16xf32>
        %get3A_947 = arith.constant 3 : i32
        %get3A_948 = arith.index_cast %get3A_947 : i32 to index
        %get3A_949 = arith.index_cast %scan3A_918 : i32 to index
        %get3A_950 = arith.constant 64 : index
        %get3A_951 = tpu.vector_load %arg6[%get3A_948, %get3A_949, %get3A_950] {strides = array<i32>} : memref<4x200x128xf32, #tpu.memory_space<vmem>>, vector<1x1x16xf32>,
        %get3A_952 = vector.shape_cast %get3A_951 : vector<1x1x16xf32> to vector<16xf32>
        %max3A_953 = arith.maximumf %max3A_895, %get3A_952 : vector<16xf32>
        %get3A_954 = arith.constant 3 : i32
        %get3A_955 = arith.index_cast %get3A_954 : i32 to index
        %get3A_956 = arith.index_cast %scan3A_918 : i32 to index
        %get3A_957 = arith.constant 80 : index
        %get3A_958 = tpu.vector_load %arg6[%get3A_955, %get3A_956, %get3A_957] {strides = array<i32>} : memref<4x200x128xf32, #tpu.memory_space<vmem>>, vector<1x1x16xf32>,
        %get3A_959 = vector.shape_cast %get3A_958 : vector<1x1x16xf32> to vector<16xf32>
        %max3A_960 = arith.maximumf %max3A_902, %get3A_959 : vector<16xf32>
        %get3A_961 = arith.constant 3 : i32
        %get3A_962 = arith.index_cast %get3A_961 : i32 to index
        %get3A_963 = arith.index_cast %scan3A_918 : i32 to index
        %get3A_964 = arith.constant 96 : index
        %get3A_965 = tpu.vector_load %arg6[%get3A_962, %get3A_963, %get3A_964] {strides = array<i32>} : memref<4x200x128xf32, #tpu.memory_space<vmem>>, vector<1x1x16xf32>,
        %get3A_966 = vector.shape_cast %get3A_965 : vector<1x1x16xf32> to vector<16xf32>
        %max3A_967 = arith.maximumf %max3A_909, %get3A_966 : vector<16xf32>
        %get3A_968 = arith.constant 3 : i32
        %get3A_969 = arith.index_cast %get3A_968 : i32 to index
        %get3A_970 = arith.index_cast %scan3A_918 : i32 to index
        %get3A_971 = arith.constant 112 : index
        %get3A_972 = tpu.vector_load %arg6[%get3A_969, %get3A_970, %get3A_971] {strides = array<i32>} : memref<4x200x128xf32, #tpu.memory_space<vmem>>, vector<1x1x16xf32>,
        %get3A_973 = vector.shape_cast %get3A_972 : vector<1x1x16xf32> to vector<16xf32>
        %max3A_974 = arith.maximumf %max3A_916, %get3A_973 : vector<16xf32>
        scf.yield %max3A_925, %max3A_932, %max3A_939, %max3A_946, %max3A_953, %max3A_960, %max3A_967, %max3A_974 : vector<16xf32>, vector<16xf32>, vector<16xf32>, vector<16xf32>, vector<16xf32>, vector<16xf32>, vector<16xf32>, vector<16xf32>
      }
      %scan3A_454 = arith.constant 200 : i32
      %mul3A_455 = arith.constant 2 : i32
      %mul3A_456 = arith.muli %mul3A_455, %scan3A_138 : i32
      %add3A_457 = arith.constant 1 : i32
      %add3A_458 = arith.addi %mul3A_456, %add3A_457 : i32
      %swap3A_459 = arith.index_cast %add3A_458 : i32 to index
      %swap3A_460 = arith.constant 0 : index
      %swap3A_461 = tpu.vector_load %arg7[%swap3A_459, %swap3A_460] {strides = array<i32>} : memref<32x128xf32, #tpu.memory_space<vmem>>, vector<1x16xf32>,
      %swap3A_462 = vector.shape_cast %swap3A_461 : vector<1x16xf32> to vector<16xf32>
      %swap3A_463 = vector.shape_cast %scan3A_453#0 : vector<16xf32> to vector<1x16xf32>
      tpu.vector_store %arg7[%swap3A_459, %swap3A_460], %swap3A_463 {strides = array<i32>} : memref<32x128xf32, #tpu.memory_space<vmem>>, vector<1x16xf32>,
      %swap3A_464 = arith.index_cast %add3A_458 : i32 to index
      %swap3A_465 = arith.constant 16 : index
      %swap3A_466 = tpu.vector_load %arg7[%swap3A_464, %swap3A_465] {strides = array<i32>} : memref<32x128xf32, #tpu.memory_space<vmem>>, vector<1x16xf32>,
      %swap3A_467 = vector.shape_cast %swap3A_466 : vector<1x16xf32> to vector<16xf32>
      %swap3A_468 = vector.shape_cast %scan3A_453#1 : vector<16xf32> to vector<1x16xf32>
      tpu.vector_store %arg7[%swap3A_464, %swap3A_465], %swap3A_468 {strides = array<i32>} : memref<32x128xf32, #tpu.memory_space<vmem>>, vector<1x16xf32>,
      %swap3A_469 = arith.index_cast %add3A_458 : i32 to index
      %swap3A_470 = arith.constant 32 : index
      %swap3A_471 = tpu.vector_load %arg7[%swap3A_469, %swap3A_470] {strides = array<i32>} : memref<32x128xf32, #tpu.memory_space<vmem>>, vector<1x16xf32>,
      %swap3A_472 = vector.shape_cast %swap3A_471 : vector<1x16xf32> to vector<16xf32>
      %swap3A_473 = vector.shape_cast %scan3A_453#2 : vector<16xf32> to vector<1x16xf32>
      tpu.vector_store %arg7[%swap3A_469, %swap3A_470], %swap3A_473 {strides = array<i32>} : memref<32x128xf32, #tpu.memory_space<vmem>>, vector<1x16xf32>,
      %swap3A_474 = arith.index_cast %add3A_458 : i32 to index
      %swap3A_475 = arith.constant 48 : index
      %swap3A_476 = tpu.vector_load %arg7[%swap3A_474, %swap3A_475] {strides = array<i32>} : memref<32x128xf32, #tpu.memory_space<vmem>>, vector<1x16xf32>,
      %swap3A_477 = vector.shape_cast %swap3A_476 : vector<1x16xf32> to vector<16xf32>
      %swap3A_478 = vector.shape_cast %scan3A_453#3 : vector<16xf32> to vector<1x16xf32>
      tpu.vector_store %arg7[%swap3A_474, %swap3A_475], %swap3A_478 {strides = array<i32>} : memref<32x128xf32, #tpu.memory_space<vmem>>, vector<1x16xf32>,
      %swap3A_479 = arith.index_cast %add3A_458 : i32 to index
      %swap3A_480 = arith.constant 64 : index
      %swap3A_481 = tpu.vector_load %arg7[%swap3A_479, %swap3A_480] {strides = array<i32>} : memref<32x128xf32, #tpu.memory_space<vmem>>, vector<1x16xf32>,
      %swap3A_482 = vector.shape_cast %swap3A_481 : vector<1x16xf32> to vector<16xf32>
      %swap3A_483 = vector.shape_cast %scan3A_453#4 : vector<16xf32> to vector<1x16xf32>
      tpu.vector_store %arg7[%swap3A_479, %swap3A_480], %swap3A_483 {strides = array<i32>} : memref<32x128xf32, #tpu.memory_space<vmem>>, vector<1x16xf32>,
      %swap3A_484 = arith.index_cast %add3A_458 : i32 to index
      %swap3A_485 = arith.constant 80 : index
      %swap3A_486 = tpu.vector_load %arg7[%swap3A_484, %swap3A_485] {strides = array<i32>} : memref<32x128xf32, #tpu.memory_space<vmem>>, vector<1x16xf32>,
      %swap3A_487 = vector.shape_cast %swap3A_486 : vector<1x16xf32> to vector<16xf32>
      %swap3A_488 = vector.shape_cast %scan3A_453#5 : vector<16xf32> to vector<1x16xf32>
      tpu.vector_store %arg7[%swap3A_484, %swap3A_485], %swap3A_488 {strides = array<i32>} : memref<32x128xf32, #tpu.memory_space<vmem>>, vector<1x16xf32>,
      %swap3A_489 = arith.index_cast %add3A_458 : i32 to index
      %swap3A_490 = arith.constant 96 : index
      %swap3A_491 = tpu.vector_load %arg7[%swap3A_489, %swap3A_490] {strides = array<i32>} : memref<32x128xf32, #tpu.memory_space<vmem>>, vector<1x16xf32>,
      %swap3A_492 = vector.shape_cast %swap3A_491 : vector<1x16xf32> to vector<16xf32>
      %swap3A_493 = vector.shape_cast %scan3A_453#6 : vector<16xf32> to vector<1x16xf32>
      tpu.vector_store %arg7[%swap3A_489, %swap3A_490], %swap3A_493 {strides = array<i32>} : memref<32x128xf32, #tpu.memory_space<vmem>>, vector<1x16xf32>,
      %swap3A_494 = arith.index_cast %add3A_458 : i32 to index
      %swap3A_495 = arith.constant 112 : index
      %swap3A_496 = tpu.vector_load %arg7[%swap3A_494, %swap3A_495] {strides = array<i32>} : memref<32x128xf32, #tpu.memory_space<vmem>>, vector<1x16xf32>,
      %swap3A_497 = vector.shape_cast %swap3A_496 : vector<1x16xf32> to vector<16xf32>
      %swap3A_498 = vector.shape_cast %scan3A_453#7 : vector<16xf32> to vector<1x16xf32>
      tpu.vector_store %arg7[%swap3A_494, %swap3A_495], %swap3A_498 {strides = array<i32>} : memref<32x128xf32, #tpu.memory_space<vmem>>, vector<1x16xf32>,
      %add3A_499 = arith.constant 4 : i32
      %add3A_500 = arith.addi %add3A_433, %add3A_499 : i32
      %lt3A_501 = arith.constant 64 : i32
      %lt3A_502 = arith.cmpi slt, %add3A_500, %lt3A_501 : i32
      %convert_element_type3A_503 = arith.extui %lt3A_502 : i1 to i32
      %cond3A_504 = arith.constant 0 : i32
      %cond3A_505 = arith.cmpi ne, %convert_element_type3A_503, %cond3A_504 : i32
      scf.if %cond3A_505 {
        %jit3A_506 = arith.constant 2 : i32
        %div3A_507 = arith.divsi %add3A_500, %jit3A_506 : i32
        %sign3A_508 = arith.constant 0 : i32
        %sign3A_509 = arith.cmpi sgt, %add3A_500, %sign3A_508 : i32
        %sign3A_510 = arith.extui %sign3A_509 : i1 to i32
        %sign3A_511 = arith.constant 0 : i32
        %sign3A_512 = arith.cmpi slt, %add3A_500, %sign3A_511 : i32
        %sign3A_513 = arith.extui %sign3A_512 : i1 to i32
        %sign3A_514 = arith.subi %sign3A_510, %sign3A_513 : i32
        %sign3A_515 = arith.constant 0 : i32
        %sign3A_516 = arith.cmpi sgt, %jit3A_506, %sign3A_515 : i32
        %sign3A_517 = arith.extui %sign3A_516 : i1 to i32
        %sign3A_518 = arith.constant 0 : i32
        %sign3A_519 = arith.cmpi slt, %jit3A_506, %sign3A_518 : i32
        %sign3A_520 = arith.extui %sign3A_519 : i1 to i32
        %sign3A_521 = arith.subi %sign3A_517, %sign3A_520 : i32
        %ne3A_522 = arith.cmpi ne, %sign3A_514, %sign3A_521 : i32
        %rem3A_523 = arith.remsi %add3A_500, %jit3A_506 : i32
        %ne3A_524 = arith.constant 0 : i32
        %ne3A_525 = arith.cmpi ne, %rem3A_523, %ne3A_524 : i32
        %and3A_526 = arith.andi %ne3A_522, %ne3A_525 : i1
        %sub3A_527 = arith.constant 1 : i32
        %sub3A_528 = arith.subi %div3A_507, %sub3A_527 : i32
        %select_n3A_529 = arith.select %and3A_526, %sub3A_528, %div3A_507 : i32
        %jit3A_530 = arith.constant 8 : i32
        %div3A_531 = arith.divsi %select_n3A_529, %jit3A_530 : i32
        %sign3A_532 = arith.constant 0 : i32
        %sign3A_533 = arith.cmpi sgt, %select_n3A_529, %sign3A_532 : i32
        %sign3A_534 = arith.extui %sign3A_533 : i1 to i32
        %sign3A_535 = arith.constant 0 : i32
        %sign3A_536 = arith.cmpi slt, %select_n3A_529, %sign3A_535 : i32
        %sign3A_537 = arith.extui %sign3A_536 : i1 to i32
        %sign3A_538 = arith.subi %sign3A_534, %sign3A_537 : i32
        %sign3A_539 = arith.constant 0 : i32
        %sign3A_540 = arith.cmpi sgt, %jit3A_530, %sign3A_539 : i32
        %sign3A_541 = arith.extui %sign3A_540 : i1 to i32
        %sign3A_542 = arith.constant 0 : i32
        %sign3A_543 = arith.cmpi slt, %jit3A_530, %sign3A_542 : i32
        %sign3A_544 = arith.extui %sign3A_543 : i1 to i32
        %sign3A_545 = arith.subi %sign3A_541, %sign3A_544 : i32
        %ne3A_546 = arith.cmpi ne, %sign3A_538, %sign3A_545 : i32
        %rem3A_547 = arith.remsi %select_n3A_529, %jit3A_530 : i32
        %ne3A_548 = arith.constant 0 : i32
        %ne3A_549 = arith.cmpi ne, %rem3A_547, %ne3A_548 : i32
        %and3A_550 = arith.andi %ne3A_546, %ne3A_549 : i1
        %sub3A_551 = arith.constant 1 : i32
        %sub3A_552 = arith.subi %div3A_531, %sub3A_551 : i32
        %select_n3A_553 = arith.select %and3A_550, %sub3A_552, %div3A_531 : i32
        %mul3A_554 = arith.constant 8 : i32
        %mul3A_555 = arith.muli %select_n3A_553, %mul3A_554 : i32
        %sub3A_556 = arith.subi %select_n3A_529, %mul3A_555 : i32
        %and3A_557 = arith.constant 1 : i32
        %and3A_558 = arith.andi %select_n3A_553, %and3A_557 : i32
        %jit3A_559 = arith.constant 2 : i32
        %eq3A_560 = arith.constant 0 : i32
        %eq3A_561 = arith.cmpi eq, %jit3A_559, %eq3A_560 : i32
        %jit3A_562 = arith.constant 1 : i32
        %select_n3A_563 = arith.select %eq3A_561, %jit3A_562, %jit3A_559 : i32
        %rem3A_564 = arith.remsi %add3A_500, %select_n3A_563 : i32
        %ne3A_565 = arith.constant 0 : i32
        %ne3A_566 = arith.cmpi ne, %rem3A_564, %ne3A_565 : i32
        %lt3A_567 = arith.constant 0 : i32
        %lt3A_568 = arith.cmpi slt, %rem3A_564, %lt3A_567 : i32
        %lt3A_569 = arith.constant 0 : i32
        %lt3A_570 = arith.cmpi slt, %select_n3A_563, %lt3A_569 : i32
        %ne3A_571 = arith.xori %lt3A_568, %lt3A_570 : i1
        %and3A_572 = arith.andi %ne3A_571, %ne3A_566 : i1
        %add3A_573 = arith.addi %rem3A_564, %select_n3A_563 : i32
        %select_n3A_574 = arith.select %and3A_572, %add3A_573, %rem3A_564 : i32
        %mul3A_575 = arith.constant 2 : i32
        %mul3A_576 = arith.muli %select_n3A_574, %mul3A_575 : i32
        %add3A_577 = arith.constant 0 : i32
        %add3A_578 = arith.addi %mul3A_576, %add3A_577 : i32
        %dma_start3A_579 = arith.constant 3 : i32
        %dma_start3A_580 = arith.constant 0 : i32
        %dma_start3A_581 = arith.constant 0 : i32
        %dma_start3A_582 = tpu.memref_slice %arg6[%dma_start3A_579, %dma_start3A_580, %dma_start3A_581] : memref<4x200x128xf32, #tpu.memory_space<vmem>> -> memref<1x100x128xf32, #tpu.memory_space<vmem>>
        %dma_start3A_583 = tpu.memref_squeeze %dma_start3A_582 : memref<1x100x128xf32, #tpu.memory_space<vmem>> -> memref<100x128xf32, #tpu.memory_space<vmem>>
        %dma_start3A_584 = arith.constant 0 : i32
        %dma_start3A_585 = tpu.memref_slice %arg5[%and3A_558, %sub3A_556, %add3A_578, %dma_start3A_584] : memref<2x8x4x100xi32, #tpu.memory_space<vmem>> -> memref<1x1x1x100xi32, #tpu.memory_space<vmem>>
        %dma_start3A_586 = tpu.memref_squeeze %dma_start3A_585 : memref<1x1x1x100xi32, #tpu.memory_space<vmem>> -> memref<100xi32, #tpu.memory_space<vmem>>
        %dma_start3A_587 = arith.constant 0 : i32
        %dma_start3A_588 = arith.constant 0 : i32
        %dma_start3A_589 = tpu.memref_slice %arg3[%dma_start3A_587, %dma_start3A_588] : memref<100000x128xf32, #tpu.memory_space<hbm>> -> memref<100000x128xf32, #tpu.memory_space<hbm>>
        tpu.enqueue_indirect_dma source(%dma_start3A_589 : memref<100000x128xf32, #tpu.memory_space<hbm>>) target(%dma_start3A_583 : memref<100x128xf32, #tpu.memory_space<vmem>>) offsets(%dma_start3A_586 : memref<100xi32, #tpu.memory_space<vmem>>) semaphore(%arg11 : memref<!tpu.dma_semaphore, #tpu.memory_space<semaphore_mem>>)
        %and3A_590 = arith.constant 1 : i32
        %and3A_591 = arith.andi %select_n3A_553, %and3A_590 : i32
        %jit3A_592 = arith.constant 2 : i32
        %eq3A_593 = arith.constant 0 : i32
        %eq3A_594 = arith.cmpi eq, %jit3A_592, %eq3A_593 : i32
        %jit3A_595 = arith.constant 1 : i32
        %select_n3A_596 = arith.select %eq3A_594, %jit3A_595, %jit3A_592 : i32
        %rem3A_597 = arith.remsi %add3A_500, %select_n3A_596 : i32
        %ne3A_598 = arith.constant 0 : i32
        %ne3A_599 = arith.cmpi ne, %rem3A_597, %ne3A_598 : i32
        %lt3A_600 = arith.constant 0 : i32
        %lt3A_601 = arith.cmpi slt, %rem3A_597, %lt3A_600 : i32
        %lt3A_602 = arith.constant 0 : i32
        %lt3A_603 = arith.cmpi slt, %select_n3A_596, %lt3A_602 : i32
        %ne3A_604 = arith.xori %lt3A_601, %lt3A_603 : i1
        %and3A_605 = arith.andi %ne3A_604, %ne3A_599 : i1
        %add3A_606 = arith.addi %rem3A_597, %select_n3A_596 : i32
        %select_n3A_607 = arith.select %and3A_605, %add3A_606, %rem3A_597 : i32
        %mul3A_608 = arith.constant 2 : i32
        %mul3A_609 = arith.muli %select_n3A_607, %mul3A_608 : i32
        %add3A_610 = arith.constant 1 : i32
        %add3A_611 = arith.addi %mul3A_609, %add3A_610 : i32
        %dma_start3A_612 = arith.constant 3 : i32
        %dma_start3A_613 = arith.constant 100 : i32
        %dma_start3A_614 = arith.constant 0 : i32
        %dma_start3A_615 = tpu.memref_slice %arg6[%dma_start3A_612, %dma_start3A_613, %dma_start3A_614] : memref<4x200x128xf32, #tpu.memory_space<vmem>> -> memref<1x100x128xf32, #tpu.memory_space<vmem>>
        %dma_start3A_616 = tpu.memref_squeeze %dma_start3A_615 : memref<1x100x128xf32, #tpu.memory_space<vmem>> -> memref<100x128xf32, #tpu.memory_space<vmem>>
        %dma_start3A_617 = arith.constant 0 : i32
        %dma_start3A_618 = tpu.memref_slice %arg5[%and3A_591, %sub3A_556, %add3A_611, %dma_start3A_617] : memref<2x8x4x100xi32, #tpu.memory_space<vmem>> -> memref<1x1x1x100xi32, #tpu.memory_space<vmem>>
        %dma_start3A_619 = tpu.memref_squeeze %dma_start3A_618 : memref<1x1x1x100xi32, #tpu.memory_space<vmem>> -> memref<100xi32, #tpu.memory_space<vmem>>
        %dma_start3A_620 = arith.constant 0 : i32
        %dma_start3A_621 = arith.constant 0 : i32
        %dma_start3A_622 = tpu.memref_slice %arg3[%dma_start3A_620, %dma_start3A_621] : memref<100000x128xf32, #tpu.memory_space<hbm>> -> memref<100000x128xf32, #tpu.memory_space<hbm>>
        tpu.enqueue_indirect_dma source(%dma_start3A_622 : memref<100000x128xf32, #tpu.memory_space<hbm>>) target(%dma_start3A_616 : memref<100x128xf32, #tpu.memory_space<vmem>>) offsets(%dma_start3A_619 : memref<100xi32, #tpu.memory_space<vmem>>) semaphore(%arg11 : memref<!tpu.dma_semaphore, #tpu.memory_space<semaphore_mem>>)
      } else {
      }
    }
    %scan3A_137 = arith.constant 16 : i32
    "tpu.region"() ({
      %run_scoped3A_138 = tpu.sem_alloc : memref<!tpu.dma_semaphore, #tpu.memory_space<semaphore_mem>>
      %dma_start3A_139 = arith.constant 0 : i32
      %dma_start3A_140 = tpu.memref_slice %arg4[%mul3A_2, %dma_start3A_139] : memref<1024x128xf32, #tpu.memory_space<hbm>> -> memref<32x128xf32, #tpu.memory_space<hbm>>
      %dma_start3A_141 = arith.constant 0 : i32
      %dma_start3A_142 = tpu.memref_slice %arg4[%mul3A_2, %dma_start3A_141] : memref<1024x128xf32, #tpu.memory_space<hbm>> -> memref<32x128xf32, #tpu.memory_space<hbm>>
      tpu.enqueue_dma source(%arg7 : memref<32x128xf32, #tpu.memory_space<vmem>>) target(%dma_start3A_142 : memref<32x128xf32, #tpu.memory_space<hbm>>) target_semaphore(%run_scoped3A_138 : memref<!tpu.dma_semaphore, #tpu.memory_space<semaphore_mem>>)
      %dma_wait3A = arith.constant 0 : i32
      %dma_wait3A_143 = tpu.memref_slice %arg4[%mul3A_2, %dma_wait3A] : memref<1024x128xf32, #tpu.memory_space<hbm>> -> memref<32x128xf32, #tpu.memory_space<hbm>>
      %dma_wait3A_144 = arith.constant 0 : i32
      %dma_wait3A_145 = tpu.memref_slice %arg4[%mul3A_2, %dma_wait3A_144] : memref<1024x128xf32, #tpu.memory_space<hbm>> -> memref<32x128xf32, #tpu.memory_space<hbm>>
      tpu.wait_dma2 semaphore(%run_scoped3A_138 : memref<!tpu.dma_semaphore, #tpu.memory_space<semaphore_mem>>) src(%arg7 : memref<32x128xf32, #tpu.memory_space<vmem>>) dst(%dma_wait3A_145 : memref<32x128xf32, #tpu.memory_space<hbm>>)
      tpu.yield
    }) : () -> ()
    return
  }
}

module attributes {stable_mosaic.version = 14 : i64} {
  func.func @_fc_body(%arg0: memref<1024x128xf32, #tpu.memory_space<vmem>>, %arg1: memref<100x128xf32, #tpu.memory_space<vmem>>, %arg2: memref<1x100xf32, #tpu.memory_space<vmem>>, %arg3: memref<1024x100xf32, #tpu.memory_space<vmem>>) attributes {dimension_semantics = [], scalar_prefetch = 0 : i64, scratch_operands = 0 : i64, tpu.core_type = #tpu.core_type<tc>} {
    %get3A = arith.constant 0 : index
    %get3A_0 = arith.constant 0 : index
    %get3A_1 = vector.load %arg0[%get3A, %get3A_0] : memref<1024x128xf32, #tpu.memory_space<vmem>>, vector<1024x128xf32>
    %get3A_2 = arith.constant 0 : index
    %get3A_3 = arith.constant 0 : index
    %get3A_4 = vector.load %arg1[%get3A_2, %get3A_3] : memref<100x128xf32, #tpu.memory_space<vmem>>, vector<100x128xf32>
    %dot_general3A = arith.constant dense<0.000000e+00> : vector<1024x100xf32>
    %dot_general3A_5 = tpu.matmul %get3A_1, %get3A_4, %dot_general3A {dimension_numbers = #tpu.dot_dimension_numbers<[1], [1], [0], [0], [0, 0, 1, 0], [], []>, transpose_lhs_hint = false} : vector<1024x128xf32>, vector<100x128xf32>, vector<1024x100xf32> -> vector<1024x100xf32>
    %get3A_6 = arith.constant 0 : index
    %get3A_7 = arith.constant 0 : index
    %get3A_8 = vector.load %arg2[%get3A_6, %get3A_7] : memref<1x100xf32, #tpu.memory_space<vmem>>, vector<1x100xf32>
    %add3A = vector.broadcast %get3A_8 : vector<1x100xf32> to vector<1024x100xf32>
    %add3A_9 = arith.addf %dot_general3A_5, %add3A : vector<1024x100xf32>
    %logistic3A = arith.negf %add3A_9 : vector<1024x100xf32>
    %logistic3A_10 = math.exp %logistic3A : vector<1024x100xf32>
    %logistic3A_11 = arith.constant 1.000000e+00 : f32
    %logistic3A_12 = vector.broadcast %logistic3A_11 : f32 to vector<1024x100xf32>
    %logistic3A_13 = arith.addf %logistic3A_12, %logistic3A_10 : vector<1024x100xf32>
    %logistic3A_14 = arith.divf %logistic3A_12, %logistic3A_13 : vector<1024x100xf32>
    %swap3A = arith.constant 0 : index
    %swap3A_15 = arith.constant 0 : index
    %swap3A_16 = vector.load %arg3[%swap3A, %swap3A_15] : memref<1024x100xf32, #tpu.memory_space<vmem>>, vector<1024x100xf32>
    tpu.vector_store %arg3[%swap3A, %swap3A_15], %logistic3A_14 {strides = array<i32>} : memref<1024x100xf32, #tpu.memory_space<vmem>>, vector<1024x100xf32>,
    return
  }
}

</mosaic_0001>

<sc_bundles>
// kernel: kernel.4.cloned.1.call-start
scs
__scs_entry_jumppad:
0x0: {  	(pc) =	sbr.rel $0x88, $3  }
0x1: {  	(tag) =	ssettag $0x0;
	lr =	simm.s32 $0x1  }
0x2: {  	[smem:$0x3F9D] =	sst lr;
	_ =	strace $0xD0000000  }
0x3: {  	_ = 	snop  }
0x4: {  	_ = 	snop  }
0x5: {  	_ = 	snop  }
0x6: {  	_ = 	snop  }
0x7: {  	_ = 	snop  }
__scs_overlays_trampoline_lowered:
0x8: {  	[smem:$0x3FAC] =	sst s0  }
0x9: {  	[smem:$0x3FAD] =	sst s1  }
0xa: {  	[smem:$0x3FAE] =	sst s2  }
0xb: {  	[smem:$0x3FAF] =	sst s3  }
0xc: {  	[smem:$0x3FB0] =	sst s4  }
0xd: {  	[smem:$0x3FB1] =	sst s5  }
0xe: {  	[smem:$0x3FB2] =	sst s6  }
0xf: {  	[smem:$0x3FB3] =	sst s7  }
0x10: {  	[smem:$0x3FB4] =	sst s8  }
0x11: {  	[smem:$0x3FB5] =	sst s9;
	s0 =	simm.s32 @!p0 $0x0  }
0x12: {  	s1 =	sld [smem:$0x3F9B];
	s0 =	simm.s32 @p0 $0x1  }
0x13: {  	[smem:$0x3FB6] =	sst s0;
	s0 =	simm.s32 @!p1 $0x0  }
0x14: {  	s2 =	sld [smem:$0x3F9A];
	s0 =	simm.s32 @p1 $0x1  }
0x15: {  	[smem:$0x3FB7] =	sst s0;
	s0 =	simm.s32 @!p2 $0x0  }
0x16: {  	s3 =	sld [smem:$0x3FDB];
	s0 =	simm.s32 @p2 $0x1  }
0x17: {  	s4 =	simm.s32 $0x1BF5;
	[smem:$0x3FB9] =	sst s0  }
0x18: {  	s0 =	sld [smem:$0x3F9C];
	_ =	swait.ge [sflag:s4], $0x0  }
0x19: {  	s7 =	sld [smem:$0x3F9D]  }
0x1a: {  	s8 =	sadd.s32 $0xFFFFE003, lr  }
0x1b: {  	s9 =	sadd.s32 $0xFFFFFEF7, lr;
	s5 =	simm.s32 $0xFFFFFFFF;
	p2 =	slt.u32 s8, $0xFFFFF086  }
0x1c: {  	p1 =	slt.u32 s9, $0xF7A;
	s5 =	simm.s32 @!p2 $0x0  }
0x1d: {  	s5 =	simm.s32 @p1 $0x1;
	p0 =	seq.s32 s7, s2  }
0x1e: {  	s7 =	smul.u32 @!p0 $0xF7A, s2;
	p2 =	seq.s32 @!p0 s5, $0x0  }
0x1f: {  	s9 =	smul.u32 $0xF7A, s1;
	s8 =	simm.s32 @!p0 $0x1BF5;
	p2 =	por !p2, p0  }
0x20: {  	[sflag:s8] =	ssyncset.s32 @!p0 $0xFFFFF086;
	s6 =	sadd.s32 @!p0 s3, s7;
	s7 =	simm.s32 @!p0 $0x108  }
0x21: {  	s3 =	sadd.s32 s3, s9;
	s6 =	sadd.s32 @!p0 $0x88, s6;
	s7 =	simm.s32 @p2 $0x1082  }
0x22: {  	[simem:s7], [sflag:s8] =	dma.local @!p0 [hbm:s6], $0xF7A  }
0x23: {  	s9 =	sor.u32 $0xD0000000, s2;
	s6 =	simm.s32 $0x108;
	_ =	swait.ge @!p0 [sflag:s8], $0x0  }
0x24: {  	s3 =	sadd.s32 $0x88, s3;
	s6 =	simm.s32 @!p1 $0x1082;
	[sflag:s4] =	ssyncset.s32 $0xFFFFF086  }
0x25: {  	[simem:s6], [sflag:s4] =	dma.local [hbm:s3], $0xF7A  }
0x26: {  	[smem:$0x3F9D] =	sst s1;
	(tag) =	ssettag s2;
	_ =	strace s9  }
0x27: {  	s1 =	sld [smem:$0x3FAD]  }
0x28: {  	s2 =	sld [smem:$0x3FAE]  }
0x29: {  	s4 =	sld [smem:$0x3FB0]  }
0x2a: {  	p0 =	seq.s32 s5, $0x0;
	s5 =	sld [smem:$0x3FB1]  }
0x2b: {  	s6 =	sld [smem:$0x3FB2]  }
0x2c: {  	s7 =	sld [smem:$0x3FB3]  }
0x2d: {  	s3 =	simm.s32 $0x108;
	s8 =	sld [smem:$0x3FB4]  }
0x2e: {  	s3 =	simm.s32 @!p0 $0x1082;
	s9 =	sld [smem:$0x3FB5]  }
0x2f: {  	lr =	sadd.s32 s0, s3;
	s0 =	sld [smem:$0x3FAC]  }
0x30: {  	s3 =	sld [smem:$0x3FAF]  }
0x31: {  	[smem:$0x3FB8] =	sst s10  }
0x32: {  	s10 =	sld [smem:$0x3FB6];
	_ =	sdelay $0x3  }
0x33: {  	p0 =	seq.s32 s10, $0x1;
	s10 =	sld [smem:$0x3FB8];
	_ =	sdelay $0x3  }
0x34: {  	[smem:$0x3FB8] =	sst s10  }
0x35: {  	s10 =	sld [smem:$0x3FB7];
	_ =	sdelay $0x3  }
0x36: {  	p1 =	seq.s32 s10, $0x1;
	s10 =	sld [smem:$0x3FB8];
	_ =	sdelay $0x3  }
0x37: {  	[smem:$0x3FB8] =	sst s10  }
0x38: {  	s10 =	sld [smem:$0x3FB9]  }
0x39: {  	_ = 	snop;
	(pc) =	sbr.ind lr, $3  }
0x3a: {  	_ = 	snop  }
0x3b: {  	_ = 	snop  }
0x3c: {  	p2 =	seq.s32 s10, $0x1;
	s10 =	sld [smem:$0x3FB8]  }
0x3d: {  	_ =	shalt  }
0x3e: {  	_ =	shalt  }
0x3f: {  	_ =	shalt  }
0x40: {  	_ =	shalt  }
0x41: {  	_ =	shalt  }
0x42: {  	_ =	shalt  }
0x43: {  	_ =	shalt  }
0x44: {  	_ =	shalt  }
0x45: {  	_ =	shalt  }
0x46: {  	_ =	shalt  }
0x47: {  	_ =	shalt  }
0x48: {  	_ =	shalt  }
0x49: {  	_ =	shalt  }
0x4a: {  	_ =	shalt  }
0x4b: {  	_ =	shalt  }
0x4c: {  	_ =	shalt  }
0x4d: {  	_ =	shalt  }
0x4e: {  	_ =	shalt  }
0x4f: {  	_ =	shalt  }
0x50: {  	_ =	shalt  }
0x51: {  	_ =	shalt  }
0x52: {  	_ =	shalt  }
0x53: {  	_ =	shalt  }
0x54: {  	_ =	shalt  }
0x55: {  	_ =	shalt  }
0x56: {  	_ =	shalt  }
0x57: {  	_ =	shalt  }
0x58: {  	_ =	shalt  }
0x59: {  	_ =	shalt  }
0x5a: {  	_ =	shalt  }
0x5b: {  	_ =	shalt  }
0x5c: {  	_ =	shalt  }
0x5d: {  	_ =	shalt  }
0x5e: {  	_ =	shalt  }
0x5f: {  	_ =	shalt  }
0x60: {  	_ =	shalt  }
0x61: {  	_ =	shalt  }
0x62: {  	_ =	shalt  }
0x63: {  	_ =	shalt  }
0x64: {  	_ =	shalt  }
0x65: {  	_ =	shalt  }
0x66: {  	_ =	shalt  }
0x67: {  	_ =	shalt  }
0x68: {  	_ =	shalt  }
0x69: {  	_ =	shalt  }
0x6a: {  	_ =	shalt  }
0x6b: {  	_ =	shalt  }
0x6c: {  	_ =	shalt  }
0x6d: {  	_ =	shalt  }
0x6e: {  	_ =	shalt  }
0x6f: {  	_ =	shalt  }
0x70: {  	_ =	shalt  }
0x71: {  	_ =	shalt  }
0x72: {  	_ =	shalt  }
0x73: {  	_ =	shalt  }
0x74: {  	_ =	shalt  }
0x75: {  	_ =	shalt  }
0x76: {  	_ =	shalt  }
0x77: {  	_ =	shalt  }
0x78: {  	_ =	shalt  }
0x79: {  	_ =	shalt  }
0x7a: {  	_ =	shalt  }
0x7b: {  	_ =	shalt  }
0x7c: {  	_ =	shalt  }
0x7d: {  	_ =	shalt  }
0x7e: {  	_ =	shalt  }
0x7f: {  	_ =	shalt  }
0x80: {  	_ =	shalt  }
0x81: {  	_ =	shalt  }
0x82: {  	_ =	shalt  }
0x83: {  	_ =	shalt  }
0x84: {  	_ =	shalt  }
0x85: {  	_ =	shalt  }
0x86: {  	_ =	shalt  }
0x87: {  	_ =	shalt  }
.Lfunc_end0:
.L_simem_size_0:
called_computation_lowered:
.L_overlay_start_0:
0x88: {  	s2 =	sld [smem:$0x3FD9]  }
0x89: {  	s3 =	sld [smem:$0x3FFE];
	_ =	sdelay $0x1  }
0x8a: {  	s1 =	srdreg.scid  }
0x8b: {  	s0 =	sand.u32 $0x1, s1  }
0x8c: {  	s17 =	sshll.u32 s0, $0xA;
	s2 =	sadd.s32 s3, s2  }
0x8d: {  	s2 =	sadd.s32 s2, s17  }
0x8e: {  	[smem:$0x3FC4] =	sst s2  }
0x8f: {  	_ = 	snop  }
0x90: {  	s2 =	sld [smem:$0x3FC8];
	(tm) =	ssettm $0x1  }
0x91: {  	s18 =	sld [smem:$0x3FFB];
	_ =	sdelay $0x3  }
0x92: {  	_ =	strace s18  }
0x93: {  	s3 =	sld [smem:$0x3FFC];
	_ =	sdelay $0x3  }
0x94: {  	_ =	strace s3  }
0x95: {  	s3 =	sld [smem:$0x3FFD];
	_ =	sdelay $0x3  }
0x96: {  	_ =	strace s3  }
0x97: {  	_ =	strace $0x8FFFFFFF  }
0x98: {  	s19 =	sld [smem:$0x3FDB];
	_ =	sdelay $0x1  }
0x99: {  	s4 =	simm.s32 $_scs_section_size  }
0x9a: {  	s5 =	simm.s32 $_size__tile_overlayer_lowered;
	s6 =	simm.s32 $_tile_overlayer_lowered  }
0x9b: {  	s22 =	simm.s32 $0x1BFF;
	s21 =	sshll.u32 s6, $0x1;
	s3 =	sadd.s32 s4, s19  }
0x9c: {  	s7 =	simm.s32 $0x0;
	s20 =	sshll.u32 s5, $0x1;
	s5 =	sadd.s32 s21, s3  }
0x9d: {  	[timem:s7], [sflag:s22] =	dma.local [hbm:s5], s20  }
0x9e: {  	_ =	swait.ge [sflag:s22], s20  }
0x9f: {  	s4 =	ssub.s32 $0x0, s20;
	[sflag:s22] =	ssyncset.done $0x0  }
0xa0: {  	[sflag:s22] =	ssyncadd.s32 s4;
	_ =	sdelay $0x1  }
0xa1: {  	s23 =	simm.s32 $0x1B8B  }
0xa2: {  	_ =	swait.ge [sflag:s23], $0x1  }
0xa3: {  	[sflag:s23] =	ssyncset.done $0x0  }
0xa4: {  	s25 =	simm.s32 $0x1B8E;
	s24 =	sld [smem:$0x3FFE];
	[sflag:s23] =	ssyncadd.s32 $0xFFFFFFFF  }
0xa5: {  	s26 =	simm.s32 $execute0_lowered;
	[smem:$0x3FD2] =	sst s25  }
0xa6: {  	s5 =	sshll.u32 s26, $0x1;
	_ =	strace $0x80000046;
	[dreg:$0x1] =	wrdreg $0xFFFFFFFF  }
0xa7: {  	s28 =	simm.s32 $_size_execute0_lowered;
	s3 =	sadd.s32 s3, s5;
	[dreg:$0x0] =	wrdreg $0x0  }
0xa8: {  	s5 =	sshll.u32 s28, $0x1;
	[dreg:$0x2] =	wrdreg s3  }
0xa9: {  	[dreg:$0x3] =	wrdreg s5  }
0xaa: {  	[dreg:$0x4] =	wrdreg $0xC0  }
0xab: {  	_ =	task [dreg:s7], $0x5FFFF  }
0xac: {  	[dreg:$0x1] =	wrdreg $0xFFFFFFFF  }
0xad: {  	[dreg:$0x0] =	wrdreg $0x60  }
0xae: {  	[dreg:$0x2] =	wrdreg s24  }
0xaf: {  	[dreg:$0x3] =	wrdreg s2  }
0xb0: {  	[dreg:$0x4] =	wrdreg $0x9  }
0xb1: {  	_ =	task.clear_ibuf [dreg:s7], $0x5FFFF;
	_ =	strace $0x90000046  }
0xb2: {  	s29 =	simm.s32 $0x9;
	_ =	strace $0x80000048  }
0xb3: {  	_ =	swait.ge [sflag:s29], $0x1  }
0xb4: {  	[sflag:s29] =	ssyncadd.s32 $0xFFFFFFFF  }
0xb5: {  	_ =	strace $0x90000048  }
0xb6: {  	_ =	sfence  }
0xb7: {  	s30 =	sld [smem:$0x0];
	_ =	sdelay $0x2  }
0xb8: {  	s31 =	sshll.u32 s1, $0xD;
	s1 =	sshrl.u32 s1, $0x2  }
0xb9: {  	s3 =	sand.u32 $0x4000, s31;
	s1 =	sadd.s32 s1, s30  }
0xba: {  	s0 =	sor.u32 s3, s0;
	s1 =	sshll.u32 s1, $0x11  }
0xbb: {  	s0 =	sor.u32 s1, s0  }
0xbc: {  	s0 =	sadd.s32 $0x8F2B, s0  }
0xbd: {  	[sflag:s0] =	ssyncadd.remote.s32 $0x1  }
0xbe: {  	_ =	sfence.sel $0xFFFF  }
0xbf: {  	[dreg:$0x0] =	wrdreg $0xFFFFFFFF;
	(pc) =	sbr.abs _section_cstart, $3  }
0xc0: {  	[dreg:$0x1] =	wrdreg $0xFFFFFFFF  }
0xc1: {  	_ =	task.clear_ibuf [dreg:s7], $0x2FFFF;
	_ =	strace $0x9FFFFFFF  }
0xc2: {  	(tm) =	ssettm $0x7FFFFFFF  }
0xc3: {  	_ =	shalt  }
tec
execute0_lowered:
.L_overlay_start_1:
0x0: {  	(tag) =	ssettag $0x1  }
0x1: {  	s0 =	rddreg [dreg:$0x0]  }
0x2: {  	s2 =	rddreg [dreg:$0x1]  }
0x3: {  	s1 =	srdreg.scid;
	s4 =	stileid.u32;
	s3 =	simm.s32 $0x0  }
0x4: {  	s8 =	simm.s32 $0x6;
	s10 =	simm.s32 $0x64;
	s11 =	simm.s32 $0x2000  }
0x5: {  	s13 =	simm.s32 $0x5200;
	s18 =	simm.s32 $0x200;
	s19 =	simm.s32 $0xE800  }
0x6: {  	s20 =	simm.s32 $0x280;
	s21 =	simm.s32 $0x11A00;
	s22 =	simm.s32 $0x300  }
0x7: {  	s23 =	simm.s32 $0x14C00;
	s24 =	simm.s32 $0x380;
	s25 =	simm.s32 $0x17E00  }
0x8: {  	s26 =	simm.s32 $0x1;
	s28 =	simm.s32 $0x2;
	s29 =	simm.s32 $0x3  }
0x9: {  	s30 =	simm.s32 $0x4;
	s31 =	simm.s32 $0x1B000;
	s1 =	sand.u32 $0x1, s1  }
0xa: {  	s4 =	sshll.u32 s4, $0x6;
	[smem:$0x7FF] =	sst s3;
	s5 =	sshll.u32 s1, $0x5  }
.Ltmp0:
0xb: {  	s1 =	ssub.s32 $0x2, s1;
	s4 =	sor.u32 s5, s4;
	(pc) =	sbr.rel .LBB2_1-.Ltmp0, $4  }
0xc: {  	_ =	strace $0x80000047;
	s6 =	sshrl.u32 s1, $0x1;
	s5 =	sshll.u32 s4, $0x6  }
0xd: {  	s4 =	sshll.u32 s4, $0x4;
	s1 =	ssub.s32 s1, s6;
	s5 =	sadd.s32 s5, s0  }
0xe: {  	s0 =	sadd.s32 s4, s0;
	s7 =	smax.u32 s1, $0x1;
	s4 =	sadd.s32 $0xA00, s5  }
0xf: {  	s5 =	sadd.s32 $0xC00, s5;
	s6 =	sadd.s32 $0x10A00, s0;
	s0 =	simm.s32 $0x0  }
.LBB2_16:
0x10: {  	s0 =	sadd.s32 $0x1, s0  }
0x11: {  	p0 =	sne.s32 s0, s7  }
.Ltmp1:
0x12: {  	_ = 	snop;
	(pc) =	sbr.rel @!p0 .LBB2_17-.Ltmp1, $4  }
0x13: {  	[hbm4b:s6+s3] =	stream.linear.scatter [tilespmem:s31], [sflag:$0x6], $0x1000, $0x38;
	[tilespmem:$0x1C000] =	vst v63  }
0x14: {  	_ =	swait.ge [sflag:s8], $0x1000  }
0x15: {  	[sflag:s8] =	ssyncset.done $0x0  }
0x16: {  	[sflag:s8] =	ssyncadd.s32 $0xFFFFF000  }
.LBB2_1:
0x17: {  	[tilespmem:s3], [sflag:$0x6] =	stream.linear.gather [hbm4b:s4+s3], $0x1000, $0x38;
	[tilespmem:$0x1C000] =	vst v63  }
0x18: {  	_ =	swait.ge [sflag:s8], $0x1000  }
0x19: {  	[sflag:s8] =	ssyncset.done $0x0  }
0x1a: {  	s1 =	simm.s32 $0x1000;
	[sflag:s8] =	ssyncadd.s32 $0xFFFFF000  }
0x1b: {  	[tilespmem:s1], [sflag:$0x5] =	stream.linear.gather [hbm4b:s5+s3], $0x1000, $0x38;
	[tilespmem:$0x1C000] =	vst v63  }
0x1c: {  	_ = 	snop  }
0x1d: {  	[tilespmem:s11], [sflag:$0x1] =	stream.indirect.gather [hbm4b:s2+s10], $0x80, s3, s10, $0xb8;
	[tilespmem:$0x1C000] =	vst v63  }
0x1e: {  	s14 =	simm.s32 $0x80  }
0x1f: {  	[tilespmem:s13], [sflag:$0x1] =	stream.indirect.gather [hbm4b:s2+s10], $0x80, s14, s10, $0xb8;
	[tilespmem:$0x1C000] =	vst v63  }
0x20: {  	s15 =	simm.s32 $0x100;
	s9 =	simm.s32 $0x8400  }
0x21: {  	[tilespmem:s9], [sflag:$0x2] =	stream.indirect.gather [hbm4b:s2+s10], $0x80, s15, s10, $0xb8;
	[tilespmem:$0x1C000] =	vst v63  }
0x22: {  	s16 =	simm.s32 $0x180;
	s17 =	simm.s32 $0xB600  }
0x23: {  	[tilespmem:s17], [sflag:$0x2] =	stream.indirect.gather [hbm4b:s2+s10], $0x80, s16, s10, $0xb8;
	[tilespmem:$0x1C000] =	vst v63  }
0x24: {  	_ = 	snop  }
0x25: {  	[tilespmem:s19], [sflag:$0x3] =	stream.indirect.gather [hbm4b:s2+s10], $0x80, s18, s10, $0xb8;
	[tilespmem:$0x1C000] =	vst v63  }
0x26: {  	_ = 	snop  }
0x27: {  	[tilespmem:s21], [sflag:$0x3] =	stream.indirect.gather [hbm4b:s2+s10], $0x80, s20, s10, $0xb8;
	[tilespmem:$0x1C000] =	vst v63  }
0x28: {  	_ = 	snop  }
0x29: {  	[tilespmem:s23], [sflag:$0x4] =	stream.indirect.gather [hbm4b:s2+s10], $0x80, s22, s10, $0xb8;
	[tilespmem:$0x1C000] =	vst v63  }
0x2a: {  	s1 =	simm.s32 $0x0  }
0x2b: {  	[tilespmem:s25], [sflag:$0x4] =	stream.indirect.gather [hbm4b:s2+s10], $0x80, s24, s10, $0xb8;
	[tilespmem:$0x1C000] =	vst v63  }
.LBB2_2:
0x2c: {  	_ =	swait.ge [sflag:s26], $0x6400  }
0x2d: {  	[sflag:s26] =	ssyncset.done $0x0  }
0x2e: {  	s12 =	simm.s32 $0x2200;
	[sflag:s26] =	ssyncadd.s32 $0xFFFF9C00  }
0x2f: {  	v2 =	vld [tilespmem:s12+$0x180]  }
0x30: {  	v3 =	vld [tilespmem:s12+$0x190]  }
0x31: {  	v4 =	vld [tilespmem:s12+$0x1A0]  }
0x32: {  	v5 =	vld [tilespmem:s12+$0x1B0]  }
0x33: {  	v6 =	vld [tilespmem:s12+$0x1C0]  }
0x34: {  	v0 =	vld [tilespmem:s12+$0x1D0]  }
0x35: {  	v1 =	vld [tilespmem:s12+$0x1E0]  }
0x36: {  	v15 =	vld [tilespmem:s12+$0x100]  }
0x37: {  	v16 =	vld [tilespmem:s12+$0x110]  }
0x38: {  	v17 =	vld [tilespmem:s12+$0x120]  }
0x39: {  	v18 =	vld [tilespmem:s12+$0x130]  }
0x3a: {  	v19 =	vld [tilespmem:s12+$0x140]  }
0x3b: {  	v7 =	vld [tilespmem:s12+$0x150]  }
0x3c: {  	v8 =	vld [tilespmem:s12+$0x160]  }
0x3d: {  	v20 =	vld [tilespmem:s12+$0x80]  }
0x3e: {  	v21 =	vld [tilespmem:s12+$0x90]  }
0x3f: {  	v22 =	vld [tilespmem:s12+$0xA0]  }
0x40: {  	v23 =	vld [tilespmem:s12+$0xB0]  }
0x41: {  	v24 =	vld [tilespmem:s12+$0xC0]  }
0x42: {  	v9 =	vld [tilespmem:s12+$0xD0]  }
0x43: {  	v10 =	vld [tilespmem:s12+$0xE0]  }
0x44: {  	v25 =	vld [tilespmem:s12+$0x0]  }
0x45: {  	v26 =	vld [tilespmem:s12+$0x10]  }
0x46: {  	v27 =	vld [tilespmem:s12+$0x20]  }
0x47: {  	v28 =	vld [tilespmem:s12+$0x30]  }
0x48: {  	v29 =	vld [tilespmem:s12+$0x40]  }
0x49: {  	v11 =	vld [tilespmem:s12+$0x50]  }
0x4a: {  	v12 =	vld [tilespmem:s12+$0x60]  }
0x4b: {  	v30 =	vld [tilespmem:s12+$0xFFFFFF80]  }
0x4c: {  	v31 =	vld [tilespmem:s12+$0xFFFFFF90]  }
0x4d: {  	v32 =	vld [tilespmem:s12+$0xFFFFFFA0]  }
0x4e: {  	v33 =	vld [tilespmem:s12+$0xFFFFFFB0]  }
0x4f: {  	v34 =	vld [tilespmem:s12+$0xFFFFFFC0]  }
0x50: {  	v13 =	vld [tilespmem:s12+$0xFFFFFFD0]  }
0x51: {  	v14 =	vld [tilespmem:s12+$0xFFFFFFE0]  }
0x52: {  	v35 =	vld [tilespmem:s12+$0xFFFFFF00]  }
0x53: {  	v36 =	vld [tilespmem:s12+$0xFFFFFF10]  }
0x54: {  	v37 =	vld [tilespmem:s12+$0xFFFFFF20]  }
0x55: {  	v38 =	vld [tilespmem:s12+$0xFFFFFE80]  }
0x56: {  	v39 =	vld [tilespmem:s12+$0xFFFFFE00]  }
0x57: {  	v40 =	vld [tilespmem:s12+$0xFFFFFE10]  }
0x58: {  	v41 =	vld [tilespmem:s12+$0xFFFFFE90]  }
0x59: {  	v42 =	vld [tilespmem:s12+$0xFFFFFF30]  }
0x5a: {  	v43 =	vld [tilespmem:s12+$0xFFFFFF40]  }
0x5b: {  	v44 =	vimm.f32 $-Inf;
	v45 =	vld [tilespmem:s12+$0xFFFFFEA0]  }
0x5c: {  	v46 =	vld [tilespmem:s12+$0xFFFFFEB0];
	v39 =	vmax.f32 v44, v39  }
0x5d: {  	v47 =	vld [tilespmem:s12+$0xFFFFFE20];
	v40 =	vmax.f32 v44, v40;
	v38 =	vmax.f32 v39, v38  }
0x5e: {  	v56 =	vld [tilespmem:s12+$0xFFFFFE40];
	v54 =	vmax.f32 v40, v41;
	v35 =	vmax.f32 v38, v35  }
0x5f: {  	v55 =	vld [tilespmem:s12+$0xFFFFFE30];
	v36 =	vmax.f32 v54, v36;
	v30 =	vmax.f32 v35, v30  }
0x60: {  	v57 =	vld [tilespmem:s12+$0xFFFFFEC0];
	v31 =	vmax.f32 v36, v31;
	v25 =	vmax.f32 v30, v25  }
0x61: {  	v58 =	vld [tilespmem:s12+$0xFFFFFF50];
	v26 =	vmax.f32 v31, v26;
	v20 =	vmax.f32 v25, v20  }
0x62: {  	v59 =	vld [tilespmem:s12+$0xFFFFFEE0];
	v21 =	vmax.f32 v26, v21;
	v15 =	vmax.f32 v20, v15  }
0x63: {  	v60 =	vld [tilespmem:s12+$0xFFFFFE50];
	v16 =	vmax.f32 v21, v16;
	v21 =	vmax.f32 v44, v56;
	v2 =	vmax.f32 v15, v2  }
0x64: {  	v61 =	vld [tilespmem:s12+$0xFFFFFE60];
	v3 =	vmax.f32 v16, v3;
	v15 =	vmax.f32 v44, v47;
	v16 =	vmax.f32 v44, v55  }
0x65: {  	v62 =	vld [tilespmem:s12+$0xFFFFFE70];
	v21 =	vmax.f32 v21, v57;
	v15 =	vmax.f32 v15, v45;
	v16 =	vmax.f32 v16, v46  }
0x66: {  	v63 =	vld [tilespmem:s12+$0xFFFFFEF0];
	v21 =	vmax.f32 v21, v43;
	v15 =	vmax.f32 v15, v37;
	v16 =	vmax.f32 v16, v42  }
0x67: {  	v26 =	vld [tilespmem:s12+$0xFFFFFF60];
	v21 =	vmax.f32 v21, v34;
	v15 =	vmax.f32 v15, v32;
	v16 =	vmax.f32 v16, v33  }
0x68: {  	v20 =	vld [tilespmem:s12+$0xFFFFFED0];
	v21 =	vmax.f32 v21, v29;
	v15 =	vmax.f32 v15, v27;
	v16 =	vmax.f32 v16, v28  }
0x69: {  	v27 =	vld [tilespmem:s12+$0xFFFFFF70];
	v21 =	vmax.f32 v21, v24;
	v15 =	vmax.f32 v15, v22;
	v16 =	vmax.f32 v16, v23  }
0x6a: {  	v25 =	vld [tilespmem:s12+$0xFFFFFFF0];
	v15 =	vmax.f32 v15, v17;
	v16 =	vmax.f32 v16, v18;
	v17 =	vmax.f32 v21, v19  }
0x6b: {  	v21 =	vld [tilespmem:s12+$0x70];
	v18 =	vmax.f32 v44, v62;
	v4 =	vmax.f32 v15, v4;
	v5 =	vmax.f32 v16, v5  }
0x6c: {  	v6 =	vmax.f32 v17, v6;
	v15 =	vmax.f32 v44, v60;
	v17 =	vmax.f32 v44, v61;
	v16 =	vld [tilespmem:s12+$0xF0]  }
0x6d: {  	v15 =	vmax.f32 v15, v20;
	v19 =	vmax.f32 v17, v59;
	v20 =	vmax.f32 v18, v63;
	v17 =	vld [tilespmem:s12+$0x170]  }
0x6e: {  	s9 =	simm.s32 $0x0;
	v15 =	vmax.f32 v15, v58;
	v18 =	vmax.f32 v19, v26;
	v20 =	vmax.f32 v20, v27;
	v19 =	vld [tilespmem:s12+$0x1F0];
	s12 =	simm.s32 $0x2600  }
.LBB2_3:
0x6f: {  	v24 =	vld [tilespmem:s12+$0x180];
	v13 =	vmax.f32 v15, v13;
	v14 =	vmax.f32 v18, v14;
	v15 =	vmax.f32 v20, v25  }
0x70: {  	v25 =	vld [tilespmem:s12+$0x190];
	v11 =	vmax.f32 v13, v11;
	v12 =	vmax.f32 v14, v12;
	v13 =	vmax.f32 v15, v21  }
0x71: {  	v15 =	vld [tilespmem:s12+$0x1A0];
	v9 =	vmax.f32 v11, v9;
	v10 =	vmax.f32 v12, v10;
	v11 =	vmax.f32 v13, v16  }
0x72: {  	v16 =	vld [tilespmem:s12+$0x1B0];
	v7 =	vmax.f32 v9, v7;
	v8 =	vmax.f32 v10, v8;
	v9 =	vmax.f32 v11, v17  }
0x73: {  	v20 =	vld [tilespmem:s12+$0x1C0];
	v17 =	vmax.f32 v7, v0;
	v18 =	vmax.f32 v8, v1;
	v19 =	vmax.f32 v9, v19  }
0x74: {  	v0 =	vld [tilespmem:s12+$0x1D0]  }
0x75: {  	v1 =	vld [tilespmem:s12+$0x1E0]  }
0x76: {  	v26 =	vld [tilespmem:s12+$0x100]  }
0x77: {  	v27 =	vld [tilespmem:s12+$0x110]  }
0x78: {  	v21 =	vld [tilespmem:s12+$0x120]  }
0x79: {  	v22 =	vld [tilespmem:s12+$0x130]  }
0x7a: {  	v23 =	vld [tilespmem:s12+$0x140]  }
0x7b: {  	v7 =	vld [tilespmem:s12+$0x150]  }
0x7c: {  	v8 =	vld [tilespmem:s12+$0x160]  }
0x7d: {  	v28 =	vld [tilespmem:s12+$0x80]  }
0x7e: {  	v29 =	vld [tilespmem:s12+$0x90]  }
0x7f: {  	v30 =	vld [tilespmem:s12+$0xA0]  }
0x80: {  	v31 =	vld [tilespmem:s12+$0xB0]  }
0x81: {  	v32 =	vld [tilespmem:s12+$0xC0]  }
0x82: {  	v9 =	vld [tilespmem:s12+$0xD0]  }
0x83: {  	v10 =	vld [tilespmem:s12+$0xE0]  }
0x84: {  	v33 =	vld [tilespmem:s12+$0x0]  }
0x85: {  	v34 =	vld [tilespmem:s12+$0x10]  }
0x86: {  	v35 =	vld [tilespmem:s12+$0x20]  }
0x87: {  	v36 =	vld [tilespmem:s12+$0x30]  }
0x88: {  	v37 =	vld [tilespmem:s12+$0x40]  }
0x89: {  	v11 =	vld [tilespmem:s12+$0x50]  }
0x8a: {  	v12 =	vld [tilespmem:s12+$0x60]  }
0x8b: {  	v38 =	vld [tilespmem:s12+$0xFFFFFF80]  }
0x8c: {  	v39 =	vld [tilespmem:s12+$0xFFFFFF90]  }
0x8d: {  	v40 =	vld [tilespmem:s12+$0xFFFFFFA0]  }
0x8e: {  	v41 =	vld [tilespmem:s12+$0xFFFFFFB0]  }
0x8f: {  	v42 =	vld [tilespmem:s12+$0xFFFFFFC0]  }
0x90: {  	v13 =	vld [tilespmem:s12+$0xFFFFFFD0]  }
0x91: {  	v14 =	vld [tilespmem:s12+$0xFFFFFFE0]  }
0x92: {  	v43 =	vld [tilespmem:s12+$0xFFFFFF00]  }
0x93: {  	v44 =	vld [tilespmem:s12+$0xFFFFFF10]  }
0x94: {  	v45 =	vld [tilespmem:s12+$0xFFFFFF20]  }
0x95: {  	v46 =	vld [tilespmem:s12+$0xFFFFFE80]  }
0x96: {  	v47 =	vld [tilespmem:s12+$0xFFFFFE00]  }
0x97: {  	v48 =	vld [tilespmem:s12+$0xFFFFFE10]  }
0x98: {  	v49 =	vld [tilespmem:s12+$0xFFFFFE90]  }
0x99: {  	v50 =	vld [tilespmem:s12+$0xFFFFFF30]  }
0x9a: {  	v51 =	vld [tilespmem:s12+$0xFFFFFF40]  }
0x9b: {  	v52 =	vld [tilespmem:s12+$0xFFFFFEA0]  }
0x9c: {  	v2 =	vmax.f32 v2, v47;
	v3 =	vmax.f32 v3, v48;
	v47 =	vld [tilespmem:s12+$0xFFFFFEB0]  }
0x9d: {  	v2 =	vmax.f32 v2, v46;
	v48 =	vld [tilespmem:s12+$0xFFFFFE20];
	v3 =	vmax.f32 v3, v49  }
0x9e: {  	v2 =	vmax.f32 v2, v43;
	v46 =	vld [tilespmem:s12+$0xFFFFFE30];
	v3 =	vmax.f32 v3, v44  }
0x9f: {  	v2 =	vmax.f32 v2, v38;
	v43 =	vld [tilespmem:s12+$0xFFFFFE40];
	v3 =	vmax.f32 v3, v39  }
0xa0: {  	v2 =	vmax.f32 v2, v33;
	v38 =	vld [tilespmem:s12+$0xFFFFFEC0];
	v3 =	vmax.f32 v3, v34  }
0xa1: {  	v2 =	vmax.f32 v2, v28;
	v33 =	vld [tilespmem:s12+$0xFFFFFF50];
	v3 =	vmax.f32 v3, v29  }
0xa2: {  	v2 =	vmax.f32 v2, v26;
	v28 =	vld [tilespmem:s12+$0xFFFFFF60];
	v3 =	vmax.f32 v3, v27  }
0xa3: {  	v2 =	vmax.f32 v2, v24;
	v26 =	vld [tilespmem:s12+$0xFFFFFED0];
	v3 =	vmax.f32 v3, v25  }
0xa4: {  	v4 =	vmax.f32 v4, v48;
	v5 =	vmax.f32 v5, v46;
	v6 =	vmax.f32 v6, v43;
	v24 =	vld [tilespmem:s12+$0xFFFFFEE0]  }
0xa5: {  	v4 =	vmax.f32 v4, v52;
	v5 =	vmax.f32 v5, v47;
	v27 =	vld [tilespmem:s12+$0xFFFFFE50];
	v6 =	vmax.f32 v6, v38  }
0xa6: {  	v4 =	vmax.f32 v4, v45;
	v5 =	vmax.f32 v5, v50;
	v29 =	vld [tilespmem:s12+$0xFFFFFE60];
	v6 =	vmax.f32 v6, v51  }
0xa7: {  	s9 =	sadd.s32 $0x8, s9;
	v4 =	vmax.f32 v4, v40;
	v5 =	vmax.f32 v5, v41;
	v34 =	vld [tilespmem:s12+$0xFFFFFE70];
	v6 =	vmax.f32 v6, v42  }
0xa8: {  	p0 =	slt.u32 s9, $0xC0;
	v4 =	vmax.f32 v4, v35;
	v5 =	vmax.f32 v5, v36;
	v38 =	vld [tilespmem:s12+$0xFFFFFEF0];
	v6 =	vmax.f32 v6, v37  }
0xa9: {  	v4 =	vmax.f32 v4, v30;
	v5 =	vmax.f32 v5, v31;
	v35 =	vld [tilespmem:s12+$0xFFFFFF70];
	v6 =	vmax.f32 v6, v32  }
.Ltmp2:
0xaa: {  	v4 =	vmax.f32 v4, v21;
	v5 =	vmax.f32 v5, v22;
	v25 =	vld [tilespmem:s12+$0xFFFFFFF0];
	v6 =	vmax.f32 v6, v23;
	(pc) =	sbr.rel @p0 .LBB2_3-.Ltmp2, $4  }
0xab: {  	v4 =	vmax.f32 v4, v15;
	v5 =	vmax.f32 v5, v16;
	v21 =	vld [tilespmem:s12+$0x70];
	v6 =	vmax.f32 v6, v20  }
0xac: {  	v15 =	vmax.f32 v17, v27;
	v17 =	vmax.f32 v18, v29;
	v18 =	vmax.f32 v19, v34;
	v16 =	vld [tilespmem:s12+$0xF0]  }
0xad: {  	v15 =	vmax.f32 v15, v26;
	v19 =	vmax.f32 v17, v24;
	v20 =	vmax.f32 v18, v38;
	v17 =	vld [tilespmem:s12+$0x170]  }
0xae: {  	v15 =	vmax.f32 v15, v33;
	v18 =	vmax.f32 v19, v28;
	v20 =	vmax.f32 v20, v35;
	v19 =	vld [tilespmem:s12+$0x1F0];
	s12 =	sadd.s32 $0x400, s12  }
0xaf: {  	s9 =	sshll.u32 s1, $0x2  }
0xb0: {  	s14 =	sadd.s32 $0x4, s9  }
0xb1: {  	p0 =	seq.s32 s1, $0xF;
	s12 =	sand.u32 $0xC, s14  }
0xb2: {  	p1 =	sne.s32 @!p0 s12, $0x0  }
0xb3: {  	p1 =	por p0, p1  }
0xb4: {  	p2 =	sgt.u32 @!p1 s1, $0xA  }
0xb5: {  	p2 =	por p1, p2  }
.Ltmp3:
0xb6: {  	v13 =	vmax.f32 v15, v13;
	v14 =	vmax.f32 v18, v14;
	v15 =	vmax.f32 v20, v25;
	(pc) =	sbr.rel @p2 .LBB2_6-.Ltmp3, $4  }
0xb7: {  	v11 =	vmax.f32 v13, v11;
	v12 =	vmax.f32 v14, v12;
	v13 =	vmax.f32 v15, v21;
	s12 =	simm.s32 @!p1 $0x5  }
0xb8: {  	v9 =	vmax.f32 v11, v9;
	v10 =	vmax.f32 v12, v10;
	v62 =	vmax.f32 v13, v16;
	_ =	swait.ge @!p1 [sflag:s12], $0x1000  }
0xb9: {  	v7 =	vmax.f32 v9, v7;
	v8 =	vmax.f32 v10, v8;
	v63 =	vmax.f32 v62, v17;
	[sflag:s12] =	ssyncset.done @!p1 $0x0  }
0xba: {  	v15 =	vmax.f32 v7, v0;
	v16 =	vmax.f32 v8, v1;
	v17 =	vmax.f32 v63, v19;
	[sflag:s12] =	ssyncadd.s32 @!p1 $0xFFFFF000  }
.Ltmp4:
0xbb: {  	s12 =	sshrl.u32 s14, $0x4;
	(pc) =	sbr.rel .LBB2_7-.Ltmp4, $4  }
0xbc: {  	s12 =	sadd.s32 $0x1, s12  }
0xbd: {  	s15 =	sshll.u32 s12, $0x9;
	s12 =	sshll.u32 s12, $0xC  }
0xbe: {  	s12 =	sand.u32 $0x1000, s12;
	s15 =	sadd.s32 s15, s4  }
0xbf: {  	[tilespmem:s12], [sflag:$0x5] =	stream.linear.gather [hbm4b:s15+s3], $0x1000, $0x38;
	[tilespmem:$0x1C000] =	vst v63  }
.LBB2_6:
.Ltmp5:
0xc0: {  	(pc) =	sbr.rel @p0 .LBB2_8-.Ltmp5, $1  }
0xc1: {  	_ =	sdelay $0x3  }
.LBB2_7:
0xc2: {  	s12 =	sshll.u32 s14, $0x8  }
0xc3: {  	s12 =	sand.u32 $0x7FFF9C00, s12  }
0xc4: {  	[tilespmem:s11], [sflag:$0x1] =	stream.indirect.gather [hbm4b:s2+s10], $0x80, s12, s10, $0xb8;
	[tilespmem:$0x1C000] =	vst v63  }
0xc5: {  	s12 =	sor.u32 $0x80, s12  }
0xc6: {  	[tilespmem:s13], [sflag:$0x1] =	stream.indirect.gather [hbm4b:s2+s10], $0x80, s12, s10, $0xb8;
	[tilespmem:$0x1C000] =	vst v63  }
.LBB2_8:
0xc7: {  	_ =	swait.ge [sflag:s28], $0x6400  }
0xc8: {  	[sflag:s28] =	ssyncset.done $0x0  }
0xc9: {  	s15 =	simm.s32 $0x8400;
	[sflag:s28] =	ssyncadd.s32 $0xFFFF9C00  }
0xca: {  	v18 =	vld [tilespmem:s15+$0x380]  }
0xcb: {  	v19 =	vld [tilespmem:s15+$0x390]  }
0xcc: {  	v20 =	vld [tilespmem:s15+$0x3A0]  }
0xcd: {  	v22 =	vld [tilespmem:s15+$0x3B0]  }
0xce: {  	v23 =	vld [tilespmem:s15+$0x3C0]  }
0xcf: {  	v1 =	vld [tilespmem:s15+$0x3D0]  }
0xd0: {  	v0 =	vld [tilespmem:s15+$0x3E0]  }
0xd1: {  	v21 =	vld [tilespmem:s15+$0x300]  }
0xd2: {  	v24 =	vld [tilespmem:s15+$0x310]  }
0xd3: {  	v26 =	vld [tilespmem:s15+$0x320]  }
0xd4: {  	v27 =	vld [tilespmem:s15+$0x330]  }
0xd5: {  	v28 =	vld [tilespmem:s15+$0x340]  }
0xd6: {  	v8 =	vld [tilespmem:s15+$0x350]  }
0xd7: {  	v7 =	vld [tilespmem:s15+$0x360]  }
0xd8: {  	v25 =	vld [tilespmem:s15+$0x280]  }
0xd9: {  	v29 =	vld [tilespmem:s15+$0x290]  }
0xda: {  	v30 =	vld [tilespmem:s15+$0x2A0]  }
0xdb: {  	v31 =	vld [tilespmem:s15+$0x2B0]  }
0xdc: {  	v32 =	vld [tilespmem:s15+$0x2C0]  }
0xdd: {  	v10 =	vld [tilespmem:s15+$0x2D0]  }
0xde: {  	v9 =	vld [tilespmem:s15+$0x2E0]  }
0xdf: {  	v33 =	vld [tilespmem:s15+$0x200]  }
0xe0: {  	v34 =	vld [tilespmem:s15+$0x210]  }
0xe1: {  	v35 =	vld [tilespmem:s15+$0x220]  }
0xe2: {  	v36 =	vld [tilespmem:s15+$0x230]  }
0xe3: {  	v37 =	vld [tilespmem:s15+$0x240]  }
0xe4: {  	v12 =	vld [tilespmem:s15+$0x250]  }
0xe5: {  	v11 =	vld [tilespmem:s15+$0x260]  }
0xe6: {  	v38 =	vld [tilespmem:s15+$0x180]  }
0xe7: {  	v39 =	vld [tilespmem:s15+$0x190]  }
0xe8: {  	v40 =	vld [tilespmem:s15+$0x1A0]  }
0xe9: {  	v41 =	vld [tilespmem:s15+$0x1B0]  }
0xea: {  	v42 =	vld [tilespmem:s15+$0x1C0]  }
0xeb: {  	v13 =	vld [tilespmem:s15+$0x1D0]  }
0xec: {  	v43 =	vld [tilespmem:s15+$0x100]  }
0xed: {  	v44 =	vld [tilespmem:s15+$0x110]  }
0xee: {  	v46 =	vld [tilespmem:s15+$0x80]  }
0xef: {  	v47 =	vld [tilespmem:s15+$0x0]  }
0xf0: {  	v48 =	vld [tilespmem:s15+$0x10]  }
0xf1: {  	v49 =	vld [tilespmem:s15+$0x90]  }
0xf2: {  	v52 =	vld [tilespmem:s15+$0xA0]  }
0xf3: {  	v54 =	vld [tilespmem:s15+$0x20]  }
0xf4: {  	v55 =	vld [tilespmem:s15+$0x30]  }
0xf5: {  	v56 =	vld [tilespmem:s15+$0x40]  }
0xf6: {  	v61 =	vld [tilespmem:s15+$0x70]  }
0xf7: {  	v53 =	vld [tilespmem:s15+$0xB0]  }
0xf8: {  	v57 =	vld [tilespmem:s15+$0xC0]  }
0xf9: {  	v45 =	vld [tilespmem:s15+$0x120];
	v2 =	vmax.f32 v2, v47  }
0xfa: {  	v50 =	vld [tilespmem:s15+$0x130];
	v3 =	vmax.f32 v3, v48;
	v4 =	vmax.f32 v4, v54;
	v5 =	vmax.f32 v5, v55  }
0xfb: {  	v51 =	vld [tilespmem:s15+$0x140];
	v6 =	vmax.f32 v6, v56;
	v17 =	vmax.f32 v17, v61;
	v2 =	vmax.f32 v2, v46  }
0xfc: {  	v14 =	vld [tilespmem:s15+$0x1E0];
	v3 =	vmax.f32 v3, v49;
	v4 =	vmax.f32 v4, v52;
	v5 =	vmax.f32 v5, v53  }
0xfd: {  	v58 =	vld [tilespmem:s15+$0x150];
	v6 =	vmax.f32 v6, v57;
	v2 =	vmax.f32 v2, v43;
	v3 =	vmax.f32 v3, v44  }
0xfe: {  	v59 =	vld [tilespmem:s15+$0x160];
	v4 =	vmax.f32 v4, v45;
	v2 =	vmax.f32 v2, v38;
	v3 =	vmax.f32 v3, v39  }
0xff: {  	v60 =	vld [tilespmem:s15+$0x60];
	v5 =	vmax.f32 v5, v50;
	v2 =	vmax.f32 v2, v33;
	v3 =	vmax.f32 v3, v34  }
0x100: {  	v62 =	vld [tilespmem:s15+$0xF0];
	v6 =	vmax.f32 v6, v51;
	v2 =	vmax.f32 v2, v25;
	v3 =	vmax.f32 v3, v29  }
0x101: {  	v4 =	vmax.f32 v4, v40;
	v2 =	vmax.f32 v2, v21;
	v21 =	vmax.f32 v3, v24;
	v24 =	vld [tilespmem:s15+$0xD0]  }
0x102: {  	v5 =	vmax.f32 v5, v41;
	v3 =	vmax.f32 v2, v18;
	v2 =	vmax.f32 v21, v19;
	v19 =	vld [tilespmem:s15+$0x50]  }
0x103: {  	v6 =	vmax.f32 v6, v42;
	v4 =	vmax.f32 v4, v35;
	v5 =	vmax.f32 v5, v36;
	v18 =	vld [tilespmem:s15+$0xE0]  }
0x104: {  	v63 =	vld [tilespmem:s15+$0x170];
	v6 =	vmax.f32 v6, v37;
	v4 =	vmax.f32 v4, v30;
	v5 =	vmax.f32 v5, v31  }
0x105: {  	v6 =	vmax.f32 v6, v32;
	v25 =	vld [tilespmem:s15+$0x1F0];
	v4 =	vmax.f32 v4, v26;
	v5 =	vmax.f32 v5, v27  }
0x106: {  	v26 =	vmax.f32 v6, v28;
	v21 =	vld [tilespmem:s15+$0x270];
	v6 =	vmax.f32 v4, v20;
	v5 =	vmax.f32 v5, v22  }
0x107: {  	v4 =	vmax.f32 v26, v23;
	v15 =	vmax.f32 v15, v19;
	v19 =	vmax.f32 v16, v60;
	v16 =	vld [tilespmem:s15+$0x2F0]  }
0x108: {  	v15 =	vmax.f32 v15, v24;
	v18 =	vmax.f32 v19, v18;
	v19 =	vmax.f32 v17, v62;
	v17 =	vld [tilespmem:s15+$0x370]  }
0x109: {  	s12 =	simm.s32 $0x0;
	v20 =	vmax.f32 v15, v58;
	v18 =	vmax.f32 v18, v59;
	v15 =	vmax.f32 v19, v63;
	v19 =	vld [tilespmem:s15+$0x3F0];
	s15 =	simm.s32 $0x8800  }
.LBB2_9:
0x10a: {  	v24 =	vld [tilespmem:s15+$0x380];
	v13 =	vmax.f32 v20, v13;
	v14 =	vmax.f32 v18, v14;
	v15 =	vmax.f32 v15, v25  }
0x10b: {  	v25 =	vld [tilespmem:s15+$0x390];
	v12 =	vmax.f32 v13, v12;
	v11 =	vmax.f32 v14, v11;
	v13 =	vmax.f32 v15, v21  }
0x10c: {  	v15 =	vld [tilespmem:s15+$0x3A0];
	v10 =	vmax.f32 v12, v10;
	v9 =	vmax.f32 v11, v9;
	v11 =	vmax.f32 v13, v16  }
0x10d: {  	v16 =	vld [tilespmem:s15+$0x3B0];
	v8 =	vmax.f32 v10, v8;
	v7 =	vmax.f32 v9, v7;
	v9 =	vmax.f32 v11, v17  }
0x10e: {  	v20 =	vld [tilespmem:s15+$0x3C0];
	v17 =	vmax.f32 v8, v1;
	v18 =	vmax.f32 v7, v0;
	v19 =	vmax.f32 v9, v19  }
0x10f: {  	v1 =	vld [tilespmem:s15+$0x3D0]  }
0x110: {  	v0 =	vld [tilespmem:s15+$0x3E0]  }
0x111: {  	v26 =	vld [tilespmem:s15+$0x300]  }
0x112: {  	v27 =	vld [tilespmem:s15+$0x310]  }
0x113: {  	v21 =	vld [tilespmem:s15+$0x320]  }
0x114: {  	v22 =	vld [tilespmem:s15+$0x330]  }
0x115: {  	v23 =	vld [tilespmem:s15+$0x340]  }
0x116: {  	v8 =	vld [tilespmem:s15+$0x350]  }
0x117: {  	v7 =	vld [tilespmem:s15+$0x360]  }
0x118: {  	v28 =	vld [tilespmem:s15+$0x280]  }
0x119: {  	v29 =	vld [tilespmem:s15+$0x290]  }
0x11a: {  	v30 =	vld [tilespmem:s15+$0x2A0]  }
0x11b: {  	v31 =	vld [tilespmem:s15+$0x2B0]  }
0x11c: {  	v32 =	vld [tilespmem:s15+$0x2C0]  }
0x11d: {  	v10 =	vld [tilespmem:s15+$0x2D0]  }
0x11e: {  	v9 =	vld [tilespmem:s15+$0x2E0]  }
0x11f: {  	v33 =	vld [tilespmem:s15+$0x200]  }
0x120: {  	v34 =	vld [tilespmem:s15+$0x210]  }
0x121: {  	v35 =	vld [tilespmem:s15+$0x220]  }
0x122: {  	v36 =	vld [tilespmem:s15+$0x230]  }
0x123: {  	v37 =	vld [tilespmem:s15+$0x240]  }
0x124: {  	v12 =	vld [tilespmem:s15+$0x250]  }
0x125: {  	v11 =	vld [tilespmem:s15+$0x260]  }
0x126: {  	v38 =	vld [tilespmem:s15+$0x180]  }
0x127: {  	v39 =	vld [tilespmem:s15+$0x190]  }
0x128: {  	v40 =	vld [tilespmem:s15+$0x1A0]  }
0x129: {  	v41 =	vld [tilespmem:s15+$0x1B0]  }
0x12a: {  	v42 =	vld [tilespmem:s15+$0x1C0]  }
0x12b: {  	v13 =	vld [tilespmem:s15+$0x1D0]  }
0x12c: {  	v14 =	vld [tilespmem:s15+$0x1E0]  }
0x12d: {  	v43 =	vld [tilespmem:s15+$0x100]  }
0x12e: {  	v44 =	vld [tilespmem:s15+$0x110]  }
0x12f: {  	v45 =	vld [tilespmem:s15+$0x120]  }
0x130: {  	v46 =	vld [tilespmem:s15+$0x80]  }
0x131: {  	v47 =	vld [tilespmem:s15+$0x0]  }
0x132: {  	v48 =	vld [tilespmem:s15+$0x10]  }
0x133: {  	v49 =	vld [tilespmem:s15+$0x90]  }
0x134: {  	v50 =	vld [tilespmem:s15+$0x130]  }
0x135: {  	v51 =	vld [tilespmem:s15+$0x140]  }
0x136: {  	v52 =	vld [tilespmem:s15+$0xA0]  }
0x137: {  	v3 =	vmax.f32 v3, v47;
	v2 =	vmax.f32 v2, v48;
	v47 =	vld [tilespmem:s15+$0xB0]  }
0x138: {  	v3 =	vmax.f32 v3, v46;
	v48 =	vld [tilespmem:s15+$0x20];
	v2 =	vmax.f32 v2, v49  }
0x139: {  	v3 =	vmax.f32 v3, v43;
	v46 =	vld [tilespmem:s15+$0x30];
	v2 =	vmax.f32 v2, v44  }
0x13a: {  	v3 =	vmax.f32 v3, v38;
	v43 =	vld [tilespmem:s15+$0x40];
	v2 =	vmax.f32 v2, v39  }
0x13b: {  	v3 =	vmax.f32 v3, v33;
	v38 =	vld [tilespmem:s15+$0xC0];
	v2 =	vmax.f32 v2, v34  }
0x13c: {  	v3 =	vmax.f32 v3, v28;
	v33 =	vld [tilespmem:s15+$0x150];
	v2 =	vmax.f32 v2, v29  }
0x13d: {  	v3 =	vmax.f32 v3, v26;
	v28 =	vld [tilespmem:s15+$0x160];
	v2 =	vmax.f32 v2, v27  }
0x13e: {  	v3 =	vmax.f32 v3, v24;
	v26 =	vld [tilespmem:s15+$0xD0];
	v2 =	vmax.f32 v2, v25  }
0x13f: {  	v6 =	vmax.f32 v6, v48;
	v5 =	vmax.f32 v5, v46;
	v4 =	vmax.f32 v4, v43;
	v24 =	vld [tilespmem:s15+$0xE0]  }
0x140: {  	v6 =	vmax.f32 v6, v52;
	v5 =	vmax.f32 v5, v47;
	v27 =	vld [tilespmem:s15+$0x50];
	v4 =	vmax.f32 v4, v38  }
0x141: {  	v6 =	vmax.f32 v6, v45;
	v5 =	vmax.f32 v5, v50;
	v29 =	vld [tilespmem:s15+$0x60];
	v4 =	vmax.f32 v4, v51  }
0x142: {  	s12 =	sadd.s32 $0x8, s12;
	v6 =	vmax.f32 v6, v40;
	v5 =	vmax.f32 v5, v41;
	v34 =	vld [tilespmem:s15+$0x70];
	v4 =	vmax.f32 v4, v42  }
0x143: {  	p1 =	slt.u32 s12, $0xC0;
	v6 =	vmax.f32 v6, v35;
	v5 =	vmax.f32 v5, v36;
	v38 =	vld [tilespmem:s15+$0xF0];
	v4 =	vmax.f32 v4, v37  }
0x144: {  	v6 =	vmax.f32 v6, v30;
	v5 =	vmax.f32 v5, v31;
	v35 =	vld [tilespmem:s15+$0x170];
	v4 =	vmax.f32 v4, v32  }
.Ltmp6:
0x145: {  	v6 =	vmax.f32 v6, v21;
	v5 =	vmax.f32 v5, v22;
	v25 =	vld [tilespmem:s15+$0x1F0];
	v4 =	vmax.f32 v4, v23;
	(pc) =	sbr.rel @p1 .LBB2_9-.Ltmp6, $4  }
0x146: {  	v6 =	vmax.f32 v6, v15;
	v5 =	vmax.f32 v5, v16;
	v21 =	vld [tilespmem:s15+$0x270];
	v4 =	vmax.f32 v4, v20  }
0x147: {  	v15 =	vmax.f32 v17, v27;
	v17 =	vmax.f32 v18, v29;
	v18 =	vmax.f32 v19, v34;
	v16 =	vld [tilespmem:s15+$0x2F0]  }
0x148: {  	v15 =	vmax.f32 v15, v26;
	v19 =	vmax.f32 v17, v24;
	v22 =	vmax.f32 v18, v38;
	v17 =	vld [tilespmem:s15+$0x370]  }
0x149: {  	v20 =	vmax.f32 v15, v33;
	v18 =	vmax.f32 v19, v28;
	v15 =	vmax.f32 v22, v35;
	v19 =	vld [tilespmem:s15+$0x3F0];
	s15 =	sadd.s32 $0x400, s15  }
0x14a: {  	s12 =	sshll.u32 s1, $0x8  }
0x14b: {  	s12 =	sand.u32 $0x3FFFFF00, s12  }
0x14c: {  	v13 =	vmax.f32 v20, v13;
	[tilespmem:s12+$0x1B000] =	vst v3  }
0x14d: {  	v12 =	vmax.f32 v13, v12;
	v3 =	vmax.f32 v18, v14;
	[tilespmem:s12+$0x1B010] =	vst v2  }
0x14e: {  	v2 =	vmax.f32 v15, v25;
	v10 =	vmax.f32 v12, v10;
	[tilespmem:s12+$0x1B020] =	vst v6;
	v3 =	vmax.f32 v3, v11  }
0x14f: {  	[tilespmem:s12+$0x1B030] =	vst v5;
	v2 =	vmax.f32 v2, v21;
	v6 =	vmax.f32 v10, v8;
	v3 =	vmax.f32 v3, v9  }
0x150: {  	[tilespmem:s12+$0x1B040] =	vst v4;
	v2 =	vmax.f32 v2, v16;
	v1 =	vmax.f32 v6, v1;
	v3 =	vmax.f32 v3, v7  }
0x151: {  	s14 =	sshll.u32 @!p0 s14, $0x8;
	v2 =	vmax.f32 v2, v17;
	[tilespmem:s12+$0x1B050] =	vst v1;
	v0 =	vmax.f32 v3, v0  }
0x152: {  	s14 =	sand.u32 @!p0 $0x7FFF9C00, s14;
	v1 =	vmax.f32 v2, v19;
	[tilespmem:s12+$0x1B060] =	vst v0  }
0x153: {  	s16 =	simm.s32 @!p0 $0x64;
	s17 =	simm.s32 @!p0 $0x8400;
	s15 =	sor.u32 @!p0 $0x100, s14;
	[tilespmem:s12+$0x1B070] =	vst v1  }
0x154: {  	[tilespmem:s17], [sflag:$0x2] =	stream.indirect.gather @!p0 [hbm4b:s2+s16], $0x80, s15, s16, $0xb8;
	[tilespmem:$0x1C000] =	vst v63  }
0x155: {  	s14 =	sor.u32 @!p0 $0x180, s14;
	s15 =	simm.s32 @!p0 $0xB600  }
0x156: {  	[tilespmem:s15], [sflag:$0x2] =	stream.indirect.gather @!p0 [hbm4b:s2+s16], $0x80, s14, s16, $0xb8;
	[tilespmem:$0x1C000] =	vst v63  }
0x157: {  	_ =	swait.ge [sflag:s29], $0x6400  }
0x158: {  	[sflag:s29] =	ssyncset.done $0x0  }
0x159: {  	s17 =	simm.s32 $0xE800;
	[sflag:s29] =	ssyncadd.s32 $0xFFFF9C00  }
0x15a: {  	v4 =	vld [tilespmem:s17+$0x380]  }
0x15b: {  	v5 =	vld [tilespmem:s17+$0x390]  }
0x15c: {  	v8 =	vld [tilespmem:s17+$0x3A0]  }
0x15d: {  	v9 =	vld [tilespmem:s17+$0x3B0]  }
0x15e: {  	v14 =	vld [tilespmem:s17+$0x3C0]  }
0x15f: {  	v1 =	vld [tilespmem:s17+$0x3D0]  }
0x160: {  	v0 =	vld [tilespmem:s17+$0x3E0]  }
0x161: {  	v12 =	vld [tilespmem:s17+$0x300]  }
0x162: {  	v13 =	vld [tilespmem:s17+$0x310]  }
0x163: {  	v15 =	vld [tilespmem:s17+$0x320]  }
0x164: {  	v16 =	vld [tilespmem:s17+$0x330]  }
0x165: {  	v17 =	vld [tilespmem:s17+$0x340]  }
0x166: {  	v3 =	vld [tilespmem:s17+$0x350]  }
0x167: {  	v2 =	vld [tilespmem:s17+$0x360]  }
0x168: {  	v18 =	vld [tilespmem:s17+$0x280]  }
0x169: {  	v21 =	vld [tilespmem:s17+$0x290]  }
0x16a: {  	v22 =	vld [tilespmem:s17+$0x2A0]  }
0x16b: {  	v23 =	vld [tilespmem:s17+$0x2B0]  }
0x16c: {  	v24 =	vld [tilespmem:s17+$0x2C0]  }
0x16d: {  	v6 =	vld [tilespmem:s17+$0x2D0]  }
0x16e: {  	v7 =	vld [tilespmem:s17+$0x2E0]  }
0x16f: {  	v25 =	vld [tilespmem:s17+$0x200]  }
0x170: {  	v26 =	vld [tilespmem:s17+$0x210]  }
0x171: {  	v27 =	vld [tilespmem:s17+$0x220]  }
0x172: {  	v28 =	vld [tilespmem:s17+$0x230]  }
0x173: {  	v29 =	vld [tilespmem:s17+$0x240]  }
0x174: {  	v10 =	vld [tilespmem:s17+$0x250]  }
0x175: {  	v11 =	vld [tilespmem:s17+$0x260]  }
0x176: {  	v30 =	vld [tilespmem:s17+$0x180]  }
0x177: {  	v31 =	vld [tilespmem:s17+$0x190]  }
0x178: {  	v32 =	vld [tilespmem:s17+$0x1A0]  }
0x179: {  	v33 =	vld [tilespmem:s17+$0x1B0]  }
0x17a: {  	v34 =	vld [tilespmem:s17+$0x1C0]  }
0x17b: {  	v19 =	vld [tilespmem:s17+$0x1D0]  }
0x17c: {  	v20 =	vld [tilespmem:s17+$0x1E0]  }
0x17d: {  	v35 =	vld [tilespmem:s17+$0x100]  }
0x17e: {  	v36 =	vld [tilespmem:s17+$0x110]  }
0x17f: {  	v37 =	vld [tilespmem:s17+$0x120]  }
0x180: {  	v38 =	vld [tilespmem:s17+$0x80]  }
0x181: {  	v39 =	vld [tilespmem:s17+$0x0]  }
0x182: {  	v40 =	vld [tilespmem:s17+$0x10]  }
0x183: {  	v41 =	vld [tilespmem:s17+$0x90]  }
0x184: {  	v42 =	vld [tilespmem:s17+$0x130]  }
0x185: {  	v43 =	vld [tilespmem:s17+$0x140]  }
0x186: {  	v44 =	vimm.f32 $-Inf;
	v45 =	vld [tilespmem:s17+$0xA0]  }
0x187: {  	v46 =	vld [tilespmem:s17+$0xB0];
	v39 =	vmax.f32 v44, v39  }
0x188: {  	v47 =	vld [tilespmem:s17+$0x20];
	v40 =	vmax.f32 v44, v40;
	v38 =	vmax.f32 v39, v38  }
0x189: {  	v57 =	vld [tilespmem:s17+$0x40];
	v55 =	vmax.f32 v40, v41;
	v35 =	vmax.f32 v38, v35  }
0x18a: {  	v56 =	vld [tilespmem:s17+$0x30];
	v36 =	vmax.f32 v55, v36;
	v30 =	vmax.f32 v35, v30  }
0x18b: {  	v58 =	vld [tilespmem:s17+$0xC0];
	v31 =	vmax.f32 v36, v31;
	v25 =	vmax.f32 v30, v25  }
0x18c: {  	v59 =	vld [tilespmem:s17+$0x50];
	v26 =	vmax.f32 v31, v26;
	v18 =	vmax.f32 v25, v18  }
0x18d: {  	v60 =	vld [tilespmem:s17+$0x60];
	v21 =	vmax.f32 v26, v21;
	v12 =	vmax.f32 v18, v12  }
0x18e: {  	v61 =	vld [tilespmem:s17+$0x70];
	v13 =	vmax.f32 v21, v13;
	v21 =	vmax.f32 v44, v57;
	v12 =	vmax.f32 v12, v4  }
0x18f: {  	v62 =	vld [tilespmem:s17+$0xF0];
	v13 =	vmax.f32 v13, v5;
	v4 =	vmax.f32 v44, v47;
	v5 =	vmax.f32 v44, v56  }
0x190: {  	v63 =	vld [tilespmem:s17+$0x170];
	v21 =	vmax.f32 v21, v58;
	v4 =	vmax.f32 v4, v45;
	v5 =	vmax.f32 v5, v46  }
0x191: {  	v30 =	vld [tilespmem:s17+$0x150];
	v21 =	vmax.f32 v21, v43;
	v4 =	vmax.f32 v4, v37;
	v5 =	vmax.f32 v5, v42  }
0x192: {  	v31 =	vld [tilespmem:s17+$0xE0];
	v21 =	vmax.f32 v21, v34;
	v4 =	vmax.f32 v4, v32;
	v5 =	vmax.f32 v5, v33  }
0x193: {  	v18 =	vld [tilespmem:s17+$0xD0];
	v21 =	vmax.f32 v21, v29;
	v4 =	vmax.f32 v4, v27;
	v5 =	vmax.f32 v5, v28  }
0x194: {  	v26 =	vld [tilespmem:s17+$0x160];
	v21 =	vmax.f32 v21, v24;
	v4 =	vmax.f32 v4, v22;
	v5 =	vmax.f32 v5, v23  }
0x195: {  	v25 =	vld [tilespmem:s17+$0x1F0];
	v17 =	vmax.f32 v21, v17;
	v4 =	vmax.f32 v4, v15;
	v5 =	vmax.f32 v5, v16  }
0x196: {  	v28 =	vld [tilespmem:s17+$0x270];
	v17 =	vmax.f32 v17, v14;
	v15 =	vmax.f32 v4, v8;
	v16 =	vmax.f32 v5, v9  }
0x197: {  	v29 =	vld [tilespmem:s17+$0x2F0];
	v4 =	vmax.f32 v44, v59;
	v5 =	vmax.f32 v44, v60;
	v8 =	vmax.f32 v44, v61  }
0x198: {  	v27 =	vld [tilespmem:s17+$0x370];
	v4 =	vmax.f32 v4, v18;
	v5 =	vmax.f32 v5, v31;
	v8 =	vmax.f32 v8, v62  }
0x199: {  	s14 =	simm.s32 $0x0;
	s15 =	simm.s32 $0xEC00;
	v32 =	vmax.f32 v4, v30;
	v30 =	vmax.f32 v5, v26;
	v31 =	vmax.f32 v8, v63;
	v26 =	vld [tilespmem:s17+$0x3F0]  }
.LBB2_11:
0x19a: {  	v24 =	vld [tilespmem:s15+$0x380];
	v4 =	vmax.f32 v32, v19;
	v5 =	vmax.f32 v30, v20;
	v8 =	vmax.f32 v31, v25  }
0x19b: {  	v25 =	vld [tilespmem:s15+$0x390];
	v9 =	vmax.f32 v4, v10;
	v5 =	vmax.f32 v5, v11;
	v8 =	vmax.f32 v8, v28  }
0x19c: {  	v4 =	vld [tilespmem:s15+$0x3A0];
	v6 =	vmax.f32 v9, v6;
	v7 =	vmax.f32 v5, v7;
	v8 =	vmax.f32 v8, v29  }
0x19d: {  	v5 =	vld [tilespmem:s15+$0x3B0];
	v3 =	vmax.f32 v6, v3;
	v2 =	vmax.f32 v7, v2;
	v6 =	vmax.f32 v8, v27  }
0x19e: {  	v18 =	vld [tilespmem:s15+$0x3C0];
	v8 =	vmax.f32 v3, v1;
	v9 =	vmax.f32 v2, v0;
	v14 =	vmax.f32 v6, v26  }
0x19f: {  	v1 =	vld [tilespmem:s15+$0x3D0]  }
0x1a0: {  	v0 =	vld [tilespmem:s15+$0x3E0]  }
0x1a1: {  	v26 =	vld [tilespmem:s15+$0x300]  }
0x1a2: {  	v27 =	vld [tilespmem:s15+$0x310]  }
0x1a3: {  	v21 =	vld [tilespmem:s15+$0x320]  }
0x1a4: {  	v22 =	vld [tilespmem:s15+$0x330]  }
0x1a5: {  	v23 =	vld [tilespmem:s15+$0x340]  }
0x1a6: {  	v3 =	vld [tilespmem:s15+$0x350]  }
0x1a7: {  	v2 =	vld [tilespmem:s15+$0x360]  }
0x1a8: {  	v28 =	vld [tilespmem:s15+$0x280]  }
0x1a9: {  	v29 =	vld [tilespmem:s15+$0x290]  }
0x1aa: {  	v30 =	vld [tilespmem:s15+$0x2A0]  }
0x1ab: {  	v31 =	vld [tilespmem:s15+$0x2B0]  }
0x1ac: {  	v32 =	vld [tilespmem:s15+$0x2C0]  }
0x1ad: {  	v6 =	vld [tilespmem:s15+$0x2D0]  }
0x1ae: {  	v7 =	vld [tilespmem:s15+$0x2E0]  }
0x1af: {  	v33 =	vld [tilespmem:s15+$0x200]  }
0x1b0: {  	v34 =	vld [tilespmem:s15+$0x210]  }
0x1b1: {  	v35 =	vld [tilespmem:s15+$0x220]  }
0x1b2: {  	v36 =	vld [tilespmem:s15+$0x230]  }
0x1b3: {  	v37 =	vld [tilespmem:s15+$0x240]  }
0x1b4: {  	v10 =	vld [tilespmem:s15+$0x250]  }
0x1b5: {  	v11 =	vld [tilespmem:s15+$0x260]  }
0x1b6: {  	v38 =	vld [tilespmem:s15+$0x180]  }
0x1b7: {  	v39 =	vld [tilespmem:s15+$0x190]  }
0x1b8: {  	v40 =	vld [tilespmem:s15+$0x1A0]  }
0x1b9: {  	v41 =	vld [tilespmem:s15+$0x1B0]  }
0x1ba: {  	v42 =	vld [tilespmem:s15+$0x1C0]  }
0x1bb: {  	v19 =	vld [tilespmem:s15+$0x1D0]  }
0x1bc: {  	v20 =	vld [tilespmem:s15+$0x1E0]  }
0x1bd: {  	v43 =	vld [tilespmem:s15+$0x100]  }
0x1be: {  	v44 =	vld [tilespmem:s15+$0x110]  }
0x1bf: {  	v45 =	vld [tilespmem:s15+$0x120]  }
0x1c0: {  	v46 =	vld [tilespmem:s15+$0x80]  }
0x1c1: {  	v47 =	vld [tilespmem:s15+$0x0]  }
0x1c2: {  	v48 =	vld [tilespmem:s15+$0x10]  }
0x1c3: {  	v49 =	vld [tilespmem:s15+$0x90]  }
0x1c4: {  	v50 =	vld [tilespmem:s15+$0x130]  }
0x1c5: {  	v51 =	vld [tilespmem:s15+$0x140]  }
0x1c6: {  	v52 =	vld [tilespmem:s15+$0xA0]  }
0x1c7: {  	v12 =	vmax.f32 v12, v47;
	v13 =	vmax.f32 v13, v48;
	v47 =	vld [tilespmem:s15+$0xB0]  }
0x1c8: {  	v12 =	vmax.f32 v12, v46;
	v48 =	vld [tilespmem:s15+$0x20];
	v13 =	vmax.f32 v13, v49  }
0x1c9: {  	v12 =	vmax.f32 v12, v43;
	v46 =	vld [tilespmem:s15+$0x30];
	v13 =	vmax.f32 v13, v44  }
0x1ca: {  	v12 =	vmax.f32 v12, v38;
	v43 =	vld [tilespmem:s15+$0x40];
	v13 =	vmax.f32 v13, v39  }
0x1cb: {  	v12 =	vmax.f32 v12, v33;
	v38 =	vld [tilespmem:s15+$0xC0];
	v13 =	vmax.f32 v13, v34  }
0x1cc: {  	v12 =	vmax.f32 v12, v28;
	v33 =	vld [tilespmem:s15+$0x150];
	v13 =	vmax.f32 v13, v29  }
0x1cd: {  	v12 =	vmax.f32 v12, v26;
	v34 =	vld [tilespmem:s15+$0x160];
	v13 =	vmax.f32 v13, v27  }
0x1ce: {  	v12 =	vmax.f32 v12, v24;
	v26 =	vld [tilespmem:s15+$0xD0];
	v13 =	vmax.f32 v13, v25  }
0x1cf: {  	v15 =	vmax.f32 v15, v48;
	v16 =	vmax.f32 v16, v46;
	v17 =	vmax.f32 v17, v43;
	v24 =	vld [tilespmem:s15+$0xE0]  }
0x1d0: {  	v15 =	vmax.f32 v15, v52;
	v16 =	vmax.f32 v16, v47;
	v27 =	vld [tilespmem:s15+$0x50];
	v17 =	vmax.f32 v17, v38  }
0x1d1: {  	v15 =	vmax.f32 v15, v45;
	v16 =	vmax.f32 v16, v50;
	v29 =	vld [tilespmem:s15+$0x60];
	v17 =	vmax.f32 v17, v51  }
0x1d2: {  	s14 =	sadd.s32 $0x8, s14;
	v15 =	vmax.f32 v15, v40;
	v16 =	vmax.f32 v16, v41;
	v38 =	vld [tilespmem:s15+$0x70];
	v17 =	vmax.f32 v17, v42  }
0x1d3: {  	p1 =	slt.u32 s14, $0xC0;
	v15 =	vmax.f32 v15, v35;
	v16 =	vmax.f32 v16, v36;
	v39 =	vld [tilespmem:s15+$0xF0];
	v17 =	vmax.f32 v17, v37  }
0x1d4: {  	v15 =	vmax.f32 v15, v30;
	v16 =	vmax.f32 v16, v31;
	v35 =	vld [tilespmem:s15+$0x170];
	v17 =	vmax.f32 v17, v32  }
.Ltmp7:
0x1d5: {  	v15 =	vmax.f32 v15, v21;
	v16 =	vmax.f32 v16, v22;
	v25 =	vld [tilespmem:s15+$0x1F0];
	v17 =	vmax.f32 v17, v23;
	(pc) =	sbr.rel @p1 .LBB2_11-.Ltmp7, $4  }
0x1d6: {  	v15 =	vmax.f32 v15, v4;
	v16 =	vmax.f32 v16, v5;
	v28 =	vld [tilespmem:s15+$0x270];
	v17 =	vmax.f32 v17, v18  }
0x1d7: {  	v4 =	vmax.f32 v8, v27;
	v5 =	vmax.f32 v9, v29;
	v8 =	vmax.f32 v14, v38;
	v29 =	vld [tilespmem:s15+$0x2F0]  }
0x1d8: {  	v4 =	vmax.f32 v4, v26;
	v5 =	vmax.f32 v5, v24;
	v8 =	vmax.f32 v8, v39;
	v27 =	vld [tilespmem:s15+$0x370]  }
0x1d9: {  	v32 =	vmax.f32 v4, v33;
	v30 =	vmax.f32 v5, v34;
	v31 =	vmax.f32 v8, v35;
	v26 =	vld [tilespmem:s15+$0x3F0];
	s15 =	sadd.s32 $0x400, s15  }
0x1da: {  	s9 =	sadd.s32 $0x6, s9  }
0x1db: {  	s14 =	sshll.u32 @!p0 s9, $0x8  }
0x1dc: {  	s15 =	simm.s32 @!p0 $0x64;
	s16 =	simm.s32 @!p0 $0xE800;
	s14 =	sand.u32 @!p0 $0x7FFF9E00, s14  }
0x1dd: {  	[tilespmem:s16], [sflag:$0x3] =	stream.indirect.gather @!p0 [hbm4b:s2+s15], $0x80, s14, s15, $0xb8;
	[tilespmem:$0x1C000] =	vst v63  }
0x1de: {  	s14 =	sor.u32 @!p0 $0x80, s14;
	s16 =	simm.s32 @!p0 $0x11A00  }
0x1df: {  	[tilespmem:s16], [sflag:$0x3] =	stream.indirect.gather @!p0 [hbm4b:s2+s15], $0x80, s14, s15, $0xb8;
	[tilespmem:$0x1C000] =	vst v63  }
0x1e0: {  	_ =	swait.ge [sflag:s30], $0x6400  }
0x1e1: {  	[sflag:s30] =	ssyncset.done $0x0  }
0x1e2: {  	s17 =	simm.s32 $0x14C00;
	[sflag:s30] =	ssyncadd.s32 $0xFFFF9C00  }
0x1e3: {  	v35 =	vld [tilespmem:s17+$0x380]  }
0x1e4: {  	v34 =	vld [tilespmem:s17+$0x390]  }
0x1e5: {  	v4 =	vld [tilespmem:s17+$0x3A0]  }
0x1e6: {  	v36 =	vld [tilespmem:s17+$0x3B0]  }
0x1e7: {  	v37 =	vld [tilespmem:s17+$0x3C0]  }
0x1e8: {  	v5 =	vld [tilespmem:s17+$0x3D0]  }
0x1e9: {  	v38 =	vld [tilespmem:s17+$0x300]  }
0x1ea: {  	v39 =	vld [tilespmem:s17+$0x310]  }
0x1eb: {  	v40 =	vld [tilespmem:s17+$0x320]  }
0x1ec: {  	v41 =	vld [tilespmem:s17+$0x330]  }
0x1ed: {  	v42 =	vld [tilespmem:s17+$0x340]  }
0x1ee: {  	v9 =	vld [tilespmem:s17+$0x350]  }
0x1ef: {  	v8 =	vld [tilespmem:s17+$0x360]  }
0x1f0: {  	v43 =	vld [tilespmem:s17+$0x280]  }
0x1f1: {  	v44 =	vld [tilespmem:s17+$0x290]  }
0x1f2: {  	v45 =	vld [tilespmem:s17+$0x2A0]  }
0x1f3: {  	v46 =	vld [tilespmem:s17+$0x2B0]  }
0x1f4: {  	v47 =	vld [tilespmem:s17+$0x2C0]  }
0x1f5: {  	v18 =	vld [tilespmem:s17+$0x2D0]  }
0x1f6: {  	v14 =	vld [tilespmem:s17+$0x2E0]  }
0x1f7: {  	v48 =	vld [tilespmem:s17+$0x200]  }
0x1f8: {  	v49 =	vld [tilespmem:s17+$0x210]  }
0x1f9: {  	v50 =	vld [tilespmem:s17+$0x220]  }
0x1fa: {  	v51 =	vld [tilespmem:s17+$0x230]  }
0x1fb: {  	v52 =	vld [tilespmem:s17+$0x240]  }
0x1fc: {  	v22 =	vld [tilespmem:s17+$0x250]  }
0x1fd: {  	v21 =	vld [tilespmem:s17+$0x260]  }
0x1fe: {  	v53 =	vld [tilespmem:s17+$0x180]  }
0x1ff: {  	v54 =	vld [tilespmem:s17+$0x190]  }
0x200: {  	v55 =	vld [tilespmem:s17+$0x1A0]  }
0x201: {  	v56 =	vld [tilespmem:s17+$0x1B0]  }
0x202: {  	v57 =	vld [tilespmem:s17+$0x1C0]  }
0x203: {  	v23 =	vld [tilespmem:s17+$0x1D0]  }
0x204: {  	v24 =	vld [tilespmem:s17+$0x1E0]  }
0x205: {  	v58 =	vld [tilespmem:s17+$0x100]  }
0x206: {  	v59 =	vld [tilespmem:s17+$0x110]  }
0x207: {  	v60 =	vld [tilespmem:s17+$0x120]  }
0x208: {  	v61 =	vld [tilespmem:s17+$0x80]  }
0x209: {  	v62 =	vld [tilespmem:s17+$0x0]  }
0x20a: {  	v63 =	vld [tilespmem:s17+$0x10]  }
0x20b: {  	v33 =	vld [tilespmem:s17+$0x90]  }
0x20c: {  	v19 =	vmax.f32 v32, v19;
	v32 =	vld [tilespmem:s17+$0x130]  }
0x20d: {  	v20 =	vmax.f32 v30, v20;
	v25 =	vmax.f32 v31, v25;
	v10 =	vmax.f32 v19, v10;
	v19 =	vld [tilespmem:s17+$0x140]  }
0x20e: {  	v11 =	vmax.f32 v20, v11;
	v20 =	vmax.f32 v25, v28;
	v6 =	vmax.f32 v10, v6;
	v10 =	vld [tilespmem:s17+$0xA0]  }
0x20f: {  	v7 =	vmax.f32 v11, v7;
	v20 =	vmax.f32 v20, v29;
	v25 =	vld [tilespmem:s17+$0x20]  }
0x210: {  	v20 =	vmax.f32 v20, v27;
	v27 =	vld [tilespmem:s17+$0xC0];
	v11 =	vmax.f32 v12, v62;
	v12 =	vmax.f32 v13, v63  }
0x211: {  	v20 =	vmax.f32 v20, v26;
	v26 =	vld [tilespmem:s17+$0xD0];
	v11 =	vmax.f32 v11, v61;
	v12 =	vmax.f32 v12, v33  }
0x212: {  	v3 =	vmax.f32 v6, v3;
	v6 =	vmax.f32 v11, v58;
	v11 =	vmax.f32 v12, v59;
	v12 =	vld [tilespmem:s17+$0x30]  }
0x213: {  	v2 =	vmax.f32 v7, v2;
	v7 =	vmax.f32 v11, v54;
	v11 =	vld [tilespmem:s17+$0x40]  }
0x214: {  	[tilespmem:$0x1FFF0] =	vst v4;
	v4 =	vld [tilespmem:s17+$0x3E0];
	v6 =	vmax.f32 v6, v53  }
0x215: {  	v13 =	vld [tilespmem:s17+$0xB0];
	v6 =	vmax.f32 v6, v48;
	v7 =	vmax.f32 v7, v49  }
0x216: {  	v62 =	vld [tilespmem:s17+$0x150];
	v61 =	vmax.f32 v3, v1;
	v1 =	vmax.f32 v6, v43;
	v3 =	vmax.f32 v7, v44  }
0x217: {  	v63 =	vld [tilespmem:s17+$0x160];
	v7 =	vmax.f32 v2, v0;
	v0 =	vmax.f32 v1, v38;
	v2 =	vmax.f32 v3, v39  }
0x218: {  	v1 =	vmax.f32 v0, v35;
	v3 =	vmax.f32 v16, v12;
	v12 =	vld [tilespmem:s17+$0x50];
	v6 =	vmax.f32 v17, v11  }
0x219: {  	v0 =	vmax.f32 v2, v34;
	v2 =	vmax.f32 v15, v25;
	v15 =	vld [tilespmem:s17+$0xF0];
	v6 =	vmax.f32 v6, v27  }
0x21a: {  	v2 =	vmax.f32 v2, v10;
	v10 =	vld [tilespmem:s17+$0x60];
	v6 =	vmax.f32 v6, v19  }
0x21b: {  	v3 =	vmax.f32 v3, v13;
	v13 =	vld [tilespmem:s17+$0x70];
	v2 =	vmax.f32 v2, v60;
	v6 =	vmax.f32 v6, v57  }
0x21c: {  	v11 =	vld [tilespmem:s17+$0xE0];
	v3 =	vmax.f32 v3, v32;
	v2 =	vmax.f32 v2, v55;
	v6 =	vmax.f32 v6, v52  }
0x21d: {  	v17 =	vld [tilespmem:s17+$0x170];
	v3 =	vmax.f32 v3, v56;
	v2 =	vmax.f32 v2, v50;
	v6 =	vmax.f32 v6, v47  }
0x21e: {  	v3 =	vmax.f32 v3, v51;
	v2 =	vmax.f32 v2, v45;
	v19 =	vmax.f32 v6, v42;
	v6 =	vld [tilespmem:$0x1FFF0]  }
0x21f: {  	v25 =	vld [tilespmem:s17+$0x1F0];
	v3 =	vmax.f32 v3, v46;
	v12 =	vmax.f32 v61, v12;
	v2 =	vmax.f32 v2, v40  }
0x220: {  	v16 =	vld [tilespmem:s17+$0x270];
	v3 =	vmax.f32 v3, v41;
	v7 =	vmax.f32 v7, v10;
	v13 =	vmax.f32 v20, v13  }
0x221: {  	v10 =	vld [tilespmem:s17+$0x2F0];
	v12 =	vmax.f32 v12, v26;
	v3 =	vmax.f32 v3, v36;
	v7 =	vmax.f32 v7, v11  }
0x222: {  	v13 =	vmax.f32 v13, v15;
	v11 =	vld [tilespmem:s17+$0x370];
	v15 =	vmax.f32 v12, v62;
	v12 =	vmax.f32 v7, v63  }
0x223: {  	s14 =	simm.s32 $0x0;
	s15 =	simm.s32 $0x15000;
	v7 =	vmax.f32 v13, v17;
	v13 =	vld [tilespmem:s17+$0x3F0];
	v6 =	vmax.f32 v2, v6;
	v2 =	vmax.f32 v19, v37  }
.LBB2_13:
0x224: {  	v20 =	vld [tilespmem:s15+$0x380];
	v15 =	vmax.f32 v15, v23;
	v12 =	vmax.f32 v12, v24;
	v7 =	vmax.f32 v7, v25  }
0x225: {  	v25 =	vld [tilespmem:s15+$0x390];
	v15 =	vmax.f32 v15, v22;
	v12 =	vmax.f32 v12, v21;
	v16 =	vmax.f32 v7, v16  }
0x226: {  	v7 =	vld [tilespmem:s15+$0x3A0];
	v15 =	vmax.f32 v15, v18;
	v12 =	vmax.f32 v12, v14;
	v14 =	vmax.f32 v16, v10  }
0x227: {  	v10 =	vld [tilespmem:s15+$0x3B0];
	v9 =	vmax.f32 v15, v9;
	v8 =	vmax.f32 v12, v8;
	v14 =	vmax.f32 v14, v11  }
0x228: {  	v15 =	vld [tilespmem:s15+$0x3C0];
	v11 =	vmax.f32 v9, v5;
	v12 =	vmax.f32 v8, v4;
	v13 =	vmax.f32 v14, v13  }
0x229: {  	v5 =	vld [tilespmem:s15+$0x3D0]  }
0x22a: {  	v4 =	vld [tilespmem:s15+$0x3E0]  }
0x22b: {  	v26 =	vld [tilespmem:s15+$0x300]  }
0x22c: {  	v27 =	vld [tilespmem:s15+$0x310]  }
0x22d: {  	v16 =	vld [tilespmem:s15+$0x320]  }
0x22e: {  	v17 =	vld [tilespmem:s15+$0x330]  }
0x22f: {  	v19 =	vld [tilespmem:s15+$0x340]  }
0x230: {  	v9 =	vld [tilespmem:s15+$0x350]  }
0x231: {  	v8 =	vld [tilespmem:s15+$0x360]  }
0x232: {  	v28 =	vld [tilespmem:s15+$0x280]  }
0x233: {  	v29 =	vld [tilespmem:s15+$0x290]  }
0x234: {  	v30 =	vld [tilespmem:s15+$0x2A0]  }
0x235: {  	v31 =	vld [tilespmem:s15+$0x2B0]  }
0x236: {  	v32 =	vld [tilespmem:s15+$0x2C0]  }
0x237: {  	v18 =	vld [tilespmem:s15+$0x2D0]  }
0x238: {  	v14 =	vld [tilespmem:s15+$0x2E0]  }
0x239: {  	v33 =	vld [tilespmem:s15+$0x200]  }
0x23a: {  	v34 =	vld [tilespmem:s15+$0x210]  }
0x23b: {  	v35 =	vld [tilespmem:s15+$0x220]  }
0x23c: {  	v36 =	vld [tilespmem:s15+$0x230]  }
0x23d: {  	v37 =	vld [tilespmem:s15+$0x240]  }
0x23e: {  	v22 =	vld [tilespmem:s15+$0x250]  }
0x23f: {  	v21 =	vld [tilespmem:s15+$0x260]  }
0x240: {  	v38 =	vld [tilespmem:s15+$0x180]  }
0x241: {  	v39 =	vld [tilespmem:s15+$0x190]  }
0x242: {  	v40 =	vld [tilespmem:s15+$0x1A0]  }
0x243: {  	v41 =	vld [tilespmem:s15+$0x1B0]  }
0x244: {  	v42 =	vld [tilespmem:s15+$0x1C0]  }
0x245: {  	v23 =	vld [tilespmem:s15+$0x1D0]  }
0x246: {  	v24 =	vld [tilespmem:s15+$0x1E0]  }
0x247: {  	v43 =	vld [tilespmem:s15+$0x100]  }
0x248: {  	v44 =	vld [tilespmem:s15+$0x110]  }
0x249: {  	v45 =	vld [tilespmem:s15+$0x120]  }
0x24a: {  	v46 =	vld [tilespmem:s15+$0x80]  }
0x24b: {  	v47 =	vld [tilespmem:s15+$0x0]  }
0x24c: {  	v48 =	vld [tilespmem:s15+$0x10]  }
0x24d: {  	v49 =	vld [tilespmem:s15+$0x90]  }
0x24e: {  	v50 =	vld [tilespmem:s15+$0x130]  }
0x24f: {  	v51 =	vld [tilespmem:s15+$0x140]  }
0x250: {  	v52 =	vld [tilespmem:s15+$0xA0]  }
0x251: {  	v1 =	vmax.f32 v1, v47;
	v0 =	vmax.f32 v0, v48;
	v47 =	vld [tilespmem:s15+$0xB0]  }
0x252: {  	v1 =	vmax.f32 v1, v46;
	v48 =	vld [tilespmem:s15+$0x20];
	v0 =	vmax.f32 v0, v49  }
0x253: {  	v1 =	vmax.f32 v1, v43;
	v46 =	vld [tilespmem:s15+$0x30];
	v0 =	vmax.f32 v0, v44  }
0x254: {  	v1 =	vmax.f32 v1, v38;
	v43 =	vld [tilespmem:s15+$0x40];
	v0 =	vmax.f32 v0, v39  }
0x255: {  	v1 =	vmax.f32 v1, v33;
	v38 =	vld [tilespmem:s15+$0xC0];
	v0 =	vmax.f32 v0, v34  }
0x256: {  	v1 =	vmax.f32 v1, v28;
	v33 =	vld [tilespmem:s15+$0x150];
	v0 =	vmax.f32 v0, v29  }
0x257: {  	v1 =	vmax.f32 v1, v26;
	v28 =	vld [tilespmem:s15+$0x160];
	v0 =	vmax.f32 v0, v27  }
0x258: {  	v1 =	vmax.f32 v1, v20;
	v26 =	vld [tilespmem:s15+$0xD0];
	v0 =	vmax.f32 v0, v25  }
0x259: {  	v6 =	vmax.f32 v6, v48;
	v3 =	vmax.f32 v3, v46;
	v2 =	vmax.f32 v2, v43;
	v20 =	vld [tilespmem:s15+$0xE0]  }
0x25a: {  	v6 =	vmax.f32 v6, v52;
	v3 =	vmax.f32 v3, v47;
	v27 =	vld [tilespmem:s15+$0x50];
	v2 =	vmax.f32 v2, v38  }
0x25b: {  	v6 =	vmax.f32 v6, v45;
	v3 =	vmax.f32 v3, v50;
	v29 =	vld [tilespmem:s15+$0x60];
	v2 =	vmax.f32 v2, v51  }
0x25c: {  	s14 =	sadd.s32 $0x8, s14;
	v6 =	vmax.f32 v6, v40;
	v3 =	vmax.f32 v3, v41;
	v34 =	vld [tilespmem:s15+$0x70];
	v2 =	vmax.f32 v2, v42  }
0x25d: {  	p1 =	slt.u32 s14, $0xC0;
	v6 =	vmax.f32 v6, v35;
	v3 =	vmax.f32 v3, v36;
	v38 =	vld [tilespmem:s15+$0xF0];
	v2 =	vmax.f32 v2, v37  }
0x25e: {  	v6 =	vmax.f32 v6, v30;
	v3 =	vmax.f32 v3, v31;
	v35 =	vld [tilespmem:s15+$0x170];
	v2 =	vmax.f32 v2, v32  }
.Ltmp8:
0x25f: {  	v6 =	vmax.f32 v6, v16;
	v3 =	vmax.f32 v3, v17;
	v25 =	vld [tilespmem:s15+$0x1F0];
	v2 =	vmax.f32 v2, v19;
	(pc) =	sbr.rel @p1 .LBB2_13-.Ltmp8, $4  }
0x260: {  	v6 =	vmax.f32 v6, v7;
	v3 =	vmax.f32 v3, v10;
	v16 =	vld [tilespmem:s15+$0x270];
	v2 =	vmax.f32 v2, v15  }
0x261: {  	v7 =	vmax.f32 v11, v27;
	v11 =	vmax.f32 v12, v29;
	v12 =	vmax.f32 v13, v34;
	v10 =	vld [tilespmem:s15+$0x2F0]  }
0x262: {  	v7 =	vmax.f32 v7, v26;
	v13 =	vmax.f32 v11, v20;
	v17 =	vmax.f32 v12, v38;
	v11 =	vld [tilespmem:s15+$0x370]  }
0x263: {  	v15 =	vmax.f32 v7, v33;
	v12 =	vmax.f32 v13, v28;
	v7 =	vmax.f32 v17, v35;
	v13 =	vld [tilespmem:s15+$0x3F0];
	s15 =	sadd.s32 $0x400, s15  }
0x264: {  	v15 =	vmax.f32 v15, v23;
	[tilespmem:s12+$0x1B080] =	vst v1  }
0x265: {  	v58 =	vmax.f32 v12, v24;
	[tilespmem:s12+$0x1B090] =	vst v0;
	v59 =	vmax.f32 v15, v22  }
0x266: {  	v60 =	vmax.f32 v7, v25;
	[tilespmem:s12+$0x1B0A0] =	vst v6;
	v1 =	vmax.f32 v58, v21;
	v61 =	vmax.f32 v59, v18  }
.Ltmp9:
0x267: {  	[tilespmem:s12+$0x1B0B0] =	vst v3;
	v0 =	vmax.f32 v60, v16;
	v1 =	vmax.f32 v1, v14;
	v62 =	vmax.f32 v61, v9;
	(pc) =	sbr.rel @p0 .LBB2_16-.Ltmp9, $4  }
0x268: {  	[tilespmem:s12+$0x1B0C0] =	vst v2;
	v0 =	vmax.f32 v0, v10;
	v1 =	vmax.f32 v1, v8;
	v63 =	vmax.f32 v62, v5  }
0x269: {  	v0 =	vmax.f32 v0, v11;
	v1 =	vmax.f32 v1, v4;
	[tilespmem:s12+$0x1B0D0] =	vst v63  }
0x26a: {  	v0 =	vmax.f32 v0, v13;
	[tilespmem:s12+$0x1B0E0] =	vst v1  }
0x26b: {  	[tilespmem:s12+$0x1B0F0] =	vst v0  }
0x26c: {  	s9 =	sshll.u32 s9, $0x8  }
.Ltmp10:
0x26d: {  	s9 =	sand.u32 $0x7FFF9E00, s9;
	(pc) =	sbr.rel .LBB2_2-.Ltmp10, $4  }
0x26e: {  	s12 =	sor.u32 $0x100, s9  }
0x26f: {  	[tilespmem:s23], [sflag:$0x4] =	stream.indirect.gather [hbm4b:s2+s10], $0x80, s12, s10, $0xb8;
	[tilespmem:$0x1C000] =	vst v63  }
0x270: {  	s1 =	sadd.s32 $0x1, s1;
	s9 =	sor.u32 $0x180, s9  }
0x271: {  	[tilespmem:s25], [sflag:$0x4] =	stream.indirect.gather [hbm4b:s2+s10], $0x80, s9, s10, $0xb8;
	[tilespmem:$0x1C000] =	vst v63  }
.LBB2_17:
0x272: {  	_ =	sfence.sel $0x180000  }
0x273: {  	[bflag:$0x0] =	sbarrier.arrive $0xFFFF  }
0x274: {  	_ =	strace $0x90000047  }
0x275: {  	s0 =	stileid.u32;
	[bflag:$0x2] =	sbarrier.arrive $0xFFFF  }
0x276: {  	p0 =	sne.s32 s0, $0x0;
	s0 =	rddreg [dreg:$0x2]  }
0x277: {  	s0 =	sadd.s32 @!p0 $0x100000, s0  }
0x278: {  	[sflag:s0] =	ssyncadd.tile.s32 @!p0 $0x1;
	_ =	shalt  }
.Lfunc_end2:
_tile_overlayer_lowered:
.L_overlay_start_2:
0x279: {  	(tag) =	ssettag $0x2  }
0x27a: {  	s0 =	rddreg [dreg:$0x0];
	s2 =	stileid.u32  }
0x27b: {  	s1 =	rddreg [dreg:$0x1];
	p0 =	sne.s32 s2, $0x0  }
0x27c: {  	s3 =	rddreg [dreg:$0x2];
	[bflag:$0x3] =	sbarrier.arrive $0xFFFF;
	s2 =	simm.s32 @!p0 $0x1C06  }
0x27d: {  	[timem:s3], [sflag:s2] =	dma.local @!p0 [hbm:s0], s1  }
0x27e: {  	s0 =	simm.s32 @!p0 $0x6  }
0x27f: {  	_ =	swait.ge @!p0 [sflag:s0], s1  }
0x280: {  	s1 =	ssub.s32 @!p0 $0x0, s1;
	[sflag:s0] =	ssyncset.done @!p0 $0x0  }
0x281: {  	[sflag:s0] =	ssyncadd.s32 @!p0 s1  }
0x282: {  	[bflag:$0x3] =	sbarrier.arrive $0xFFFF  }
0x283: {  	_ =	shalt  }

</sc_bundles>
